<compile_context>
chip_gen: v7x
topology: tpu7x:2x2x1
jax: 0.10.2.dev20260603
libtpu: 0.0.44.dev20260713+nightly
codegen_flags: <defaults>
</compile_context>

<pallas_src>
import functools

import jax
import jax.numpy as jnp
from jax import lax
from jax.experimental import pallas as pl
from jax.experimental.pallas import tpu as pltpu
from jax.experimental.pallas import tpu_sc as plsc

NUM_NODES = 10000
NODES_PAD = 10240
TIME_STEPS = 64
LATENT_DIM = 256
TEMPERATURE = 0.5
BATCH = 16

NODE_BLK = 5000
N_NODE_BLKS = NUM_NODES // NODE_BLK

NC1 = 64
NPC1 = NUM_NODES // NC1
NC2 = 8
NPC2 = 64 // NC2

HALF = NUM_NODES // 2
OUTER = 20
OROWS = 256
KSUB = OROWS // 64
LASTG = HALF - OROWS
ACC_UNITS = 2 * (BATCH * NC1) + 256


def _emb_var_body(x_ref, w_ref, b_ref, emb_ref, emb64_ref, var_ref):
    xb = x_ref[0]
    w = w_ref[...]
    emb = lax.dot_general(xb, w, (((1,), (1,)), ((), ())),
                          preferred_element_type=jnp.float32)
    emb = emb + b_ref[...]
    emb_ref[0] = emb
    emb64_ref[0] = emb[:, :TIME_STEPS]
    s = jnp.sum(emb, axis=1)
    ss = jnp.sum(emb * emb, axis=1)
    n = jnp.float32(LATENT_DIM)
    var_ref[0, 0, 0] = (ss - s * s / n) / (n - 1.0)


def _emb_and_var(x, W, b):
    B, N, T = x.shape
    L = W.shape[0]
    emb, emb64, var = pl.pallas_call(
        _emb_var_body,
        grid=(B, N_NODE_BLKS),
        in_specs=[
            pl.BlockSpec((1, NODE_BLK, T), lambda i, j: (i, j, 0)),
            pl.BlockSpec((L, T), lambda i, j: (0, 0)),
            pl.BlockSpec((1, L), lambda i, j: (0, 0)),
        ],
        out_specs=[
            pl.BlockSpec((1, NODE_BLK, L), lambda i, j: (i, j, 0)),
            pl.BlockSpec((1, NODE_BLK, TIME_STEPS), lambda i, j: (i, j, 0)),
            pl.BlockSpec((1, 1, 1, NODE_BLK), lambda i, j: (i, j, 0, 0)),
        ],
        out_shape=[
            jax.ShapeDtypeStruct((B, N, L), jnp.float32),
            jax.ShapeDtypeStruct((B, N, TIME_STEPS), jnp.float32),
            jax.ShapeDtypeStruct((B, N_NODE_BLKS, 1, NODE_BLK), jnp.float32),
        ],
        compiler_params=pltpu.CompilerParams(
            dimension_semantics=("parallel", "parallel")),
    )(x, W, b.reshape(1, L))
    return emb, emb64, var.reshape(B, N)


def _thresh_body(var_ref, ids_ref, cnt_ref):
    v = var_ref[0]
    bits = lax.bitcast_convert_type(v, jnp.int32)
    mono = jnp.where(bits < 0, bits ^ jnp.int32(0x7FFFFFFF), bits)
    key = jnp.maximum(mono, jnp.int32(-1)) + 1
    lane = lax.broadcasted_iota(jnp.int32, (1, NODES_PAD), 1)
    key = jnp.where(lane < NUM_NODES, key, 0)

    r = lax.broadcasted_iota(jnp.int32, (NC1, 1), 0) * NPC1
    rf = r.astype(jnp.float32)
    dcls = lax.broadcasted_iota(jnp.int32, (NC1, 1), 0)
    drow = lax.broadcasted_iota(jnp.int32, (NC1, NC1), 1)
    utri = (lax.broadcasted_iota(jnp.int32, (NC1, NC1), 0)
            >= drow).astype(jnp.float32)
    P = jnp.zeros((NC1, 1), jnp.int32)
    a = jnp.zeros((NC1, 1), jnp.float32)
    for s in (30, 24, 18, 12, 6, 0):
        pref = lax.shift_right_logical(key, min(s + 6, 31))
        cand = (pref == P).astype(jnp.float32)
        dig = lax.shift_right_logical(key, s) & 63
        donehot = (dig == dcls).astype(jnp.float32)
        c = lax.dot_general(cand, donehot, (((1,), (1,)), ((), ())),
                            preferred_element_type=jnp.float32)
        st = lax.dot_general(c, utri, (((1,), (0,)), ((), ())),
                             preferred_element_type=jnp.float32)
        t = a + st
        ok = (t >= rf).astype(jnp.int32)
        dstar = jnp.sum(ok, axis=1, keepdims=True) - 1
        sel = (drow == dstar).astype(jnp.float32)
        a = jnp.sum((t - c) * sel, axis=1, keepdims=True)
        P = P * 64 + dstar
    thr = jnp.where(r >= 1, P, jnp.int32(0x7FFFFFFF))

    in_top = (key >= thr).astype(jnp.int32)
    bucket = (NC1 - 1) - jnp.sum(in_top, axis=0, keepdims=True)

    cnt_top = jnp.sum(in_top[:, :NUM_NODES], axis=1, keepdims=True)
    nxt = jnp.concatenate(
        [cnt_top[1:], jnp.full((1, 1), NUM_NODES, jnp.int32)], axis=0)
    cnt_ref[0] = (nxt - cnt_top).astype(jnp.float32)

    bi = pl.program_id(0)
    units = jnp.repeat((bucket + NC1 * bi) * 2, 2, axis=1)
    off = lax.broadcasted_iota(jnp.int32, (1, 2 * OROWS), 1)
    units_par = off & 1
    dummy = 2 * BATCH * NC1 + ((off + 16 * bi) & 255)
    halves = []
    for ci in range(2):
        chunks = []
        for j in range(OUTER):
            g = min(j * OROWS, LASTG)
            st0 = 2 * (ci * HALF + g)
            sl = lax.slice(units, (0, st0), (1, st0 + 2 * OROWS)) + units_par
            if j == OUTER - 1:
                sl = jnp.where(off >= 2 * ((OUTER - 1) * OROWS - LASTG),
                               sl, dummy)
            chunks.append(sl.reshape(KSUB, 128))
        halves.append(jnp.stack(chunks))
    ids_ref[0] = jnp.stack(halves)


def _thresholds(var_pad):
    return pl.pallas_call(
        _thresh_body,
        grid=(BATCH,),
        in_specs=[pl.BlockSpec((1, 1, NODES_PAD), lambda i: (i, 0, 0))],
        out_specs=[
            pl.BlockSpec((1, 2, OUTER, KSUB, 128), lambda i: (i, 0, 0, 0, 0)),
            pl.BlockSpec((1, NC1, 1), lambda i: (i, 0, 0)),
        ],
        out_shape=[
            jax.ShapeDtypeStruct((BATCH, 2, OUTER, KSUB, 128), jnp.int32),
            jax.ShapeDtypeStruct((BATCH, NC1, 1), jnp.float32),
        ],
    )(var_pad)


def _sc_body(emb64, ids, zz, out, rowbuf,
             idb0, idb1, idb2, idb3, acc):
    ci = lax.axis_index("c")
    s = lax.axis_index("s")
    idbufs = (idb0, idb1, idb2, idb3)
    zrows = (ACC_UNITS // 2) // BATCH
    pltpu.sync_copy(zz, acc.at[pl.ds(s * zrows, zrows)])
    plsc.subcore_barrier()

    def chunk(j, carry):
        g = jnp.minimum(j * OROWS, LASTG)
        nb = ci * HALF + g
        pltpu.sync_copy(emb64.at[s, pl.ds(nb, OROWS)],
                        rowbuf.at[pl.ds(0, OROWS)])
        for k in range(KSUB):
            pltpu.sync_copy(ids.at[s, ci, j, k], idbufs[k])
        for k in range(KSUB):
            pltpu.sync_copy(rowbuf.at[pl.ds(k * 64, 128)],
                            acc.at[idbufs[k]], add=True)
        return carry

    lax.fori_loop(0, OUTER, chunk, 0)
    plsc.subcore_barrier()
    pltpu.sync_copy(acc.at[pl.ds(s * zrows, zrows)],
                    out.at[ci, pl.ds(s * zrows, zrows)])


def _sc_segment_sums(emb64, ids):
    zrows = (ACC_UNITS // 2) // BATCH
    mesh = plsc.VectorSubcoreMesh(core_axis_name="c", subcore_axis_name="s")
    fn = functools.partial(
        pl.kernel,
        out_type=jax.ShapeDtypeStruct(
            (2, ACC_UNITS // 2, TIME_STEPS), jnp.float32),
        mesh=mesh,
        scratch_types=(
            [pltpu.VMEM((OROWS + 64, TIME_STEPS), jnp.float32)]
            + [pltpu.VMEM((128,), jnp.int32) for _ in range(KSUB)]
            + [pltpu.VMEM_SHARED((ACC_UNITS // 2, TIME_STEPS), jnp.float32)]
        ),
    )(_sc_body)
    zz = jnp.zeros((zrows, TIME_STEPS), jnp.float32)
    return fn(emb64, ids, zz)


def _final_body(sums_ref, cnt_ref, loss_ref):
    arr = sums_ref[...]
    tot = arr[0, :BATCH * NC1] + arr[1, :BATCH * NC1]
    aggs = []
    for bi in range(BATCH):
        sb = tot[bi * NC1:(bi + 1) * NC1]
        cb = cnt_ref[bi]
        agg1 = sb / jnp.maximum(cb, 1.0)
        s2 = jnp.sum(agg1, axis=1, keepdims=True)
        ss2 = jnp.sum(agg1 * agg1, axis=1, keepdims=True)
        n2 = jnp.float32(TIME_STEPS)
        v2 = (ss2 - s2 * s2 / n2) / (n2 - 1.0)
        eye = (lax.broadcasted_iota(jnp.int32, (NC1, NC1), 0)
               == lax.broadcasted_iota(jnp.int32, (NC1, NC1), 1))
        v2r = jnp.sum(jnp.where(eye, v2, 0.0), axis=0, keepdims=True)
        irow = lax.broadcasted_iota(jnp.int32, (NC1, NC1), 0)
        jcol = lax.broadcasted_iota(jnp.int32, (NC1, NC1), 1)
        ahead = (v2 > v2r) | ((v2 == v2r) & (irow < jcol))
        rank2 = jnp.sum(ahead.astype(jnp.int32), axis=0, keepdims=True)
        bucket2 = rank2 // NPC2
        cls2 = lax.broadcasted_iota(jnp.int32, (NC2, 1), 0)
        onehot2 = (bucket2 == cls2).astype(jnp.float32)
        agg2 = lax.dot_general(onehot2, agg1, (((1,), (0,)), ((), ())),
                               preferred_element_type=jnp.float32)
        aggs.append(agg2 * jnp.float32(1.0 / NPC2))
    e = jnp.concatenate(aggs, axis=0)

    nsq = jnp.sum(e * e, axis=1, keepdims=True)
    n1 = jnp.sqrt(nsq)
    m = BATCH * NC2
    eyem = (lax.broadcasted_iota(jnp.int32, (m, m), 0)
            == lax.broadcasted_iota(jnp.int32, (m, m), 1))
    n1r = jnp.sum(jnp.where(eyem, n1, 0.0), axis=0, keepdims=True)
    dots = lax.dot_general(e, e, (((1,), (1,)), ((), ())),
                           preferred_element_type=jnp.float32)
    sim = dots / jnp.maximum(n1 * n1r, 1e-8)
    logits = sim * jnp.float32(1.0 / TEMPERATURE)
    lab = eyem.astype(jnp.float32)
    loss_mat = (jnp.maximum(logits, 0.0) - logits * lab
                + jnp.log1p(jnp.exp(-jnp.abs(logits))))
    totl = jnp.sum(jnp.sum(loss_mat, axis=1, keepdims=True),
                   axis=0, keepdims=True)
    loss_ref[...] = totl * jnp.float32(1.0 / (m * m))


def _final(sums, counts):
    out = pl.pallas_call(
        _final_body,
        out_shape=jax.ShapeDtypeStruct((1, 1), jnp.float32),
    )(sums, counts)
    return out.reshape(())


def kernel(x, W, b):
    emb, emb64, var1 = _emb_and_var(x, W, b)
    var_pad = jnp.pad(var1, ((0, 0), (0, NODES_PAD - NUM_NODES)),
                      constant_values=-1.0).reshape(BATCH, 1, NODES_PAD)
    ids, counts = _thresholds(var_pad)
    sums = _sc_segment_sums(emb64, ids)
    return (_final(sums, counts), emb)

# --- scband reference (transcript-rebuilt; emitter-appended) ---
"""Pipeline reference for scband-hierarchical-spatial-autoencoder-44659069943876 (READ-ONLY COPY).

The authoritative reference and input builder live on the scoring server;
editing this copy changes nothing except your own understanding.
"""

import jax, jax.numpy as jnp
import numpy as np

NUM_NODES = 10000
TIME_STEPS = 64
LATENT_DIM = 256
NUM_CLASSES = [64, 8]
TEMPERATURE = 0.5
BATCH = 16


def setup_inputs(seed: int = 0) -> dict:
    key = jax.random.key(seed)
    k1, k2, k3 = jax.random.split(key, 3)
    x = jax.random.normal(k1, (BATCH, NUM_NODES, TIME_STEPS), dtype=jnp.float32)
    lim = 1.0 / np.sqrt(TIME_STEPS)
    W = jax.random.uniform(k2, (LATENT_DIM, TIME_STEPS), minval=-lim, maxval=lim, dtype=jnp.float32)
    b = jax.random.uniform(k3, (LATENT_DIM,), minval=-lim, maxval=lim, dtype=jnp.float32)
    return {"x": x, "W": W, "b": b}


def _aggregate_nodes(x, level, node_bef):
    # x: [B, node_bef, D]; torch.var default is unbiased (ddof=1)
    variances = jnp.var(x, axis=2, ddof=1)
    # torch.argsort(..., descending=True)
    sorted_indices = jnp.argsort(-variances, axis=-1)
    nc = NUM_CLASSES[level]
    num_per_class = node_bef // nc
    outs = []
    for i in range(nc):
        start_idx = i * num_per_class
        end_idx = (i + 1) * num_per_class if i != nc - 1 else node_bef
        class_indices = sorted_indices[:, start_idx:end_idx]  # [B, k]
        # torch.gather(x, 1, idx.unsqueeze(-1).expand(-1,-1,TIME_STEPS)) picks
        # x[b, idx[b,j], t] for t < TIME_STEPS, i.e. gather on the first
        # TIME_STEPS columns of x
        gathered = jnp.take_along_axis(x[:, :, :TIME_STEPS], class_indices[:, :, None], axis=1)
        outs.append(jnp.mean(gathered, axis=1))
    return jnp.stack(outs, axis=1)  # [B, nc, TIME_STEPS]


def reference(x, W, b):
    # fc: Linear(time_steps -> latent_dim)
    emb = jnp.einsum('bnt,lt->bnl', x, W) + b  # [B, N, LATENT_DIM]
    aggregated_1 = _aggregate_nodes(emb, 0, NUM_NODES)      # [B, 64, TIME_STEPS]
    aggregated_2 = _aggregate_nodes(aggregated_1, 1, 64)    # [B, 8, TIME_STEPS]
    B, C, D = aggregated_2.shape
    embeddings = aggregated_2.reshape(B * C, D)
    # F.cosine_similarity(e.unsqueeze(1), e.unsqueeze(0), dim=-1), eps=1e-8
    norms = jnp.sqrt(jnp.sum(embeddings * embeddings, axis=-1))
    dots = embeddings @ embeddings.T
    sim = dots / jnp.maximum(norms[:, None] * norms[None, :], 1e-8)
    logits = sim / TEMPERATURE
    labels = jnp.eye(B * C, dtype=jnp.float32)
    # binary_cross_entropy_with_logits, mean reduction (numerically stable form)
    loss = jnp.mean(jnp.maximum(logits, 0.0) - logits * labels + jnp.log1p(jnp.exp(-jnp.abs(logits))))
    return (loss, emb)

if __name__ == "__main__":
    import jax
    _d = setup_inputs()
    print(jax.jit(kernel)(*tuple(_d.values())))

</pallas_src>

<mosaic_0001>
#map = affine_map<(d0, d1) -> (0, 0, 0)>
#map1 = affine_map<(d0, d1) -> (0, 0, 0, 0, 0)>
#map2 = affine_map<(d0, d1) -> (0, 0)>
module attributes {stable_mosaic.version = 14 : i64} {
  func.func @_sc_body(%arg0: i32, %arg1: i32, %arg2: memref<16x10000x64xf32, #tpu.memory_space<hbm>>, %arg3: memref<16x2x20x4x128xi32, #tpu.memory_space<hbm>>, %arg4: memref<72x64xf32, #tpu.memory_space<hbm>>, %arg5: memref<2x1152x64xf32, #tpu.memory_space<hbm>>, %arg6: memref<320x64xf32, #tpu.memory_space<vmem>>, %arg7: memref<128xi32, #tpu.memory_space<vmem>>, %arg8: memref<128xi32, #tpu.memory_space<vmem>>, %arg9: memref<128xi32, #tpu.memory_space<vmem>>, %arg10: memref<128xi32, #tpu.memory_space<vmem>>, %arg11: memref<1152x64xf32, #tpu.memory_space<vmem_shared>>) attributes {dimension_semantics = [#tpu.dimension_semantics<core_parallel>, #tpu.dimension_semantics<subcore_parallel>], iteration_bounds = array<i64: 2, 16>, scalar_prefetch = 0 : i64, scratch_operands = 6 : i64, tpu.core_type = #tpu.core_type<sc_vector_subcore>, window_params = [{transform_indices = #map}, {transform_indices = #map1}, {transform_indices = #map2}, {transform_indices = #map}]} {
    %mul3A = arith.constant 72 : i32
    %mul3A_0 = arith.muli %arg1, %mul3A : i32
    "tpu.region"() ({
      %run_scoped3A = tpu.sem_alloc : memref<!tpu.dma_semaphore, #tpu.memory_space<semaphore_mem>>
      %dma_start3A = arith.constant 0 : i32
      %dma_start3A_11 = tpu.memref_slice %arg11[%mul3A_0, %dma_start3A] : memref<1152x64xf32, #tpu.memory_space<vmem_shared>> -> memref<72x64xf32, #tpu.memory_space<vmem_shared>>
      tpu.enqueue_dma source(%arg4 : memref<72x64xf32, #tpu.memory_space<hbm>>) target(%dma_start3A_11 : memref<72x64xf32, #tpu.memory_space<vmem_shared>>) target_semaphore(%run_scoped3A : memref<!tpu.dma_semaphore, #tpu.memory_space<semaphore_mem>>)
      %dma_wait3A = arith.constant 0 : i32
      %dma_wait3A_12 = tpu.memref_slice %arg11[%mul3A_0, %dma_wait3A] : memref<1152x64xf32, #tpu.memory_space<vmem_shared>> -> memref<72x64xf32, #tpu.memory_space<vmem_shared>>
      tpu.wait_dma2 semaphore(%run_scoped3A : memref<!tpu.dma_semaphore, #tpu.memory_space<semaphore_mem>>) src(%arg4 : memref<72x64xf32, #tpu.memory_space<hbm>>) dst(%dma_wait3A_12 : memref<72x64xf32, #tpu.memory_space<vmem_shared>>)
      tpu.yield
    }) : () -> ()
    %barrier3A = arith.constant 0 : index
    tpu.barrier barrier_id(%barrier3A)
    %scan3A = arith.constant 0 : i32
    %scan3A_1 = arith.constant 0 : i32
    %scan3A_2 = arith.constant 20 : i32
    %scan3A_3 = arith.addi %scan3A_1, %scan3A_2 : i32
    %scan3A_4 = arith.constant 1 : i32
    scf.for %scan3A_11 = %scan3A_1 to %scan3A_3 step %scan3A_4  : i32 {
      %mul3A_12 = arith.constant 256 : i32
      %mul3A_13 = arith.muli %scan3A_11, %mul3A_12 : i32
      %min3A = arith.constant 4744 : i32
      %min3A_14 = arith.minsi %mul3A_13, %min3A : i32
      %mul3A_15 = arith.constant 5000 : i32
      %mul3A_16 = arith.muli %arg0, %mul3A_15 : i32
      %add3A = arith.addi %mul3A_16, %min3A_14 : i32
      "tpu.region"() ({
        %run_scoped3A_20 = tpu.sem_alloc : memref<!tpu.dma_semaphore, #tpu.memory_space<semaphore_mem>>
        %dma_start3A = arith.constant 0 : i32
        %dma_start3A_21 = arith.constant 0 : i32
        %dma_start3A_22 = tpu.memref_slice %arg6[%dma_start3A, %dma_start3A_21] : memref<320x64xf32, #tpu.memory_space<vmem>> -> memref<256x64xf32, #tpu.memory_space<vmem>>
        %dma_start3A_23 = arith.constant 0 : i32
        %dma_start3A_24 = tpu.memref_slice %arg2[%arg1, %add3A, %dma_start3A_23] : memref<16x10000x64xf32, #tpu.memory_space<hbm>> -> memref<1x256x64xf32, #tpu.memory_space<hbm>>
        %dma_start3A_25 = tpu.memref_squeeze %dma_start3A_24 : memref<1x256x64xf32, #tpu.memory_space<hbm>> -> memref<256x64xf32, #tpu.memory_space<hbm>>
        %dma_start3A_26 = arith.constant 0 : i32
        %dma_start3A_27 = arith.constant 0 : i32
        %dma_start3A_28 = tpu.memref_slice %arg6[%dma_start3A_26, %dma_start3A_27] : memref<320x64xf32, #tpu.memory_space<vmem>> -> memref<256x64xf32, #tpu.memory_space<vmem>>
        %dma_start3A_29 = arith.constant 0 : i32
        %dma_start3A_30 = tpu.memref_slice %arg2[%arg1, %add3A, %dma_start3A_29] : memref<16x10000x64xf32, #tpu.memory_space<hbm>> -> memref<1x256x64xf32, #tpu.memory_space<hbm>>
        %dma_start3A_31 = tpu.memref_squeeze %dma_start3A_30 : memref<1x256x64xf32, #tpu.memory_space<hbm>> -> memref<256x64xf32, #tpu.memory_space<hbm>>
        tpu.enqueue_dma source(%dma_start3A_31 : memref<256x64xf32, #tpu.memory_space<hbm>>) target(%dma_start3A_28 : memref<256x64xf32, #tpu.memory_space<vmem>>) target_semaphore(%run_scoped3A_20 : memref<!tpu.dma_semaphore, #tpu.memory_space<semaphore_mem>>)
        %dma_wait3A = arith.constant 0 : i32
        %dma_wait3A_32 = arith.constant 0 : i32
        %dma_wait3A_33 = tpu.memref_slice %arg6[%dma_wait3A, %dma_wait3A_32] : memref<320x64xf32, #tpu.memory_space<vmem>> -> memref<256x64xf32, #tpu.memory_space<vmem>>
        %dma_wait3A_34 = arith.constant 0 : i32
        %dma_wait3A_35 = tpu.memref_slice %arg2[%arg1, %add3A, %dma_wait3A_34] : memref<16x10000x64xf32, #tpu.memory_space<hbm>> -> memref<1x256x64xf32, #tpu.memory_space<hbm>>
        %dma_wait3A_36 = tpu.memref_squeeze %dma_wait3A_35 : memref<1x256x64xf32, #tpu.memory_space<hbm>> -> memref<256x64xf32, #tpu.memory_space<hbm>>
        %dma_wait3A_37 = arith.constant 0 : i32
        %dma_wait3A_38 = arith.constant 0 : i32
        %dma_wait3A_39 = tpu.memref_slice %arg6[%dma_wait3A_37, %dma_wait3A_38] : memref<320x64xf32, #tpu.memory_space<vmem>> -> memref<256x64xf32, #tpu.memory_space<vmem>>
        %dma_wait3A_40 = arith.constant 0 : i32
        %dma_wait3A_41 = tpu.memref_slice %arg2[%arg1, %add3A, %dma_wait3A_40] : memref<16x10000x64xf32, #tpu.memory_space<hbm>> -> memref<1x256x64xf32, #tpu.memory_space<hbm>>
        %dma_wait3A_42 = tpu.memref_squeeze %dma_wait3A_41 : memref<1x256x64xf32, #tpu.memory_space<hbm>> -> memref<256x64xf32, #tpu.memory_space<hbm>>
        tpu.wait_dma2 semaphore(%run_scoped3A_20 : memref<!tpu.dma_semaphore, #tpu.memory_space<semaphore_mem>>) src(%dma_wait3A_42 : memref<256x64xf32, #tpu.memory_space<hbm>>) dst(%dma_wait3A_39 : memref<256x64xf32, #tpu.memory_space<vmem>>)
        tpu.yield
      }) : () -> ()
      %run_scoped3A = arith.constant 0 : i32
      "tpu.region"() ({
        %run_scoped3A_20 = tpu.sem_alloc : memref<!tpu.dma_semaphore, #tpu.memory_space<semaphore_mem>>
        %dma_start3A = arith.constant 0 : i32
        %dma_start3A_21 = tpu.memref_slice %arg3[%arg1, %arg0, %scan3A_11, %run_scoped3A, %dma_start3A] : memref<16x2x20x4x128xi32, #tpu.memory_space<hbm>> -> memref<1x1x1x1x128xi32, #tpu.memory_space<hbm>>
        %dma_start3A_22 = tpu.memref_squeeze %dma_start3A_21 : memref<1x1x1x1x128xi32, #tpu.memory_space<hbm>> -> memref<128xi32, #tpu.memory_space<hbm>>
        %dma_start3A_23 = arith.constant 0 : i32
        %dma_start3A_24 = tpu.memref_slice %arg3[%arg1, %arg0, %scan3A_11, %run_scoped3A, %dma_start3A_23] : memref<16x2x20x4x128xi32, #tpu.memory_space<hbm>> -> memref<1x1x1x1x128xi32, #tpu.memory_space<hbm>>
        %dma_start3A_25 = tpu.memref_squeeze %dma_start3A_24 : memref<1x1x1x1x128xi32, #tpu.memory_space<hbm>> -> memref<128xi32, #tpu.memory_space<hbm>>
        tpu.enqueue_dma source(%dma_start3A_25 : memref<128xi32, #tpu.memory_space<hbm>>) target(%arg7 : memref<128xi32, #tpu.memory_space<vmem>>) target_semaphore(%run_scoped3A_20 : memref<!tpu.dma_semaphore, #tpu.memory_space<semaphore_mem>>)
        %dma_wait3A = arith.constant 0 : i32
        %dma_wait3A_26 = tpu.memref_slice %arg3[%arg1, %arg0, %scan3A_11, %run_scoped3A, %dma_wait3A] : memref<16x2x20x4x128xi32, #tpu.memory_space<hbm>> -> memref<1x1x1x1x128xi32, #tpu.memory_space<hbm>>
        %dma_wait3A_27 = tpu.memref_squeeze %dma_wait3A_26 : memref<1x1x1x1x128xi32, #tpu.memory_space<hbm>> -> memref<128xi32, #tpu.memory_space<hbm>>
        %dma_wait3A_28 = arith.constant 0 : i32
        %dma_wait3A_29 = tpu.memref_slice %arg3[%arg1, %arg0, %scan3A_11, %run_scoped3A, %dma_wait3A_28] : memref<16x2x20x4x128xi32, #tpu.memory_space<hbm>> -> memref<1x1x1x1x128xi32, #tpu.memory_space<hbm>>
        %dma_wait3A_30 = tpu.memref_squeeze %dma_wait3A_29 : memref<1x1x1x1x128xi32, #tpu.memory_space<hbm>> -> memref<128xi32, #tpu.memory_space<hbm>>
        tpu.wait_dma2 semaphore(%run_scoped3A_20 : memref<!tpu.dma_semaphore, #tpu.memory_space<semaphore_mem>>) src(%dma_wait3A_30 : memref<128xi32, #tpu.memory_space<hbm>>) dst(%arg7 : memref<128xi32, #tpu.memory_space<vmem>>)
        tpu.yield
      }) : () -> ()
      %run_scoped3A_17 = arith.constant 1 : i32
      "tpu.region"() ({
        %run_scoped3A_20 = tpu.sem_alloc : memref<!tpu.dma_semaphore, #tpu.memory_space<semaphore_mem>>
        %dma_start3A = arith.constant 0 : i32
        %dma_start3A_21 = tpu.memref_slice %arg3[%arg1, %arg0, %scan3A_11, %run_scoped3A_17, %dma_start3A] : memref<16x2x20x4x128xi32, #tpu.memory_space<hbm>> -> memref<1x1x1x1x128xi32, #tpu.memory_space<hbm>>
        %dma_start3A_22 = tpu.memref_squeeze %dma_start3A_21 : memref<1x1x1x1x128xi32, #tpu.memory_space<hbm>> -> memref<128xi32, #tpu.memory_space<hbm>>
        %dma_start3A_23 = arith.constant 0 : i32
        %dma_start3A_24 = tpu.memref_slice %arg3[%arg1, %arg0, %scan3A_11, %run_scoped3A_17, %dma_start3A_23] : memref<16x2x20x4x128xi32, #tpu.memory_space<hbm>> -> memref<1x1x1x1x128xi32, #tpu.memory_space<hbm>>
        %dma_start3A_25 = tpu.memref_squeeze %dma_start3A_24 : memref<1x1x1x1x128xi32, #tpu.memory_space<hbm>> -> memref<128xi32, #tpu.memory_space<hbm>>
        tpu.enqueue_dma source(%dma_start3A_25 : memref<128xi32, #tpu.memory_space<hbm>>) target(%arg8 : memref<128xi32, #tpu.memory_space<vmem>>) target_semaphore(%run_scoped3A_20 : memref<!tpu.dma_semaphore, #tpu.memory_space<semaphore_mem>>)
        %dma_wait3A = arith.constant 0 : i32
        %dma_wait3A_26 = tpu.memref_slice %arg3[%arg1, %arg0, %scan3A_11, %run_scoped3A_17, %dma_wait3A] : memref<16x2x20x4x128xi32, #tpu.memory_space<hbm>> -> memref<1x1x1x1x128xi32, #tpu.memory_space<hbm>>
        %dma_wait3A_27 = tpu.memref_squeeze %dma_wait3A_26 : memref<1x1x1x1x128xi32, #tpu.memory_space<hbm>> -> memref<128xi32, #tpu.memory_space<hbm>>
        %dma_wait3A_28 = arith.constant 0 : i32
        %dma_wait3A_29 = tpu.memref_slice %arg3[%arg1, %arg0, %scan3A_11, %run_scoped3A_17, %dma_wait3A_28] : memref<16x2x20x4x128xi32, #tpu.memory_space<hbm>> -> memref<1x1x1x1x128xi32, #tpu.memory_space<hbm>>
        %dma_wait3A_30 = tpu.memref_squeeze %dma_wait3A_29 : memref<1x1x1x1x128xi32, #tpu.memory_space<hbm>> -> memref<128xi32, #tpu.memory_space<hbm>>
        tpu.wait_dma2 semaphore(%run_scoped3A_20 : memref<!tpu.dma_semaphore, #tpu.memory_space<semaphore_mem>>) src(%dma_wait3A_30 : memref<128xi32, #tpu.memory_space<hbm>>) dst(%arg8 : memref<128xi32, #tpu.memory_space<vmem>>)
        tpu.yield
      }) : () -> ()
      %run_scoped3A_18 = arith.constant 2 : i32
      "tpu.region"() ({
        %run_scoped3A_20 = tpu.sem_alloc : memref<!tpu.dma_semaphore, #tpu.memory_space<semaphore_mem>>
        %dma_start3A = arith.constant 0 : i32
        %dma_start3A_21 = tpu.memref_slice %arg3[%arg1, %arg0, %scan3A_11, %run_scoped3A_18, %dma_start3A] : memref<16x2x20x4x128xi32, #tpu.memory_space<hbm>> -> memref<1x1x1x1x128xi32, #tpu.memory_space<hbm>>
        %dma_start3A_22 = tpu.memref_squeeze %dma_start3A_21 : memref<1x1x1x1x128xi32, #tpu.memory_space<hbm>> -> memref<128xi32, #tpu.memory_space<hbm>>
        %dma_start3A_23 = arith.constant 0 : i32
        %dma_start3A_24 = tpu.memref_slice %arg3[%arg1, %arg0, %scan3A_11, %run_scoped3A_18, %dma_start3A_23] : memref<16x2x20x4x128xi32, #tpu.memory_space<hbm>> -> memref<1x1x1x1x128xi32, #tpu.memory_space<hbm>>
        %dma_start3A_25 = tpu.memref_squeeze %dma_start3A_24 : memref<1x1x1x1x128xi32, #tpu.memory_space<hbm>> -> memref<128xi32, #tpu.memory_space<hbm>>
        tpu.enqueue_dma source(%dma_start3A_25 : memref<128xi32, #tpu.memory_space<hbm>>) target(%arg9 : memref<128xi32, #tpu.memory_space<vmem>>) target_semaphore(%run_scoped3A_20 : memref<!tpu.dma_semaphore, #tpu.memory_space<semaphore_mem>>)
        %dma_wait3A = arith.constant 0 : i32
        %dma_wait3A_26 = tpu.memref_slice %arg3[%arg1, %arg0, %scan3A_11, %run_scoped3A_18, %dma_wait3A] : memref<16x2x20x4x128xi32, #tpu.memory_space<hbm>> -> memref<1x1x1x1x128xi32, #tpu.memory_space<hbm>>
        %dma_wait3A_27 = tpu.memref_squeeze %dma_wait3A_26 : memref<1x1x1x1x128xi32, #tpu.memory_space<hbm>> -> memref<128xi32, #tpu.memory_space<hbm>>
        %dma_wait3A_28 = arith.constant 0 : i32
        %dma_wait3A_29 = tpu.memref_slice %arg3[%arg1, %arg0, %scan3A_11, %run_scoped3A_18, %dma_wait3A_28] : memref<16x2x20x4x128xi32, #tpu.memory_space<hbm>> -> memref<1x1x1x1x128xi32, #tpu.memory_space<hbm>>
        %dma_wait3A_30 = tpu.memref_squeeze %dma_wait3A_29 : memref<1x1x1x1x128xi32, #tpu.memory_space<hbm>> -> memref<128xi32, #tpu.memory_space<hbm>>
        tpu.wait_dma2 semaphore(%run_scoped3A_20 : memref<!tpu.dma_semaphore, #tpu.memory_space<semaphore_mem>>) src(%dma_wait3A_30 : memref<128xi32, #tpu.memory_space<hbm>>) dst(%arg9 : memref<128xi32, #tpu.memory_space<vmem>>)
        tpu.yield
      }) : () -> ()
      %run_scoped3A_19 = arith.constant 3 : i32
      "tpu.region"() ({
        %run_scoped3A_20 = tpu.sem_alloc : memref<!tpu.dma_semaphore, #tpu.memory_space<semaphore_mem>>
        %dma_start3A = arith.constant 0 : i32
        %dma_start3A_21 = tpu.memref_slice %arg3[%arg1, %arg0, %scan3A_11, %run_scoped3A_19, %dma_start3A] : memref<16x2x20x4x128xi32, #tpu.memory_space<hbm>> -> memref<1x1x1x1x128xi32, #tpu.memory_space<hbm>>
        %dma_start3A_22 = tpu.memref_squeeze %dma_start3A_21 : memref<1x1x1x1x128xi32, #tpu.memory_space<hbm>> -> memref<128xi32, #tpu.memory_space<hbm>>
        %dma_start3A_23 = arith.constant 0 : i32
        %dma_start3A_24 = tpu.memref_slice %arg3[%arg1, %arg0, %scan3A_11, %run_scoped3A_19, %dma_start3A_23] : memref<16x2x20x4x128xi32, #tpu.memory_space<hbm>> -> memref<1x1x1x1x128xi32, #tpu.memory_space<hbm>>
        %dma_start3A_25 = tpu.memref_squeeze %dma_start3A_24 : memref<1x1x1x1x128xi32, #tpu.memory_space<hbm>> -> memref<128xi32, #tpu.memory_space<hbm>>
        tpu.enqueue_dma source(%dma_start3A_25 : memref<128xi32, #tpu.memory_space<hbm>>) target(%arg10 : memref<128xi32, #tpu.memory_space<vmem>>) target_semaphore(%run_scoped3A_20 : memref<!tpu.dma_semaphore, #tpu.memory_space<semaphore_mem>>)
        %dma_wait3A = arith.constant 0 : i32
        %dma_wait3A_26 = tpu.memref_slice %arg3[%arg1, %arg0, %scan3A_11, %run_scoped3A_19, %dma_wait3A] : memref<16x2x20x4x128xi32, #tpu.memory_space<hbm>> -> memref<1x1x1x1x128xi32, #tpu.memory_space<hbm>>
        %dma_wait3A_27 = tpu.memref_squeeze %dma_wait3A_26 : memref<1x1x1x1x128xi32, #tpu.memory_space<hbm>> -> memref<128xi32, #tpu.memory_space<hbm>>
        %dma_wait3A_28 = arith.constant 0 : i32
        %dma_wait3A_29 = tpu.memref_slice %arg3[%arg1, %arg0, %scan3A_11, %run_scoped3A_19, %dma_wait3A_28] : memref<16x2x20x4x128xi32, #tpu.memory_space<hbm>> -> memref<1x1x1x1x128xi32, #tpu.memory_space<hbm>>
        %dma_wait3A_30 = tpu.memref_squeeze %dma_wait3A_29 : memref<1x1x1x1x128xi32, #tpu.memory_space<hbm>> -> memref<128xi32, #tpu.memory_space<hbm>>
        tpu.wait_dma2 semaphore(%run_scoped3A_20 : memref<!tpu.dma_semaphore, #tpu.memory_space<semaphore_mem>>) src(%dma_wait3A_30 : memref<128xi32, #tpu.memory_space<hbm>>) dst(%arg10 : memref<128xi32, #tpu.memory_space<vmem>>)
        tpu.yield
      }) : () -> ()
      "tpu.region"() ({
        %run_scoped3A_20 = tpu.sem_alloc : memref<!tpu.dma_semaphore, #tpu.memory_space<semaphore_mem>>
        %dma_start3A = arith.constant 0 : i32
        %dma_start3A_21 = arith.constant 0 : i32
        %dma_start3A_22 = tpu.memref_slice %arg6[%dma_start3A, %dma_start3A_21] : memref<320x64xf32, #tpu.memory_space<vmem>> -> memref<128x64xf32, #tpu.memory_space<vmem>>
        %dma_start3A_23 = arith.constant 0 : i32
        %dma_start3A_24 = arith.constant 0 : i32
        %dma_start3A_25 = tpu.memref_slice %arg11[%dma_start3A_23, %dma_start3A_24] : memref<1152x64xf32, #tpu.memory_space<vmem_shared>> -> memref<1152x64xf32, #tpu.memory_space<vmem_shared>>
        tpu.enqueue_indirect_dma source(%dma_start3A_22 : memref<128x64xf32, #tpu.memory_space<vmem>>) target(%dma_start3A_25 : memref<1152x64xf32, #tpu.memory_space<vmem_shared>>) offsets(%arg7 : memref<128xi32, #tpu.memory_space<vmem>>) semaphore(%run_scoped3A_20 : memref<!tpu.dma_semaphore, #tpu.memory_space<semaphore_mem>>) {add = true}
        %dma_wait3A = arith.constant 0 : i32
        %dma_wait3A_26 = arith.constant 0 : i32
        %dma_wait3A_27 = tpu.memref_slice %arg6[%dma_wait3A, %dma_wait3A_26] : memref<320x64xf32, #tpu.memory_space<vmem>> -> memref<128x64xf32, #tpu.memory_space<vmem>>
        %dma_wait3A_28 = arith.constant 0 : i32
        %dma_wait3A_29 = arith.constant 0 : i32
        %dma_wait3A_30 = tpu.memref_slice %arg11[%dma_wait3A_28, %dma_wait3A_29] : memref<1152x64xf32, #tpu.memory_space<vmem_shared>> -> memref<1152x64xf32, #tpu.memory_space<vmem_shared>>
        tpu.wait_indirect_dma semaphore(%run_scoped3A_20 : memref<!tpu.dma_semaphore, #tpu.memory_space<semaphore_mem>>) src(%dma_wait3A_27 : memref<128x64xf32, #tpu.memory_space<vmem>>) dst(%dma_wait3A_30 : memref<1152x64xf32, #tpu.memory_space<vmem_shared>>)
        tpu.yield
      }) : () -> ()
      "tpu.region"() ({
        %run_scoped3A_20 = tpu.sem_alloc : memref<!tpu.dma_semaphore, #tpu.memory_space<semaphore_mem>>
        %dma_start3A = arith.constant 64 : i32
        %dma_start3A_21 = arith.constant 0 : i32
        %dma_start3A_22 = tpu.memref_slice %arg6[%dma_start3A, %dma_start3A_21] : memref<320x64xf32, #tpu.memory_space<vmem>> -> memref<128x64xf32, #tpu.memory_space<vmem>>
        %dma_start3A_23 = arith.constant 0 : i32
        %dma_start3A_24 = arith.constant 0 : i32
        %dma_start3A_25 = tpu.memref_slice %arg11[%dma_start3A_23, %dma_start3A_24] : memref<1152x64xf32, #tpu.memory_space<vmem_shared>> -> memref<1152x64xf32, #tpu.memory_space<vmem_shared>>
        tpu.enqueue_indirect_dma source(%dma_start3A_22 : memref<128x64xf32, #tpu.memory_space<vmem>>) target(%dma_start3A_25 : memref<1152x64xf32, #tpu.memory_space<vmem_shared>>) offsets(%arg8 : memref<128xi32, #tpu.memory_space<vmem>>) semaphore(%run_scoped3A_20 : memref<!tpu.dma_semaphore, #tpu.memory_space<semaphore_mem>>) {add = true}
        %dma_wait3A = arith.constant 64 : i32
        %dma_wait3A_26 = arith.constant 0 : i32
        %dma_wait3A_27 = tpu.memref_slice %arg6[%dma_wait3A, %dma_wait3A_26] : memref<320x64xf32, #tpu.memory_space<vmem>> -> memref<128x64xf32, #tpu.memory_space<vmem>>
        %dma_wait3A_28 = arith.constant 0 : i32
        %dma_wait3A_29 = arith.constant 0 : i32
        %dma_wait3A_30 = tpu.memref_slice %arg11[%dma_wait3A_28, %dma_wait3A_29] : memref<1152x64xf32, #tpu.memory_space<vmem_shared>> -> memref<1152x64xf32, #tpu.memory_space<vmem_shared>>
        tpu.wait_indirect_dma semaphore(%run_scoped3A_20 : memref<!tpu.dma_semaphore, #tpu.memory_space<semaphore_mem>>) src(%dma_wait3A_27 : memref<128x64xf32, #tpu.memory_space<vmem>>) dst(%dma_wait3A_30 : memref<1152x64xf32, #tpu.memory_space<vmem_shared>>)
        tpu.yield
      }) : () -> ()
      "tpu.region"() ({
        %run_scoped3A_20 = tpu.sem_alloc : memref<!tpu.dma_semaphore, #tpu.memory_space<semaphore_mem>>
        %dma_start3A = arith.constant 128 : i32
        %dma_start3A_21 = arith.constant 0 : i32
        %dma_start3A_22 = tpu.memref_slice %arg6[%dma_start3A, %dma_start3A_21] : memref<320x64xf32, #tpu.memory_space<vmem>> -> memref<128x64xf32, #tpu.memory_space<vmem>>
        %dma_start3A_23 = arith.constant 0 : i32
        %dma_start3A_24 = arith.constant 0 : i32
        %dma_start3A_25 = tpu.memref_slice %arg11[%dma_start3A_23, %dma_start3A_24] : memref<1152x64xf32, #tpu.memory_space<vmem_shared>> -> memref<1152x64xf32, #tpu.memory_space<vmem_shared>>
        tpu.enqueue_indirect_dma source(%dma_start3A_22 : memref<128x64xf32, #tpu.memory_space<vmem>>) target(%dma_start3A_25 : memref<1152x64xf32, #tpu.memory_space<vmem_shared>>) offsets(%arg9 : memref<128xi32, #tpu.memory_space<vmem>>) semaphore(%run_scoped3A_20 : memref<!tpu.dma_semaphore, #tpu.memory_space<semaphore_mem>>) {add = true}
        %dma_wait3A = arith.constant 128 : i32
        %dma_wait3A_26 = arith.constant 0 : i32
        %dma_wait3A_27 = tpu.memref_slice %arg6[%dma_wait3A, %dma_wait3A_26] : memref<320x64xf32, #tpu.memory_space<vmem>> -> memref<128x64xf32, #tpu.memory_space<vmem>>
        %dma_wait3A_28 = arith.constant 0 : i32
        %dma_wait3A_29 = arith.constant 0 : i32
        %dma_wait3A_30 = tpu.memref_slice %arg11[%dma_wait3A_28, %dma_wait3A_29] : memref<1152x64xf32, #tpu.memory_space<vmem_shared>> -> memref<1152x64xf32, #tpu.memory_space<vmem_shared>>
        tpu.wait_indirect_dma semaphore(%run_scoped3A_20 : memref<!tpu.dma_semaphore, #tpu.memory_space<semaphore_mem>>) src(%dma_wait3A_27 : memref<128x64xf32, #tpu.memory_space<vmem>>) dst(%dma_wait3A_30 : memref<1152x64xf32, #tpu.memory_space<vmem_shared>>)
        tpu.yield
      }) : () -> ()
      "tpu.region"() ({
        %run_scoped3A_20 = tpu.sem_alloc : memref<!tpu.dma_semaphore, #tpu.memory_space<semaphore_mem>>
        %dma_start3A = arith.constant 192 : i32
        %dma_start3A_21 = arith.constant 0 : i32
        %dma_start3A_22 = tpu.memref_slice %arg6[%dma_start3A, %dma_start3A_21] : memref<320x64xf32, #tpu.memory_space<vmem>> -> memref<128x64xf32, #tpu.memory_space<vmem>>
        %dma_start3A_23 = arith.constant 0 : i32
        %dma_start3A_24 = arith.constant 0 : i32
        %dma_start3A_25 = tpu.memref_slice %arg11[%dma_start3A_23, %dma_start3A_24] : memref<1152x64xf32, #tpu.memory_space<vmem_shared>> -> memref<1152x64xf32, #tpu.memory_space<vmem_shared>>
        tpu.enqueue_indirect_dma source(%dma_start3A_22 : memref<128x64xf32, #tpu.memory_space<vmem>>) target(%dma_start3A_25 : memref<1152x64xf32, #tpu.memory_space<vmem_shared>>) offsets(%arg10 : memref<128xi32, #tpu.memory_space<vmem>>) semaphore(%run_scoped3A_20 : memref<!tpu.dma_semaphore, #tpu.memory_space<semaphore_mem>>) {add = true}
        %dma_wait3A = arith.constant 192 : i32
        %dma_wait3A_26 = arith.constant 0 : i32
        %dma_wait3A_27 = tpu.memref_slice %arg6[%dma_wait3A, %dma_wait3A_26] : memref<320x64xf32, #tpu.memory_space<vmem>> -> memref<128x64xf32, #tpu.memory_space<vmem>>
        %dma_wait3A_28 = arith.constant 0 : i32
        %dma_wait3A_29 = arith.constant 0 : i32
        %dma_wait3A_30 = tpu.memref_slice %arg11[%dma_wait3A_28, %dma_wait3A_29] : memref<1152x64xf32, #tpu.memory_space<vmem_shared>> -> memref<1152x64xf32, #tpu.memory_space<vmem_shared>>
        tpu.wait_indirect_dma semaphore(%run_scoped3A_20 : memref<!tpu.dma_semaphore, #tpu.memory_space<semaphore_mem>>) src(%dma_wait3A_27 : memref<128x64xf32, #tpu.memory_space<vmem>>) dst(%dma_wait3A_30 : memref<1152x64xf32, #tpu.memory_space<vmem_shared>>)
        tpu.yield
      }) : () -> ()
    }
    %scan3A_5 = arith.constant 20 : i32
    %barrier3A_6 = arith.constant 0 : index
    tpu.barrier barrier_id(%barrier3A_6)
    %mul3A_7 = arith.constant 72 : i32
    %mul3A_8 = arith.muli %arg1, %mul3A_7 : i32
    %mul3A_9 = arith.constant 72 : i32
    %mul3A_10 = arith.muli %arg1, %mul3A_9 : i32
    "tpu.region"() ({
      %run_scoped3A = tpu.sem_alloc : memref<!tpu.dma_semaphore, #tpu.memory_space<semaphore_mem>>
      %dma_start3A = arith.constant 0 : i32
      %dma_start3A_11 = tpu.memref_slice %arg5[%arg0, %mul3A_10, %dma_start3A] : memref<2x1152x64xf32, #tpu.memory_space<hbm>> -> memref<1x72x64xf32, #tpu.memory_space<hbm>>
      %dma_start3A_12 = tpu.memref_squeeze %dma_start3A_11 : memref<1x72x64xf32, #tpu.memory_space<hbm>> -> memref<72x64xf32, #tpu.memory_space<hbm>>
      %dma_start3A_13 = arith.constant 0 : i32
      %dma_start3A_14 = tpu.memref_slice %arg11[%mul3A_8, %dma_start3A_13] : memref<1152x64xf32, #tpu.memory_space<vmem_shared>> -> memref<72x64xf32, #tpu.memory_space<vmem_shared>>
      tpu.enqueue_dma source(%dma_start3A_14 : memref<72x64xf32, #tpu.memory_space<vmem_shared>>) target(%dma_start3A_12 : memref<72x64xf32, #tpu.memory_space<hbm>>) target_semaphore(%run_scoped3A : memref<!tpu.dma_semaphore, #tpu.memory_space<semaphore_mem>>)
      %dma_wait3A = arith.constant 0 : i32
      %dma_wait3A_15 = tpu.memref_slice %arg5[%arg0, %mul3A_10, %dma_wait3A] : memref<2x1152x64xf32, #tpu.memory_space<hbm>> -> memref<1x72x64xf32, #tpu.memory_space<hbm>>
      %dma_wait3A_16 = tpu.memref_squeeze %dma_wait3A_15 : memref<1x72x64xf32, #tpu.memory_space<hbm>> -> memref<72x64xf32, #tpu.memory_space<hbm>>
      %dma_wait3A_17 = arith.constant 0 : i32
      %dma_wait3A_18 = tpu.memref_slice %arg11[%mul3A_8, %dma_wait3A_17] : memref<1152x64xf32, #tpu.memory_space<vmem_shared>> -> memref<72x64xf32, #tpu.memory_space<vmem_shared>>
      tpu.wait_dma2 semaphore(%run_scoped3A : memref<!tpu.dma_semaphore, #tpu.memory_space<semaphore_mem>>) src(%dma_wait3A_18 : memref<72x64xf32, #tpu.memory_space<vmem_shared>>) dst(%dma_wait3A_16 : memref<72x64xf32, #tpu.memory_space<hbm>>)
      tpu.yield
    }) : () -> ()
    return
  }
}

module attributes {stable_mosaic.version = 14 : i64} {
  func.func @_emb_var_body(%arg0: i32, %arg1: i32, %arg2: memref<1x5000x64xf32, #tpu.memory_space<vmem>>, %arg3: memref<256x64xf32, #tpu.memory_space<vmem>>, %arg4: memref<1x256xf32, #tpu.memory_space<vmem>>, %arg5: memref<1x5000x256xf32, #tpu.memory_space<vmem>>, %arg6: memref<1x5000x64xf32, #tpu.memory_space<vmem>>, %arg7: memref<1x1x1x5000xf32, #tpu.memory_space<vmem>>) attributes {dimension_semantics = [#tpu.dimension_semantics<parallel>, #tpu.dimension_semantics<parallel>], iteration_bounds = array<i64: 16, 2>, scalar_prefetch = 0 : i64, scratch_operands = 0 : i64, tpu.core_type = #tpu.core_type<tc>, window_params = [{transform_indices = @transform_0, window_bounds = array<i64: 1, 5000, 64>}, {pipeline_mode = #tpu.pipeline_mode<synchronous>, transform_indices = @transform_1, window_bounds = array<i64: 256, 64>}, {pipeline_mode = #tpu.pipeline_mode<synchronous>, transform_indices = @transform_2, window_bounds = array<i64: 1, 256>}, {transform_indices = @transform_3, window_bounds = array<i64: 1, 5000, 256>}, {transform_indices = @transform_4, window_bounds = array<i64: 1, 5000, 64>}, {transform_indices = @transform_5, window_bounds = array<i64: 1, 1, 1, 5000>}]} {
    %get3A = arith.constant 0 : index
    %get3A_0 = arith.constant 0 : index
    %get3A_1 = arith.constant 0 : index
    %get3A_2 = vector.load %arg2[%get3A, %get3A_0, %get3A_1] : memref<1x5000x64xf32, #tpu.memory_space<vmem>>, vector<1x5000x64xf32>
    %get3A_3 = vector.shape_cast %get3A_2 : vector<1x5000x64xf32> to vector<5000x64xf32>
    %get3A_4 = arith.constant 0 : index
    %get3A_5 = arith.constant 0 : index
    %get3A_6 = vector.load %arg3[%get3A_4, %get3A_5] : memref<256x64xf32, #tpu.memory_space<vmem>>, vector<256x64xf32>
    %dot_general3A = arith.constant dense<0.000000e+00> : vector<5000x256xf32>
    %dot_general3A_7 = tpu.matmul %get3A_3, %get3A_6, %dot_general3A {dimension_numbers = #tpu.dot_dimension_numbers<[1], [1], [0], [0], [0, 0, 1, 0], [], []>, transpose_lhs_hint = false} : vector<5000x64xf32>, vector<256x64xf32>, vector<5000x256xf32> -> vector<5000x256xf32>
    %get3A_8 = arith.constant 0 : index
    %get3A_9 = arith.constant 0 : index
    %get3A_10 = vector.load %arg4[%get3A_8, %get3A_9] : memref<1x256xf32, #tpu.memory_space<vmem>>, vector<1x256xf32>
    %add3A = vector.broadcast %get3A_10 : vector<1x256xf32> to vector<5000x256xf32>
    %add3A_11 = arith.addf %dot_general3A_7, %add3A : vector<5000x256xf32>
    %swap3A = arith.constant 0 : index
    %swap3A_12 = arith.constant 0 : index
    %swap3A_13 = arith.constant 0 : index
    %swap3A_14 = vector.load %arg5[%swap3A, %swap3A_12, %swap3A_13] : memref<1x5000x256xf32, #tpu.memory_space<vmem>>, vector<1x5000x256xf32>
    %swap3A_15 = vector.shape_cast %swap3A_14 : vector<1x5000x256xf32> to vector<5000x256xf32>
    %swap3A_16 = vector.shape_cast %add3A_11 : vector<5000x256xf32> to vector<1x5000x256xf32>
    tpu.vector_store %arg5[%swap3A, %swap3A_12, %swap3A_13], %swap3A_16 {strides = array<i32>} : memref<1x5000x256xf32, #tpu.memory_space<vmem>>, vector<1x5000x256xf32>,
    %slice3A = vector.extract_strided_slice %add3A_11 {offsets = [0, 0], sizes = [5000, 64], strides = [1, 1]} : vector<5000x256xf32> to vector<5000x64xf32>
    %swap3A_17 = arith.constant 0 : index
    %swap3A_18 = arith.constant 0 : index
    %swap3A_19 = arith.constant 0 : index
    %swap3A_20 = vector.load %arg6[%swap3A_17, %swap3A_18, %swap3A_19] : memref<1x5000x64xf32, #tpu.memory_space<vmem>>, vector<1x5000x64xf32>
    %swap3A_21 = vector.shape_cast %swap3A_20 : vector<1x5000x64xf32> to vector<5000x64xf32>
    %swap3A_22 = vector.shape_cast %slice3A : vector<5000x64xf32> to vector<1x5000x64xf32>
    tpu.vector_store %arg6[%swap3A_17, %swap3A_18, %swap3A_19], %swap3A_22 {strides = array<i32>} : memref<1x5000x64xf32, #tpu.memory_space<vmem>>, vector<1x5000x64xf32>,
    %reduce_sum3A = arith.constant dense<0.000000e+00> : vector<5000xf32>
    %reduce_sum3A_23 = vector.multi_reduction <add>, %add3A_11, %reduce_sum3A [1] : vector<5000x256xf32> to vector<5000xf32>
    %mul3A = arith.mulf %add3A_11, %add3A_11 : vector<5000x256xf32>
    %reduce_sum3A_24 = arith.constant dense<0.000000e+00> : vector<5000xf32>
    %reduce_sum3A_25 = vector.multi_reduction <add>, %mul3A, %reduce_sum3A_24 [1] : vector<5000x256xf32> to vector<5000xf32>
    %mul3A_26 = arith.mulf %reduce_sum3A_23, %reduce_sum3A_23 : vector<5000xf32>
    %div3A = arith.constant 2.560000e+02 : f32
    %div3A_27 = vector.broadcast %div3A : f32 to vector<5000xf32>
    %div3A_28 = arith.divf %mul3A_26, %div3A_27 : vector<5000xf32>
    %sub3A = arith.subf %reduce_sum3A_25, %div3A_28 : vector<5000xf32>
    %sub3A_29 = arith.constant 2.560000e+02 : f32
    %sub3A_30 = arith.constant 1.000000e+00 : f32
    %sub3A_31 = arith.subf %sub3A_29, %sub3A_30 : f32
    %div3A_32 = vector.broadcast %sub3A_31 : f32 to vector<5000xf32>
    %div3A_33 = arith.divf %sub3A, %div3A_32 : vector<5000xf32>
    %swap3A_34 = arith.constant 0 : index
    %swap3A_35 = arith.constant 0 : index
    %swap3A_36 = arith.constant 0 : index
    %swap3A_37 = arith.constant 0 : index
    %swap3A_38 = vector.load %arg7[%swap3A_34, %swap3A_35, %swap3A_36, %swap3A_37] : memref<1x1x1x5000xf32, #tpu.memory_space<vmem>>, vector<1x1x1x5000xf32>
    %swap3A_39 = vector.shape_cast %swap3A_38 : vector<1x1x1x5000xf32> to vector<5000xf32>
    %swap3A_40 = vector.shape_cast %div3A_33 : vector<5000xf32> to vector<1x1x1x5000xf32>
    tpu.vector_store %arg7[%swap3A_34, %swap3A_35, %swap3A_36, %swap3A_37], %swap3A_40 {strides = array<i32>} : memref<1x1x1x5000xf32, #tpu.memory_space<vmem>>, vector<1x1x1x5000xf32>,
    return
  }
  func.func @transform_0(%arg0: i32, %arg1: i32) -> (i32, i32, i32) {
    %c0_i32 = arith.constant 0 : i32
    %c0_i32_0 = arith.constant 0 : i32
    return %arg0, %arg1, %c0_i32 : i32, i32, i32
  }
  func.func @transform_1(%arg0: i32, %arg1: i32) -> (i32, i32) {
    %c0_i32 = arith.constant 0 : i32
    %c0_i32_0 = arith.constant 0 : i32
    %c0_i32_1 = arith.constant 0 : i32
    return %c0_i32, %c0_i32_0 : i32, i32
  }
  func.func @transform_2(%arg0: i32, %arg1: i32) -> (i32, i32) {
    %c0_i32 = arith.constant 0 : i32
    %c0_i32_0 = arith.constant 0 : i32
    %c0_i32_1 = arith.constant 0 : i32
    return %c0_i32, %c0_i32_0 : i32, i32
  }
  func.func @transform_3(%arg0: i32, %arg1: i32) -> (i32, i32, i32) {
    %c0_i32 = arith.constant 0 : i32
    %c0_i32_0 = arith.constant 0 : i32
    return %arg0, %arg1, %c0_i32 : i32, i32, i32
  }
  func.func @transform_4(%arg0: i32, %arg1: i32) -> (i32, i32, i32) {
    %c0_i32 = arith.constant 0 : i32
    %c0_i32_0 = arith.constant 0 : i32
    return %arg0, %arg1, %c0_i32 : i32, i32, i32
  }
  func.func @transform_5(%arg0: i32, %arg1: i32) -> (i32, i32, i32, i32) {
    %c0_i32 = arith.constant 0 : i32
    %c0_i32_0 = arith.constant 0 : i32
    %c0_i32_1 = arith.constant 0 : i32
    return %arg0, %arg1, %c0_i32, %c0_i32_0 : i32, i32, i32, i32
  }
}

module attributes {stable_mosaic.version = 14 : i64} {
  func.func @_thresh_body(%arg0: i32, %arg1: memref<1x1x10240xf32, #tpu.memory_space<vmem>>, %arg2: memref<1x2x20x4x128xi32, #tpu.memory_space<vmem>>, %arg3: memref<1x64x1xf32, #tpu.memory_space<vmem>>) attributes {dimension_semantics = [#tpu.dimension_semantics<arbitrary>], iteration_bounds = array<i64: 16>, scalar_prefetch = 0 : i64, scratch_operands = 0 : i64, tpu.core_type = #tpu.core_type<tc>, window_params = [{transform_indices = @transform_0, window_bounds = array<i64: 1, 1, 10240>}, {transform_indices = @transform_1, window_bounds = array<i64: 1, 2, 20, 4, 128>}, {transform_indices = @transform_2, window_bounds = array<i64: 1, 64, 1>}]} {
    %get3A = arith.constant 0 : index
    %get3A_0 = arith.constant 0 : index
    %get3A_1 = arith.constant 0 : index
    %get3A_2 = vector.load %arg1[%get3A, %get3A_0, %get3A_1] : memref<1x1x10240xf32, #tpu.memory_space<vmem>>, vector<1x1x10240xf32>
    %get3A_3 = vector.shape_cast %get3A_2 : vector<1x1x10240xf32> to vector<1x10240xf32>
    %bitcast_convert_type3A = tpu.bitcast %get3A_3 : vector<1x10240xf32> -> vector<1x10240xi32>
    %lt3A = arith.constant 0 : i32
    %lt3A_4 = vector.broadcast %lt3A : i32 to vector<1x10240xi32>
    %lt3A_5 = arith.cmpi slt, %bitcast_convert_type3A, %lt3A_4 : vector<1x10240xi32>
    %xor3A = arith.constant 2147483647 : i32
    %xor3A_6 = vector.broadcast %xor3A : i32 to vector<1x10240xi32>
    %xor3A_7 = arith.xori %bitcast_convert_type3A, %xor3A_6 : vector<1x10240xi32>
    %select_n3A = arith.select %lt3A_5, %xor3A_7, %bitcast_convert_type3A : vector<1x10240xi1>, vector<1x10240xi32>
    %max3A = arith.constant -1 : i32
    %max3A_8 = vector.broadcast %max3A : i32 to vector<1x10240xi32>
    %max3A_9 = arith.maxsi %select_n3A, %max3A_8 : vector<1x10240xi32>
    %add3A = arith.constant 1 : i32
    %add3A_10 = vector.broadcast %add3A : i32 to vector<1x10240xi32>
    %add3A_11 = arith.addi %max3A_9, %add3A_10 : vector<1x10240xi32>
    %iota3A = tpu.iota {dimensions = array<i32: 1>} : vector<1x10240xi32>
    %lt3A_12 = arith.constant 10000 : i32
    %lt3A_13 = vector.broadcast %lt3A_12 : i32 to vector<1x10240xi32>
    %lt3A_14 = arith.cmpi slt, %iota3A, %lt3A_13 : vector<1x10240xi32>
    %jit3A = arith.constant 0 : i32
    %broadcast_in_dim3A = vector.broadcast %jit3A : i32 to vector<1x10240xi32>
    %select_n3A_15 = arith.select %lt3A_14, %add3A_11, %broadcast_in_dim3A : vector<1x10240xi1>, vector<1x10240xi32>
    %iota3A_16 = tpu.iota {dimensions = array<i32: 0>} : vector<64x1xi32>
    %mul3A = arith.constant 156 : i32
    %mul3A_17 = vector.broadcast %mul3A : i32 to vector<64x1xi32>
    %mul3A_18 = arith.muli %iota3A_16, %mul3A_17 : vector<64x1xi32>
    %convert_element_type3A = arith.sitofp %mul3A_18 : vector<64x1xi32> to vector<64x1xf32>
    %iota3A_19 = tpu.iota {dimensions = array<i32: 0>} : vector<64x1xi32>
    %iota3A_20 = tpu.iota {dimensions = array<i32: 1>} : vector<64x64xi32>
    %iota3A_21 = tpu.iota {dimensions = array<i32: 0>} : vector<64x64xi32>
    %ge3A = arith.cmpi sge, %iota3A_21, %iota3A_20 : vector<64x64xi32>
    %convert_element_type3A_22 = arith.extui %ge3A : vector<64x64xi1> to vector<64x64xi32>
    %convert_element_type3A_23 = arith.sitofp %convert_element_type3A_22 : vector<64x64xi32> to vector<64x64xf32>
    %broadcast_in_dim3A_24 = arith.constant 0 : i32
    %broadcast_in_dim3A_25 = vector.broadcast %broadcast_in_dim3A_24 : i32 to vector<64x1xi32>
    %broadcast_in_dim3A_26 = arith.constant 0.000000e+00 : f32
    %broadcast_in_dim3A_27 = vector.broadcast %broadcast_in_dim3A_26 : f32 to vector<64x1xf32>
    %shift_right_logical3A = arith.constant 31 : i32
    %shift_right_logical3A_28 = vector.broadcast %shift_right_logical3A : i32 to vector<1x10240xi32>
    %shift_right_logical3A_29 = arith.shrui %select_n3A_15, %shift_right_logical3A_28 : vector<1x10240xi32>
    %eq3A = vector.broadcast %shift_right_logical3A_29 : vector<1x10240xi32> to vector<64x10240xi32>
    %eq3A_30 = vector.broadcast %broadcast_in_dim3A_25 : vector<64x1xi32> to vector<64x10240xi32>
    %eq3A_31 = arith.cmpi eq, %eq3A, %eq3A_30 : vector<64x10240xi32>
    %convert_element_type3A_32 = arith.extui %eq3A_31 : vector<64x10240xi1> to vector<64x10240xi32>
    %convert_element_type3A_33 = arith.sitofp %convert_element_type3A_32 : vector<64x10240xi32> to vector<64x10240xf32>
    %shift_right_logical3A_34 = arith.constant 30 : i32
    %shift_right_logical3A_35 = vector.broadcast %shift_right_logical3A_34 : i32 to vector<1x10240xi32>
    %shift_right_logical3A_36 = arith.shrui %select_n3A_15, %shift_right_logical3A_35 : vector<1x10240xi32>
    %and3A = arith.constant 63 : i32
    %and3A_37 = vector.broadcast %and3A : i32 to vector<1x10240xi32>
    %and3A_38 = arith.andi %shift_right_logical3A_36, %and3A_37 : vector<1x10240xi32>
    %eq3A_39 = vector.broadcast %and3A_38 : vector<1x10240xi32> to vector<64x10240xi32>
    %eq3A_40 = vector.broadcast %iota3A_19 : vector<64x1xi32> to vector<64x10240xi32>
    %eq3A_41 = arith.cmpi eq, %eq3A_39, %eq3A_40 : vector<64x10240xi32>
    %convert_element_type3A_42 = arith.extui %eq3A_41 : vector<64x10240xi1> to vector<64x10240xi32>
    %convert_element_type3A_43 = arith.sitofp %convert_element_type3A_42 : vector<64x10240xi32> to vector<64x10240xf32>
    %dot_general3A = arith.constant dense<0.000000e+00> : vector<64x64xf32>
    %dot_general3A_44 = tpu.matmul %convert_element_type3A_33, %convert_element_type3A_43, %dot_general3A {dimension_numbers = #tpu.dot_dimension_numbers<[1], [1], [0], [0], [0, 0, 1, 0], [], []>, transpose_lhs_hint = false} : vector<64x10240xf32>, vector<64x10240xf32>, vector<64x64xf32> -> vector<64x64xf32>
    %dot_general3A_45 = arith.constant dense<0.000000e+00> : vector<64x64xf32>
    %dot_general3A_46 = tpu.matmul %dot_general3A_44, %convert_element_type3A_23, %dot_general3A_45 {dimension_numbers = #tpu.dot_dimension_numbers<[1], [0], [0], [1], [0, 0, 1, 1], [], []>, transpose_lhs_hint = false} : vector<64x64xf32>, vector<64x64xf32>, vector<64x64xf32> -> vector<64x64xf32>
    %add3A_47 = vector.broadcast %broadcast_in_dim3A_27 : vector<64x1xf32> to vector<64x64xf32>
    %add3A_48 = arith.addf %add3A_47, %dot_general3A_46 : vector<64x64xf32>
    %ge3A_49 = vector.broadcast %convert_element_type3A : vector<64x1xf32> to vector<64x64xf32>
    %ge3A_50 = arith.cmpf oge, %add3A_48, %ge3A_49 : vector<64x64xf32>
    %convert_element_type3A_51 = arith.extui %ge3A_50 : vector<64x64xi1> to vector<64x64xi32>
    %reduce_sum3A = arith.constant dense<0> : vector<64xi32>
    %reduce_sum3A_52 = vector.multi_reduction <add>, %convert_element_type3A_51, %reduce_sum3A [1] : vector<64x64xi32> to vector<64xi32>
    %broadcast_in_dim3A_53 = vector.shape_cast %reduce_sum3A_52 : vector<64xi32> to vector<64x1xi32>
    %sub3A = arith.constant 1 : i32
    %sub3A_54 = vector.broadcast %sub3A : i32 to vector<64x1xi32>
    %sub3A_55 = arith.subi %broadcast_in_dim3A_53, %sub3A_54 : vector<64x1xi32>
    %eq3A_56 = vector.broadcast %sub3A_55 : vector<64x1xi32> to vector<64x64xi32>
    %eq3A_57 = arith.cmpi eq, %iota3A_20, %eq3A_56 : vector<64x64xi32>
    %convert_element_type3A_58 = arith.extui %eq3A_57 : vector<64x64xi1> to vector<64x64xi32>
    %convert_element_type3A_59 = arith.sitofp %convert_element_type3A_58 : vector<64x64xi32> to vector<64x64xf32>
    %sub3A_60 = arith.subf %add3A_48, %dot_general3A_44 : vector<64x64xf32>
    %mul3A_61 = arith.mulf %sub3A_60, %convert_element_type3A_59 : vector<64x64xf32>
    %reduce_sum3A_62 = arith.constant dense<0.000000e+00> : vector<64xf32>
    %reduce_sum3A_63 = vector.multi_reduction <add>, %mul3A_61, %reduce_sum3A_62 [1] : vector<64x64xf32> to vector<64xf32>
    %broadcast_in_dim3A_64 = vector.shape_cast %reduce_sum3A_63 : vector<64xf32> to vector<64x1xf32>
    %mul3A_65 = arith.constant 64 : i32
    %mul3A_66 = vector.broadcast %mul3A_65 : i32 to vector<64x1xi32>
    %mul3A_67 = arith.muli %broadcast_in_dim3A_25, %mul3A_66 : vector<64x1xi32>
    %add3A_68 = arith.addi %mul3A_67, %sub3A_55 : vector<64x1xi32>
    %shift_right_logical3A_69 = arith.constant 30 : i32
    %shift_right_logical3A_70 = vector.broadcast %shift_right_logical3A_69 : i32 to vector<1x10240xi32>
    %shift_right_logical3A_71 = arith.shrui %select_n3A_15, %shift_right_logical3A_70 : vector<1x10240xi32>
    %eq3A_72 = vector.broadcast %shift_right_logical3A_71 : vector<1x10240xi32> to vector<64x10240xi32>
    %eq3A_73 = vector.broadcast %add3A_68 : vector<64x1xi32> to vector<64x10240xi32>
    %eq3A_74 = arith.cmpi eq, %eq3A_72, %eq3A_73 : vector<64x10240xi32>
    %convert_element_type3A_75 = arith.extui %eq3A_74 : vector<64x10240xi1> to vector<64x10240xi32>
    %convert_element_type3A_76 = arith.sitofp %convert_element_type3A_75 : vector<64x10240xi32> to vector<64x10240xf32>
    %shift_right_logical3A_77 = arith.constant 24 : i32
    %shift_right_logical3A_78 = vector.broadcast %shift_right_logical3A_77 : i32 to vector<1x10240xi32>
    %shift_right_logical3A_79 = arith.shrui %select_n3A_15, %shift_right_logical3A_78 : vector<1x10240xi32>
    %and3A_80 = arith.constant 63 : i32
    %and3A_81 = vector.broadcast %and3A_80 : i32 to vector<1x10240xi32>
    %and3A_82 = arith.andi %shift_right_logical3A_79, %and3A_81 : vector<1x10240xi32>
    %eq3A_83 = vector.broadcast %and3A_82 : vector<1x10240xi32> to vector<64x10240xi32>
    %eq3A_84 = vector.broadcast %iota3A_19 : vector<64x1xi32> to vector<64x10240xi32>
    %eq3A_85 = arith.cmpi eq, %eq3A_83, %eq3A_84 : vector<64x10240xi32>
    %convert_element_type3A_86 = arith.extui %eq3A_85 : vector<64x10240xi1> to vector<64x10240xi32>
    %convert_element_type3A_87 = arith.sitofp %convert_element_type3A_86 : vector<64x10240xi32> to vector<64x10240xf32>
    %dot_general3A_88 = arith.constant dense<0.000000e+00> : vector<64x64xf32>
    %dot_general3A_89 = tpu.matmul %convert_element_type3A_76, %convert_element_type3A_87, %dot_general3A_88 {dimension_numbers = #tpu.dot_dimension_numbers<[1], [1], [0], [0], [0, 0, 1, 0], [], []>, transpose_lhs_hint = false} : vector<64x10240xf32>, vector<64x10240xf32>, vector<64x64xf32> -> vector<64x64xf32>
    %dot_general3A_90 = arith.constant dense<0.000000e+00> : vector<64x64xf32>
    %dot_general3A_91 = tpu.matmul %dot_general3A_89, %convert_element_type3A_23, %dot_general3A_90 {dimension_numbers = #tpu.dot_dimension_numbers<[1], [0], [0], [1], [0, 0, 1, 1], [], []>, transpose_lhs_hint = false} : vector<64x64xf32>, vector<64x64xf32>, vector<64x64xf32> -> vector<64x64xf32>
    %add3A_92 = vector.broadcast %broadcast_in_dim3A_64 : vector<64x1xf32> to vector<64x64xf32>
    %add3A_93 = arith.addf %add3A_92, %dot_general3A_91 : vector<64x64xf32>
    %ge3A_94 = vector.broadcast %convert_element_type3A : vector<64x1xf32> to vector<64x64xf32>
    %ge3A_95 = arith.cmpf oge, %add3A_93, %ge3A_94 : vector<64x64xf32>
    %convert_element_type3A_96 = arith.extui %ge3A_95 : vector<64x64xi1> to vector<64x64xi32>
    %reduce_sum3A_97 = arith.constant dense<0> : vector<64xi32>
    %reduce_sum3A_98 = vector.multi_reduction <add>, %convert_element_type3A_96, %reduce_sum3A_97 [1] : vector<64x64xi32> to vector<64xi32>
    %broadcast_in_dim3A_99 = vector.shape_cast %reduce_sum3A_98 : vector<64xi32> to vector<64x1xi32>
    %sub3A_100 = arith.constant 1 : i32
    %sub3A_101 = vector.broadcast %sub3A_100 : i32 to vector<64x1xi32>
    %sub3A_102 = arith.subi %broadcast_in_dim3A_99, %sub3A_101 : vector<64x1xi32>
    %eq3A_103 = vector.broadcast %sub3A_102 : vector<64x1xi32> to vector<64x64xi32>
    %eq3A_104 = arith.cmpi eq, %iota3A_20, %eq3A_103 : vector<64x64xi32>
    %convert_element_type3A_105 = arith.extui %eq3A_104 : vector<64x64xi1> to vector<64x64xi32>
    %convert_element_type3A_106 = arith.sitofp %convert_element_type3A_105 : vector<64x64xi32> to vector<64x64xf32>
    %sub3A_107 = arith.subf %add3A_93, %dot_general3A_89 : vector<64x64xf32>
    %mul3A_108 = arith.mulf %sub3A_107, %convert_element_type3A_106 : vector<64x64xf32>
    %reduce_sum3A_109 = arith.constant dense<0.000000e+00> : vector<64xf32>
    %reduce_sum3A_110 = vector.multi_reduction <add>, %mul3A_108, %reduce_sum3A_109 [1] : vector<64x64xf32> to vector<64xf32>
    %broadcast_in_dim3A_111 = vector.shape_cast %reduce_sum3A_110 : vector<64xf32> to vector<64x1xf32>
    %mul3A_112 = arith.constant 64 : i32
    %mul3A_113 = vector.broadcast %mul3A_112 : i32 to vector<64x1xi32>
    %mul3A_114 = arith.muli %add3A_68, %mul3A_113 : vector<64x1xi32>
    %add3A_115 = arith.addi %mul3A_114, %sub3A_102 : vector<64x1xi32>
    %shift_right_logical3A_116 = arith.constant 24 : i32
    %shift_right_logical3A_117 = vector.broadcast %shift_right_logical3A_116 : i32 to vector<1x10240xi32>
    %shift_right_logical3A_118 = arith.shrui %select_n3A_15, %shift_right_logical3A_117 : vector<1x10240xi32>
    %eq3A_119 = vector.broadcast %shift_right_logical3A_118 : vector<1x10240xi32> to vector<64x10240xi32>
    %eq3A_120 = vector.broadcast %add3A_115 : vector<64x1xi32> to vector<64x10240xi32>
    %eq3A_121 = arith.cmpi eq, %eq3A_119, %eq3A_120 : vector<64x10240xi32>
    %convert_element_type3A_122 = arith.extui %eq3A_121 : vector<64x10240xi1> to vector<64x10240xi32>
    %convert_element_type3A_123 = arith.sitofp %convert_element_type3A_122 : vector<64x10240xi32> to vector<64x10240xf32>
    %shift_right_logical3A_124 = arith.constant 18 : i32
    %shift_right_logical3A_125 = vector.broadcast %shift_right_logical3A_124 : i32 to vector<1x10240xi32>
    %shift_right_logical3A_126 = arith.shrui %select_n3A_15, %shift_right_logical3A_125 : vector<1x10240xi32>
    %and3A_127 = arith.constant 63 : i32
    %and3A_128 = vector.broadcast %and3A_127 : i32 to vector<1x10240xi32>
    %and3A_129 = arith.andi %shift_right_logical3A_126, %and3A_128 : vector<1x10240xi32>
    %eq3A_130 = vector.broadcast %and3A_129 : vector<1x10240xi32> to vector<64x10240xi32>
    %eq3A_131 = vector.broadcast %iota3A_19 : vector<64x1xi32> to vector<64x10240xi32>
    %eq3A_132 = arith.cmpi eq, %eq3A_130, %eq3A_131 : vector<64x10240xi32>
    %convert_element_type3A_133 = arith.extui %eq3A_132 : vector<64x10240xi1> to vector<64x10240xi32>
    %convert_element_type3A_134 = arith.sitofp %convert_element_type3A_133 : vector<64x10240xi32> to vector<64x10240xf32>
    %dot_general3A_135 = arith.constant dense<0.000000e+00> : vector<64x64xf32>
    %dot_general3A_136 = tpu.matmul %convert_element_type3A_123, %convert_element_type3A_134, %dot_general3A_135 {dimension_numbers = #tpu.dot_dimension_numbers<[1], [1], [0], [0], [0, 0, 1, 0], [], []>, transpose_lhs_hint = false} : vector<64x10240xf32>, vector<64x10240xf32>, vector<64x64xf32> -> vector<64x64xf32>
    %dot_general3A_137 = arith.constant dense<0.000000e+00> : vector<64x64xf32>
    %dot_general3A_138 = tpu.matmul %dot_general3A_136, %convert_element_type3A_23, %dot_general3A_137 {dimension_numbers = #tpu.dot_dimension_numbers<[1], [0], [0], [1], [0, 0, 1, 1], [], []>, transpose_lhs_hint = false} : vector<64x64xf32>, vector<64x64xf32>, vector<64x64xf32> -> vector<64x64xf32>
    %add3A_139 = vector.broadcast %broadcast_in_dim3A_111 : vector<64x1xf32> to vector<64x64xf32>
    %add3A_140 = arith.addf %add3A_139, %dot_general3A_138 : vector<64x64xf32>
    %ge3A_141 = vector.broadcast %convert_element_type3A : vector<64x1xf32> to vector<64x64xf32>
    %ge3A_142 = arith.cmpf oge, %add3A_140, %ge3A_141 : vector<64x64xf32>
    %convert_element_type3A_143 = arith.extui %ge3A_142 : vector<64x64xi1> to vector<64x64xi32>
    %reduce_sum3A_144 = arith.constant dense<0> : vector<64xi32>
    %reduce_sum3A_145 = vector.multi_reduction <add>, %convert_element_type3A_143, %reduce_sum3A_144 [1] : vector<64x64xi32> to vector<64xi32>
    %broadcast_in_dim3A_146 = vector.shape_cast %reduce_sum3A_145 : vector<64xi32> to vector<64x1xi32>
    %sub3A_147 = arith.constant 1 : i32
    %sub3A_148 = vector.broadcast %sub3A_147 : i32 to vector<64x1xi32>
    %sub3A_149 = arith.subi %broadcast_in_dim3A_146, %sub3A_148 : vector<64x1xi32>
    %eq3A_150 = vector.broadcast %sub3A_149 : vector<64x1xi32> to vector<64x64xi32>
    %eq3A_151 = arith.cmpi eq, %iota3A_20, %eq3A_150 : vector<64x64xi32>
    %convert_element_type3A_152 = arith.extui %eq3A_151 : vector<64x64xi1> to vector<64x64xi32>
    %convert_element_type3A_153 = arith.sitofp %convert_element_type3A_152 : vector<64x64xi32> to vector<64x64xf32>
    %sub3A_154 = arith.subf %add3A_140, %dot_general3A_136 : vector<64x64xf32>
    %mul3A_155 = arith.mulf %sub3A_154, %convert_element_type3A_153 : vector<64x64xf32>
    %reduce_sum3A_156 = arith.constant dense<0.000000e+00> : vector<64xf32>
    %reduce_sum3A_157 = vector.multi_reduction <add>, %mul3A_155, %reduce_sum3A_156 [1] : vector<64x64xf32> to vector<64xf32>
    %broadcast_in_dim3A_158 = vector.shape_cast %reduce_sum3A_157 : vector<64xf32> to vector<64x1xf32>
    %mul3A_159 = arith.constant 64 : i32
    %mul3A_160 = vector.broadcast %mul3A_159 : i32 to vector<64x1xi32>
    %mul3A_161 = arith.muli %add3A_115, %mul3A_160 : vector<64x1xi32>
    %add3A_162 = arith.addi %mul3A_161, %sub3A_149 : vector<64x1xi32>
    %shift_right_logical3A_163 = arith.constant 18 : i32
    %shift_right_logical3A_164 = vector.broadcast %shift_right_logical3A_163 : i32 to vector<1x10240xi32>
    %shift_right_logical3A_165 = arith.shrui %select_n3A_15, %shift_right_logical3A_164 : vector<1x10240xi32>
    %eq3A_166 = vector.broadcast %shift_right_logical3A_165 : vector<1x10240xi32> to vector<64x10240xi32>
    %eq3A_167 = vector.broadcast %add3A_162 : vector<64x1xi32> to vector<64x10240xi32>
    %eq3A_168 = arith.cmpi eq, %eq3A_166, %eq3A_167 : vector<64x10240xi32>
    %convert_element_type3A_169 = arith.extui %eq3A_168 : vector<64x10240xi1> to vector<64x10240xi32>
    %convert_element_type3A_170 = arith.sitofp %convert_element_type3A_169 : vector<64x10240xi32> to vector<64x10240xf32>
    %shift_right_logical3A_171 = arith.constant 12 : i32
    %shift_right_logical3A_172 = vector.broadcast %shift_right_logical3A_171 : i32 to vector<1x10240xi32>
    %shift_right_logical3A_173 = arith.shrui %select_n3A_15, %shift_right_logical3A_172 : vector<1x10240xi32>
    %and3A_174 = arith.constant 63 : i32
    %and3A_175 = vector.broadcast %and3A_174 : i32 to vector<1x10240xi32>
    %and3A_176 = arith.andi %shift_right_logical3A_173, %and3A_175 : vector<1x10240xi32>
    %eq3A_177 = vector.broadcast %and3A_176 : vector<1x10240xi32> to vector<64x10240xi32>
    %eq3A_178 = vector.broadcast %iota3A_19 : vector<64x1xi32> to vector<64x10240xi32>
    %eq3A_179 = arith.cmpi eq, %eq3A_177, %eq3A_178 : vector<64x10240xi32>
    %convert_element_type3A_180 = arith.extui %eq3A_179 : vector<64x10240xi1> to vector<64x10240xi32>
    %convert_element_type3A_181 = arith.sitofp %convert_element_type3A_180 : vector<64x10240xi32> to vector<64x10240xf32>
    %dot_general3A_182 = arith.constant dense<0.000000e+00> : vector<64x64xf32>
    %dot_general3A_183 = tpu.matmul %convert_element_type3A_170, %convert_element_type3A_181, %dot_general3A_182 {dimension_numbers = #tpu.dot_dimension_numbers<[1], [1], [0], [0], [0, 0, 1, 0], [], []>, transpose_lhs_hint = false} : vector<64x10240xf32>, vector<64x10240xf32>, vector<64x64xf32> -> vector<64x64xf32>
    %dot_general3A_184 = arith.constant dense<0.000000e+00> : vector<64x64xf32>
    %dot_general3A_185 = tpu.matmul %dot_general3A_183, %convert_element_type3A_23, %dot_general3A_184 {dimension_numbers = #tpu.dot_dimension_numbers<[1], [0], [0], [1], [0, 0, 1, 1], [], []>, transpose_lhs_hint = false} : vector<64x64xf32>, vector<64x64xf32>, vector<64x64xf32> -> vector<64x64xf32>
    %add3A_186 = vector.broadcast %broadcast_in_dim3A_158 : vector<64x1xf32> to vector<64x64xf32>
    %add3A_187 = arith.addf %add3A_186, %dot_general3A_185 : vector<64x64xf32>
    %ge3A_188 = vector.broadcast %convert_element_type3A : vector<64x1xf32> to vector<64x64xf32>
    %ge3A_189 = arith.cmpf oge, %add3A_187, %ge3A_188 : vector<64x64xf32>
    %convert_element_type3A_190 = arith.extui %ge3A_189 : vector<64x64xi1> to vector<64x64xi32>
    %reduce_sum3A_191 = arith.constant dense<0> : vector<64xi32>
    %reduce_sum3A_192 = vector.multi_reduction <add>, %convert_element_type3A_190, %reduce_sum3A_191 [1] : vector<64x64xi32> to vector<64xi32>
    %broadcast_in_dim3A_193 = vector.shape_cast %reduce_sum3A_192 : vector<64xi32> to vector<64x1xi32>
    %sub3A_194 = arith.constant 1 : i32
    %sub3A_195 = vector.broadcast %sub3A_194 : i32 to vector<64x1xi32>
    %sub3A_196 = arith.subi %broadcast_in_dim3A_193, %sub3A_195 : vector<64x1xi32>
    %eq3A_197 = vector.broadcast %sub3A_196 : vector<64x1xi32> to vector<64x64xi32>
    %eq3A_198 = arith.cmpi eq, %iota3A_20, %eq3A_197 : vector<64x64xi32>
    %convert_element_type3A_199 = arith.extui %eq3A_198 : vector<64x64xi1> to vector<64x64xi32>
    %convert_element_type3A_200 = arith.sitofp %convert_element_type3A_199 : vector<64x64xi32> to vector<64x64xf32>
    %sub3A_201 = arith.subf %add3A_187, %dot_general3A_183 : vector<64x64xf32>
    %mul3A_202 = arith.mulf %sub3A_201, %convert_element_type3A_200 : vector<64x64xf32>
    %reduce_sum3A_203 = arith.constant dense<0.000000e+00> : vector<64xf32>
    %reduce_sum3A_204 = vector.multi_reduction <add>, %mul3A_202, %reduce_sum3A_203 [1] : vector<64x64xf32> to vector<64xf32>
    %broadcast_in_dim3A_205 = vector.shape_cast %reduce_sum3A_204 : vector<64xf32> to vector<64x1xf32>
    %mul3A_206 = arith.constant 64 : i32
    %mul3A_207 = vector.broadcast %mul3A_206 : i32 to vector<64x1xi32>
    %mul3A_208 = arith.muli %add3A_162, %mul3A_207 : vector<64x1xi32>
    %add3A_209 = arith.addi %mul3A_208, %sub3A_196 : vector<64x1xi32>
    %shift_right_logical3A_210 = arith.constant 12 : i32
    %shift_right_logical3A_211 = vector.broadcast %shift_right_logical3A_210 : i32 to vector<1x10240xi32>
    %shift_right_logical3A_212 = arith.shrui %select_n3A_15, %shift_right_logical3A_211 : vector<1x10240xi32>
    %eq3A_213 = vector.broadcast %shift_right_logical3A_212 : vector<1x10240xi32> to vector<64x10240xi32>
    %eq3A_214 = vector.broadcast %add3A_209 : vector<64x1xi32> to vector<64x10240xi32>
    %eq3A_215 = arith.cmpi eq, %eq3A_213, %eq3A_214 : vector<64x10240xi32>
    %convert_element_type3A_216 = arith.extui %eq3A_215 : vector<64x10240xi1> to vector<64x10240xi32>
    %convert_element_type3A_217 = arith.sitofp %convert_element_type3A_216 : vector<64x10240xi32> to vector<64x10240xf32>
    %shift_right_logical3A_218 = arith.constant 6 : i32
    %shift_right_logical3A_219 = vector.broadcast %shift_right_logical3A_218 : i32 to vector<1x10240xi32>
    %shift_right_logical3A_220 = arith.shrui %select_n3A_15, %shift_right_logical3A_219 : vector<1x10240xi32>
    %and3A_221 = arith.constant 63 : i32
    %and3A_222 = vector.broadcast %and3A_221 : i32 to vector<1x10240xi32>
    %and3A_223 = arith.andi %shift_right_logical3A_220, %and3A_222 : vector<1x10240xi32>
    %eq3A_224 = vector.broadcast %and3A_223 : vector<1x10240xi32> to vector<64x10240xi32>
    %eq3A_225 = vector.broadcast %iota3A_19 : vector<64x1xi32> to vector<64x10240xi32>
    %eq3A_226 = arith.cmpi eq, %eq3A_224, %eq3A_225 : vector<64x10240xi32>
    %convert_element_type3A_227 = arith.extui %eq3A_226 : vector<64x10240xi1> to vector<64x10240xi32>
    %convert_element_type3A_228 = arith.sitofp %convert_element_type3A_227 : vector<64x10240xi32> to vector<64x10240xf32>
    %dot_general3A_229 = arith.constant dense<0.000000e+00> : vector<64x64xf32>
    %dot_general3A_230 = tpu.matmul %convert_element_type3A_217, %convert_element_type3A_228, %dot_general3A_229 {dimension_numbers = #tpu.dot_dimension_numbers<[1], [1], [0], [0], [0, 0, 1, 0], [], []>, transpose_lhs_hint = false} : vector<64x10240xf32>, vector<64x10240xf32>, vector<64x64xf32> -> vector<64x64xf32>
    %dot_general3A_231 = arith.constant dense<0.000000e+00> : vector<64x64xf32>
    %dot_general3A_232 = tpu.matmul %dot_general3A_230, %convert_element_type3A_23, %dot_general3A_231 {dimension_numbers = #tpu.dot_dimension_numbers<[1], [0], [0], [1], [0, 0, 1, 1], [], []>, transpose_lhs_hint = false} : vector<64x64xf32>, vector<64x64xf32>, vector<64x64xf32> -> vector<64x64xf32>
    %add3A_233 = vector.broadcast %broadcast_in_dim3A_205 : vector<64x1xf32> to vector<64x64xf32>
    %add3A_234 = arith.addf %add3A_233, %dot_general3A_232 : vector<64x64xf32>
    %ge3A_235 = vector.broadcast %convert_element_type3A : vector<64x1xf32> to vector<64x64xf32>
    %ge3A_236 = arith.cmpf oge, %add3A_234, %ge3A_235 : vector<64x64xf32>
    %convert_element_type3A_237 = arith.extui %ge3A_236 : vector<64x64xi1> to vector<64x64xi32>
    %reduce_sum3A_238 = arith.constant dense<0> : vector<64xi32>
    %reduce_sum3A_239 = vector.multi_reduction <add>, %convert_element_type3A_237, %reduce_sum3A_238 [1] : vector<64x64xi32> to vector<64xi32>
    %broadcast_in_dim3A_240 = vector.shape_cast %reduce_sum3A_239 : vector<64xi32> to vector<64x1xi32>
    %sub3A_241 = arith.constant 1 : i32
    %sub3A_242 = vector.broadcast %sub3A_241 : i32 to vector<64x1xi32>
    %sub3A_243 = arith.subi %broadcast_in_dim3A_240, %sub3A_242 : vector<64x1xi32>
    %eq3A_244 = vector.broadcast %sub3A_243 : vector<64x1xi32> to vector<64x64xi32>
    %eq3A_245 = arith.cmpi eq, %iota3A_20, %eq3A_244 : vector<64x64xi32>
    %convert_element_type3A_246 = arith.extui %eq3A_245 : vector<64x64xi1> to vector<64x64xi32>
    %convert_element_type3A_247 = arith.sitofp %convert_element_type3A_246 : vector<64x64xi32> to vector<64x64xf32>
    %sub3A_248 = arith.subf %add3A_234, %dot_general3A_230 : vector<64x64xf32>
    %mul3A_249 = arith.mulf %sub3A_248, %convert_element_type3A_247 : vector<64x64xf32>
    %reduce_sum3A_250 = arith.constant dense<0.000000e+00> : vector<64xf32>
    %reduce_sum3A_251 = vector.multi_reduction <add>, %mul3A_249, %reduce_sum3A_250 [1] : vector<64x64xf32> to vector<64xf32>
    %broadcast_in_dim3A_252 = vector.shape_cast %reduce_sum3A_251 : vector<64xf32> to vector<64x1xf32>
    %mul3A_253 = arith.constant 64 : i32
    %mul3A_254 = vector.broadcast %mul3A_253 : i32 to vector<64x1xi32>
    %mul3A_255 = arith.muli %add3A_209, %mul3A_254 : vector<64x1xi32>
    %add3A_256 = arith.addi %mul3A_255, %sub3A_243 : vector<64x1xi32>
    %shift_right_logical3A_257 = arith.constant 6 : i32
    %shift_right_logical3A_258 = vector.broadcast %shift_right_logical3A_257 : i32 to vector<1x10240xi32>
    %shift_right_logical3A_259 = arith.shrui %select_n3A_15, %shift_right_logical3A_258 : vector<1x10240xi32>
    %eq3A_260 = vector.broadcast %shift_right_logical3A_259 : vector<1x10240xi32> to vector<64x10240xi32>
    %eq3A_261 = vector.broadcast %add3A_256 : vector<64x1xi32> to vector<64x10240xi32>
    %eq3A_262 = arith.cmpi eq, %eq3A_260, %eq3A_261 : vector<64x10240xi32>
    %convert_element_type3A_263 = arith.extui %eq3A_262 : vector<64x10240xi1> to vector<64x10240xi32>
    %convert_element_type3A_264 = arith.sitofp %convert_element_type3A_263 : vector<64x10240xi32> to vector<64x10240xf32>
    %shift_right_logical3A_265 = arith.constant 0 : i32
    %shift_right_logical3A_266 = vector.broadcast %shift_right_logical3A_265 : i32 to vector<1x10240xi32>
    %shift_right_logical3A_267 = arith.shrui %select_n3A_15, %shift_right_logical3A_266 : vector<1x10240xi32>
    %and3A_268 = arith.constant 63 : i32
    %and3A_269 = vector.broadcast %and3A_268 : i32 to vector<1x10240xi32>
    %and3A_270 = arith.andi %shift_right_logical3A_267, %and3A_269 : vector<1x10240xi32>
    %eq3A_271 = vector.broadcast %and3A_270 : vector<1x10240xi32> to vector<64x10240xi32>
    %eq3A_272 = vector.broadcast %iota3A_19 : vector<64x1xi32> to vector<64x10240xi32>
    %eq3A_273 = arith.cmpi eq, %eq3A_271, %eq3A_272 : vector<64x10240xi32>
    %convert_element_type3A_274 = arith.extui %eq3A_273 : vector<64x10240xi1> to vector<64x10240xi32>
    %convert_element_type3A_275 = arith.sitofp %convert_element_type3A_274 : vector<64x10240xi32> to vector<64x10240xf32>
    %dot_general3A_276 = arith.constant dense<0.000000e+00> : vector<64x64xf32>
    %dot_general3A_277 = tpu.matmul %convert_element_type3A_264, %convert_element_type3A_275, %dot_general3A_276 {dimension_numbers = #tpu.dot_dimension_numbers<[1], [1], [0], [0], [0, 0, 1, 0], [], []>, transpose_lhs_hint = false} : vector<64x10240xf32>, vector<64x10240xf32>, vector<64x64xf32> -> vector<64x64xf32>
    %dot_general3A_278 = arith.constant dense<0.000000e+00> : vector<64x64xf32>
    %dot_general3A_279 = tpu.matmul %dot_general3A_277, %convert_element_type3A_23, %dot_general3A_278 {dimension_numbers = #tpu.dot_dimension_numbers<[1], [0], [0], [1], [0, 0, 1, 1], [], []>, transpose_lhs_hint = false} : vector<64x64xf32>, vector<64x64xf32>, vector<64x64xf32> -> vector<64x64xf32>
    %add3A_280 = vector.broadcast %broadcast_in_dim3A_252 : vector<64x1xf32> to vector<64x64xf32>
    %add3A_281 = arith.addf %add3A_280, %dot_general3A_279 : vector<64x64xf32>
    %ge3A_282 = vector.broadcast %convert_element_type3A : vector<64x1xf32> to vector<64x64xf32>
    %ge3A_283 = arith.cmpf oge, %add3A_281, %ge3A_282 : vector<64x64xf32>
    %convert_element_type3A_284 = arith.extui %ge3A_283 : vector<64x64xi1> to vector<64x64xi32>
    %reduce_sum3A_285 = arith.constant dense<0> : vector<64xi32>
    %reduce_sum3A_286 = vector.multi_reduction <add>, %convert_element_type3A_284, %reduce_sum3A_285 [1] : vector<64x64xi32> to vector<64xi32>
    %broadcast_in_dim3A_287 = vector.shape_cast %reduce_sum3A_286 : vector<64xi32> to vector<64x1xi32>
    %sub3A_288 = arith.constant 1 : i32
    %sub3A_289 = vector.broadcast %sub3A_288 : i32 to vector<64x1xi32>
    %sub3A_290 = arith.subi %broadcast_in_dim3A_287, %sub3A_289 : vector<64x1xi32>
    %mul3A_291 = arith.constant 64 : i32
    %mul3A_292 = vector.broadcast %mul3A_291 : i32 to vector<64x1xi32>
    %mul3A_293 = arith.muli %add3A_256, %mul3A_292 : vector<64x1xi32>
    %add3A_294 = arith.addi %mul3A_293, %sub3A_290 : vector<64x1xi32>
    %ge3A_295 = arith.constant 1 : i32
    %ge3A_296 = vector.broadcast %ge3A_295 : i32 to vector<64x1xi32>
    %ge3A_297 = arith.cmpi sge, %mul3A_18, %ge3A_296 : vector<64x1xi32>
    %jit3A_298 = arith.constant 2147483647 : i32
    %broadcast_in_dim3A_299 = vector.broadcast %jit3A_298 : i32 to vector<64x1xi32>
    %select_n3A_300 = arith.select %ge3A_297, %add3A_294, %broadcast_in_dim3A_299 : vector<64x1xi1>, vector<64x1xi32>
    %ge3A_301 = vector.broadcast %select_n3A_15 : vector<1x10240xi32> to vector<64x10240xi32>
    %ge3A_302 = vector.broadcast %select_n3A_300 : vector<64x1xi32> to vector<64x10240xi32>
    %ge3A_303 = arith.cmpi sge, %ge3A_301, %ge3A_302 : vector<64x10240xi32>
    %convert_element_type3A_304 = arith.extui %ge3A_303 : vector<64x10240xi1> to vector<64x10240xi32>
    %reduce_sum3A_305 = arith.constant dense<0> : vector<10240xi32>
    %reduce_sum3A_306 = vector.multi_reduction <add>, %convert_element_type3A_304, %reduce_sum3A_305 [0] : vector<64x10240xi32> to vector<10240xi32>
    %broadcast_in_dim3A_307 = vector.shape_cast %reduce_sum3A_306 : vector<10240xi32> to vector<1x10240xi32>
    %sub3A_308 = arith.constant 63 : i32
    %sub3A_309 = vector.broadcast %sub3A_308 : i32 to vector<1x10240xi32>
    %sub3A_310 = arith.subi %sub3A_309, %broadcast_in_dim3A_307 : vector<1x10240xi32>
    %slice3A = vector.extract_strided_slice %convert_element_type3A_304 {offsets = [0, 0], sizes = [64, 10000], strides = [1, 1]} : vector<64x10240xi32> to vector<64x10000xi32>
    %reduce_sum3A_311 = arith.constant dense<0> : vector<64xi32>
    %reduce_sum3A_312 = vector.multi_reduction <add>, %slice3A, %reduce_sum3A_311 [1] : vector<64x10000xi32> to vector<64xi32>
    %broadcast_in_dim3A_313 = vector.shape_cast %reduce_sum3A_312 : vector<64xi32> to vector<64x1xi32>
    %slice3A_314 = vector.extract_strided_slice %broadcast_in_dim3A_313 {offsets = [1, 0], sizes = [63, 1], strides = [1, 1]} : vector<64x1xi32> to vector<63x1xi32>
    %broadcast_in_dim3A_315 = arith.constant 10000 : i32
    %broadcast_in_dim3A_316 = vector.broadcast %broadcast_in_dim3A_315 : i32 to vector<1x1xi32>
    %concatenate3A = tpu.concatenate %slice3A_314, %broadcast_in_dim3A_316 in 0 : vector<63x1xi32>, vector<1x1xi32> -> vector<64x1xi32>
    %sub3A_317 = arith.subi %concatenate3A, %broadcast_in_dim3A_313 : vector<64x1xi32>
    %convert_element_type3A_318 = arith.sitofp %sub3A_317 : vector<64x1xi32> to vector<64x1xf32>
    %swap3A = arith.constant 0 : index
    %swap3A_319 = arith.constant 0 : index
    %swap3A_320 = arith.constant 0 : index
    %swap3A_321 = vector.load %arg3[%swap3A, %swap3A_319, %swap3A_320] : memref<1x64x1xf32, #tpu.memory_space<vmem>>, vector<1x64x1xf32>
    %swap3A_322 = vector.shape_cast %swap3A_321 : vector<1x64x1xf32> to vector<64x1xf32>
    %swap3A_323 = vector.shape_cast %convert_element_type3A_318 : vector<64x1xf32> to vector<1x64x1xf32>
    tpu.vector_store %arg3[%swap3A, %swap3A_319, %swap3A_320], %swap3A_323 {strides = array<i32>} : memref<1x64x1xf32, #tpu.memory_space<vmem>>, vector<1x64x1xf32>,
    %mul3A_324 = arith.constant 64 : i32
    %mul3A_325 = arith.muli %mul3A_324, %arg0 : i32
    %add3A_326 = vector.broadcast %mul3A_325 : i32 to vector<1x10240xi32>
    %add3A_327 = arith.addi %sub3A_310, %add3A_326 : vector<1x10240xi32>
    %mul3A_328 = arith.constant 2 : i32
    %mul3A_329 = vector.broadcast %mul3A_328 : i32 to vector<1x10240xi32>
    %mul3A_330 = arith.muli %add3A_327, %mul3A_329 : vector<1x10240xi32>
    %broadcast_in_dim3A_331 = vector.shape_cast %mul3A_330 : vector<1x10240xi32> to vector<1x10240x1xi32>
    %broadcast_in_dim3A_332 = vector.broadcast %broadcast_in_dim3A_331 : vector<1x10240x1xi32> to vector<1x10240x2xi32>
    %reshape3A = vector.shape_cast %broadcast_in_dim3A_332 : vector<1x10240x2xi32> to vector<1x20480xi32>
    %iota3A_333 = tpu.iota {dimensions = array<i32: 1>} : vector<1x512xi32>
    %and3A_334 = arith.constant 1 : i32
    %and3A_335 = vector.broadcast %and3A_334 : i32 to vector<1x512xi32>
    %and3A_336 = arith.andi %iota3A_333, %and3A_335 : vector<1x512xi32>
    %mul3A_337 = arith.constant 16 : i32
    %mul3A_338 = arith.muli %mul3A_337, %arg0 : i32
    %add3A_339 = vector.broadcast %mul3A_338 : i32 to vector<1x512xi32>
    %add3A_340 = arith.addi %iota3A_333, %add3A_339 : vector<1x512xi32>
    %and3A_341 = arith.constant 255 : i32
    %and3A_342 = vector.broadcast %and3A_341 : i32 to vector<1x512xi32>
    %and3A_343 = arith.andi %add3A_340, %and3A_342 : vector<1x512xi32>
    %add3A_344 = arith.constant 2048 : i32
    %add3A_345 = vector.broadcast %add3A_344 : i32 to vector<1x512xi32>
    %add3A_346 = arith.addi %add3A_345, %and3A_343 : vector<1x512xi32>
    %slice3A_347 = vector.extract_strided_slice %reshape3A {offsets = [0, 0], sizes = [1, 512], strides = [1, 1]} : vector<1x20480xi32> to vector<1x512xi32>
    %add3A_348 = arith.addi %slice3A_347, %and3A_336 : vector<1x512xi32>
    %reshape3A_349 = vector.shape_cast %add3A_348 : vector<1x512xi32> to vector<4x128xi32>
    %slice3A_350 = vector.extract_strided_slice %reshape3A {offsets = [0, 512], sizes = [1, 512], strides = [1, 1]} : vector<1x20480xi32> to vector<1x512xi32>
    %add3A_351 = arith.addi %slice3A_350, %and3A_336 : vector<1x512xi32>
    %reshape3A_352 = vector.shape_cast %add3A_351 : vector<1x512xi32> to vector<4x128xi32>
    %slice3A_353 = vector.extract_strided_slice %reshape3A {offsets = [0, 1024], sizes = [1, 512], strides = [1, 1]} : vector<1x20480xi32> to vector<1x512xi32>
    %add3A_354 = arith.addi %slice3A_353, %and3A_336 : vector<1x512xi32>
    %reshape3A_355 = vector.shape_cast %add3A_354 : vector<1x512xi32> to vector<4x128xi32>
    %slice3A_356 = vector.extract_strided_slice %reshape3A {offsets = [0, 1536], sizes = [1, 512], strides = [1, 1]} : vector<1x20480xi32> to vector<1x512xi32>
    %add3A_357 = arith.addi %slice3A_356, %and3A_336 : vector<1x512xi32>
    %reshape3A_358 = vector.shape_cast %add3A_357 : vector<1x512xi32> to vector<4x128xi32>
    %slice3A_359 = vector.extract_strided_slice %reshape3A {offsets = [0, 2048], sizes = [1, 512], strides = [1, 1]} : vector<1x20480xi32> to vector<1x512xi32>
    %add3A_360 = arith.addi %slice3A_359, %and3A_336 : vector<1x512xi32>
    %reshape3A_361 = vector.shape_cast %add3A_360 : vector<1x512xi32> to vector<4x128xi32>
    %slice3A_362 = vector.extract_strided_slice %reshape3A {offsets = [0, 2560], sizes = [1, 512], strides = [1, 1]} : vector<1x20480xi32> to vector<1x512xi32>
    %add3A_363 = arith.addi %slice3A_362, %and3A_336 : vector<1x512xi32>
    %reshape3A_364 = vector.shape_cast %add3A_363 : vector<1x512xi32> to vector<4x128xi32>
    %slice3A_365 = vector.extract_strided_slice %reshape3A {offsets = [0, 3072], sizes = [1, 512], strides = [1, 1]} : vector<1x20480xi32> to vector<1x512xi32>
    %add3A_366 = arith.addi %slice3A_365, %and3A_336 : vector<1x512xi32>
    %reshape3A_367 = vector.shape_cast %add3A_366 : vector<1x512xi32> to vector<4x128xi32>
    %slice3A_368 = vector.extract_strided_slice %reshape3A {offsets = [0, 3584], sizes = [1, 512], strides = [1, 1]} : vector<1x20480xi32> to vector<1x512xi32>
    %add3A_369 = arith.addi %slice3A_368, %and3A_336 : vector<1x512xi32>
    %reshape3A_370 = vector.shape_cast %add3A_369 : vector<1x512xi32> to vector<4x128xi32>
    %slice3A_371 = vector.extract_strided_slice %reshape3A {offsets = [0, 4096], sizes = [1, 512], strides = [1, 1]} : vector<1x20480xi32> to vector<1x512xi32>
    %add3A_372 = arith.addi %slice3A_371, %and3A_336 : vector<1x512xi32>
    %reshape3A_373 = vector.shape_cast %add3A_372 : vector<1x512xi32> to vector<4x128xi32>
    %slice3A_374 = vector.extract_strided_slice %reshape3A {offsets = [0, 4608], sizes = [1, 512], strides = [1, 1]} : vector<1x20480xi32> to vector<1x512xi32>
    %add3A_375 = arith.addi %slice3A_374, %and3A_336 : vector<1x512xi32>
    %reshape3A_376 = vector.shape_cast %add3A_375 : vector<1x512xi32> to vector<4x128xi32>
    %slice3A_377 = vector.extract_strided_slice %reshape3A {offsets = [0, 5120], sizes = [1, 512], strides = [1, 1]} : vector<1x20480xi32> to vector<1x512xi32>
    %add3A_378 = arith.addi %slice3A_377, %and3A_336 : vector<1x512xi32>
    %reshape3A_379 = vector.shape_cast %add3A_378 : vector<1x512xi32> to vector<4x128xi32>
    %slice3A_380 = vector.extract_strided_slice %reshape3A {offsets = [0, 5632], sizes = [1, 512], strides = [1, 1]} : vector<1x20480xi32> to vector<1x512xi32>
    %add3A_381 = arith.addi %slice3A_380, %and3A_336 : vector<1x512xi32>
    %reshape3A_382 = vector.shape_cast %add3A_381 : vector<1x512xi32> to vector<4x128xi32>
    %slice3A_383 = vector.extract_strided_slice %reshape3A {offsets = [0, 6144], sizes = [1, 512], strides = [1, 1]} : vector<1x20480xi32> to vector<1x512xi32>
    %add3A_384 = arith.addi %slice3A_383, %and3A_336 : vector<1x512xi32>
    %reshape3A_385 = vector.shape_cast %add3A_384 : vector<1x512xi32> to vector<4x128xi32>
    %slice3A_386 = vector.extract_strided_slice %reshape3A {offsets = [0, 6656], sizes = [1, 512], strides = [1, 1]} : vector<1x20480xi32> to vector<1x512xi32>
    %add3A_387 = arith.addi %slice3A_386, %and3A_336 : vector<1x512xi32>
    %reshape3A_388 = vector.shape_cast %add3A_387 : vector<1x512xi32> to vector<4x128xi32>
    %slice3A_389 = vector.extract_strided_slice %reshape3A {offsets = [0, 7168], sizes = [1, 512], strides = [1, 1]} : vector<1x20480xi32> to vector<1x512xi32>
    %add3A_390 = arith.addi %slice3A_389, %and3A_336 : vector<1x512xi32>
    %reshape3A_391 = vector.shape_cast %add3A_390 : vector<1x512xi32> to vector<4x128xi32>
    %slice3A_392 = vector.extract_strided_slice %reshape3A {offsets = [0, 7680], sizes = [1, 512], strides = [1, 1]} : vector<1x20480xi32> to vector<1x512xi32>
    %add3A_393 = arith.addi %slice3A_392, %and3A_336 : vector<1x512xi32>
    %reshape3A_394 = vector.shape_cast %add3A_393 : vector<1x512xi32> to vector<4x128xi32>
    %slice3A_395 = vector.extract_strided_slice %reshape3A {offsets = [0, 8192], sizes = [1, 512], strides = [1, 1]} : vector<1x20480xi32> to vector<1x512xi32>
    %add3A_396 = arith.addi %slice3A_395, %and3A_336 : vector<1x512xi32>
    %reshape3A_397 = vector.shape_cast %add3A_396 : vector<1x512xi32> to vector<4x128xi32>
    %slice3A_398 = vector.extract_strided_slice %reshape3A {offsets = [0, 8704], sizes = [1, 512], strides = [1, 1]} : vector<1x20480xi32> to vector<1x512xi32>
    %add3A_399 = arith.addi %slice3A_398, %and3A_336 : vector<1x512xi32>
    %reshape3A_400 = vector.shape_cast %add3A_399 : vector<1x512xi32> to vector<4x128xi32>
    %slice3A_401 = vector.extract_strided_slice %reshape3A {offsets = [0, 9216], sizes = [1, 512], strides = [1, 1]} : vector<1x20480xi32> to vector<1x512xi32>
    %add3A_402 = arith.addi %slice3A_401, %and3A_336 : vector<1x512xi32>
    %reshape3A_403 = vector.shape_cast %add3A_402 : vector<1x512xi32> to vector<4x128xi32>
    %slice3A_404 = vector.extract_strided_slice %reshape3A {offsets = [0, 9488], sizes = [1, 512], strides = [1, 1]} : vector<1x20480xi32> to vector<1x512xi32>
    %add3A_405 = arith.addi %slice3A_404, %and3A_336 : vector<1x512xi32>
    %ge3A_406 = arith.constant 240 : i32
    %ge3A_407 = vector.broadcast %ge3A_406 : i32 to vector<1x512xi32>
    %ge3A_408 = arith.cmpi sge, %iota3A_333, %ge3A_407 : vector<1x512xi32>
    %select_n3A_409 = arith.select %ge3A_408, %add3A_405, %add3A_346 : vector<1x512xi1>, vector<1x512xi32>
    %reshape3A_410 = vector.shape_cast %select_n3A_409 : vector<1x512xi32> to vector<4x128xi32>
    %stack3A = vector.shape_cast %reshape3A_349 : vector<4x128xi32> to vector<1x4x128xi32>
    %stack3A_411 = vector.shape_cast %reshape3A_352 : vector<4x128xi32> to vector<1x4x128xi32>
    %stack3A_412 = vector.shape_cast %reshape3A_355 : vector<4x128xi32> to vector<1x4x128xi32>
    %stack3A_413 = vector.shape_cast %reshape3A_358 : vector<4x128xi32> to vector<1x4x128xi32>
    %stack3A_414 = vector.shape_cast %reshape3A_361 : vector<4x128xi32> to vector<1x4x128xi32>
    %stack3A_415 = vector.shape_cast %reshape3A_364 : vector<4x128xi32> to vector<1x4x128xi32>
    %stack3A_416 = vector.shape_cast %reshape3A_367 : vector<4x128xi32> to vector<1x4x128xi32>
    %stack3A_417 = vector.shape_cast %reshape3A_370 : vector<4x128xi32> to vector<1x4x128xi32>
    %stack3A_418 = vector.shape_cast %reshape3A_373 : vector<4x128xi32> to vector<1x4x128xi32>
    %stack3A_419 = vector.shape_cast %reshape3A_376 : vector<4x128xi32> to vector<1x4x128xi32>
    %stack3A_420 = vector.shape_cast %reshape3A_379 : vector<4x128xi32> to vector<1x4x128xi32>
    %stack3A_421 = vector.shape_cast %reshape3A_382 : vector<4x128xi32> to vector<1x4x128xi32>
    %stack3A_422 = vector.shape_cast %reshape3A_385 : vector<4x128xi32> to vector<1x4x128xi32>
    %stack3A_423 = vector.shape_cast %reshape3A_388 : vector<4x128xi32> to vector<1x4x128xi32>
    %stack3A_424 = vector.shape_cast %reshape3A_391 : vector<4x128xi32> to vector<1x4x128xi32>
    %stack3A_425 = vector.shape_cast %reshape3A_394 : vector<4x128xi32> to vector<1x4x128xi32>
    %stack3A_426 = vector.shape_cast %reshape3A_397 : vector<4x128xi32> to vector<1x4x128xi32>
    %stack3A_427 = vector.shape_cast %reshape3A_400 : vector<4x128xi32> to vector<1x4x128xi32>
    %stack3A_428 = vector.shape_cast %reshape3A_403 : vector<4x128xi32> to vector<1x4x128xi32>
    %stack3A_429 = vector.shape_cast %reshape3A_410 : vector<4x128xi32> to vector<1x4x128xi32>
    %stack3A_430 = tpu.concatenate %stack3A, %stack3A_411, %stack3A_412, %stack3A_413, %stack3A_414, %stack3A_415, %stack3A_416, %stack3A_417, %stack3A_418, %stack3A_419, %stack3A_420, %stack3A_421, %stack3A_422, %stack3A_423, %stack3A_424, %stack3A_425, %stack3A_426, %stack3A_427, %stack3A_428, %stack3A_429 in 0 : vector<1x4x128xi32>, vector<1x4x128xi32>, vector<1x4x128xi32>, vector<1x4x128xi32>, vector<1x4x128xi32>, vector<1x4x128xi32>, vector<1x4x128xi32>, vector<1x4x128xi32>, vector<1x4x128xi32>, vector<1x4x128xi32>, vector<1x4x128xi32>, vector<1x4x128xi32>, vector<1x4x128xi32>, vector<1x4x128xi32>, vector<1x4x128xi32>, vector<1x4x128xi32>, vector<1x4x128xi32>, vector<1x4x128xi32>, vector<1x4x128xi32>, vector<1x4x128xi32> -> vector<20x4x128xi32>
    %slice3A_431 = vector.extract_strided_slice %reshape3A {offsets = [0, 10000], sizes = [1, 512], strides = [1, 1]} : vector<1x20480xi32> to vector<1x512xi32>
    %add3A_432 = arith.addi %slice3A_431, %and3A_336 : vector<1x512xi32>
    %reshape3A_433 = vector.shape_cast %add3A_432 : vector<1x512xi32> to vector<4x128xi32>
    %slice3A_434 = vector.extract_strided_slice %reshape3A {offsets = [0, 10512], sizes = [1, 512], strides = [1, 1]} : vector<1x20480xi32> to vector<1x512xi32>
    %add3A_435 = arith.addi %slice3A_434, %and3A_336 : vector<1x512xi32>
    %reshape3A_436 = vector.shape_cast %add3A_435 : vector<1x512xi32> to vector<4x128xi32>
    %slice3A_437 = vector.extract_strided_slice %reshape3A {offsets = [0, 11024], sizes = [1, 512], strides = [1, 1]} : vector<1x20480xi32> to vector<1x512xi32>
    %add3A_438 = arith.addi %slice3A_437, %and3A_336 : vector<1x512xi32>
    %reshape3A_439 = vector.shape_cast %add3A_438 : vector<1x512xi32> to vector<4x128xi32>
    %slice3A_440 = vector.extract_strided_slice %reshape3A {offsets = [0, 11536], sizes = [1, 512], strides = [1, 1]} : vector<1x20480xi32> to vector<1x512xi32>
    %add3A_441 = arith.addi %slice3A_440, %and3A_336 : vector<1x512xi32>
    %reshape3A_442 = vector.shape_cast %add3A_441 : vector<1x512xi32> to vector<4x128xi32>
    %slice3A_443 = vector.extract_strided_slice %reshape3A {offsets = [0, 12048], sizes = [1, 512], strides = [1, 1]} : vector<1x20480xi32> to vector<1x512xi32>
    %add3A_444 = arith.addi %slice3A_443, %and3A_336 : vector<1x512xi32>
    %reshape3A_445 = vector.shape_cast %add3A_444 : vector<1x512xi32> to vector<4x128xi32>
    %slice3A_446 = vector.extract_strided_slice %reshape3A {offsets = [0, 12560], sizes = [1, 512], strides = [1, 1]} : vector<1x20480xi32> to vector<1x512xi32>
    %add3A_447 = arith.addi %slice3A_446, %and3A_336 : vector<1x512xi32>
    %reshape3A_448 = vector.shape_cast %add3A_447 : vector<1x512xi32> to vector<4x128xi32>
    %slice3A_449 = vector.extract_strided_slice %reshape3A {offsets = [0, 13072], sizes = [1, 512], strides = [1, 1]} : vector<1x20480xi32> to vector<1x512xi32>
    %add3A_450 = arith.addi %slice3A_449, %and3A_336 : vector<1x512xi32>
    %reshape3A_451 = vector.shape_cast %add3A_450 : vector<1x512xi32> to vector<4x128xi32>
    %slice3A_452 = vector.extract_strided_slice %reshape3A {offsets = [0, 13584], sizes = [1, 512], strides = [1, 1]} : vector<1x20480xi32> to vector<1x512xi32>
    %add3A_453 = arith.addi %slice3A_452, %and3A_336 : vector<1x512xi32>
    %reshape3A_454 = vector.shape_cast %add3A_453 : vector<1x512xi32> to vector<4x128xi32>
    %slice3A_455 = vector.extract_strided_slice %reshape3A {offsets = [0, 14096], sizes = [1, 512], strides = [1, 1]} : vector<1x20480xi32> to vector<1x512xi32>
    %add3A_456 = arith.addi %slice3A_455, %and3A_336 : vector<1x512xi32>
    %reshape3A_457 = vector.shape_cast %add3A_456 : vector<1x512xi32> to vector<4x128xi32>
    %slice3A_458 = vector.extract_strided_slice %reshape3A {offsets = [0, 14608], sizes = [1, 512], strides = [1, 1]} : vector<1x20480xi32> to vector<1x512xi32>
    %add3A_459 = arith.addi %slice3A_458, %and3A_336 : vector<1x512xi32>
    %reshape3A_460 = vector.shape_cast %add3A_459 : vector<1x512xi32> to vector<4x128xi32>
    %slice3A_461 = vector.extract_strided_slice %reshape3A {offsets = [0, 15120], sizes = [1, 512], strides = [1, 1]} : vector<1x20480xi32> to vector<1x512xi32>
    %add3A_462 = arith.addi %slice3A_461, %and3A_336 : vector<1x512xi32>
    %reshape3A_463 = vector.shape_cast %add3A_462 : vector<1x512xi32> to vector<4x128xi32>
    %slice3A_464 = vector.extract_strided_slice %reshape3A {offsets = [0, 15632], sizes = [1, 512], strides = [1, 1]} : vector<1x20480xi32> to vector<1x512xi32>
    %add3A_465 = arith.addi %slice3A_464, %and3A_336 : vector<1x512xi32>
    %reshape3A_466 = vector.shape_cast %add3A_465 : vector<1x512xi32> to vector<4x128xi32>
    %slice3A_467 = vector.extract_strided_slice %reshape3A {offsets = [0, 16144], sizes = [1, 512], strides = [1, 1]} : vector<1x20480xi32> to vector<1x512xi32>
    %add3A_468 = arith.addi %slice3A_467, %and3A_336 : vector<1x512xi32>
    %reshape3A_469 = vector.shape_cast %add3A_468 : vector<1x512xi32> to vector<4x128xi32>
    %slice3A_470 = vector.extract_strided_slice %reshape3A {offsets = [0, 16656], sizes = [1, 512], strides = [1, 1]} : vector<1x20480xi32> to vector<1x512xi32>
    %add3A_471 = arith.addi %slice3A_470, %and3A_336 : vector<1x512xi32>
    %reshape3A_472 = vector.shape_cast %add3A_471 : vector<1x512xi32> to vector<4x128xi32>
    %slice3A_473 = vector.extract_strided_slice %reshape3A {offsets = [0, 17168], sizes = [1, 512], strides = [1, 1]} : vector<1x20480xi32> to vector<1x512xi32>
    %add3A_474 = arith.addi %slice3A_473, %and3A_336 : vector<1x512xi32>
    %reshape3A_475 = vector.shape_cast %add3A_474 : vector<1x512xi32> to vector<4x128xi32>
    %slice3A_476 = vector.extract_strided_slice %reshape3A {offsets = [0, 17680], sizes = [1, 512], strides = [1, 1]} : vector<1x20480xi32> to vector<1x512xi32>
    %add3A_477 = arith.addi %slice3A_476, %and3A_336 : vector<1x512xi32>
    %reshape3A_478 = vector.shape_cast %add3A_477 : vector<1x512xi32> to vector<4x128xi32>
    %slice3A_479 = vector.extract_strided_slice %reshape3A {offsets = [0, 18192], sizes = [1, 512], strides = [1, 1]} : vector<1x20480xi32> to vector<1x512xi32>
    %add3A_480 = arith.addi %slice3A_479, %and3A_336 : vector<1x512xi32>
    %reshape3A_481 = vector.shape_cast %add3A_480 : vector<1x512xi32> to vector<4x128xi32>
    %slice3A_482 = vector.extract_strided_slice %reshape3A {offsets = [0, 18704], sizes = [1, 512], strides = [1, 1]} : vector<1x20480xi32> to vector<1x512xi32>
    %add3A_483 = arith.addi %slice3A_482, %and3A_336 : vector<1x512xi32>
    %reshape3A_484 = vector.shape_cast %add3A_483 : vector<1x512xi32> to vector<4x128xi32>
    %slice3A_485 = vector.extract_strided_slice %reshape3A {offsets = [0, 19216], sizes = [1, 512], strides = [1, 1]} : vector<1x20480xi32> to vector<1x512xi32>
    %add3A_486 = arith.addi %slice3A_485, %and3A_336 : vector<1x512xi32>
    %reshape3A_487 = vector.shape_cast %add3A_486 : vector<1x512xi32> to vector<4x128xi32>
    %slice3A_488 = vector.extract_strided_slice %reshape3A {offsets = [0, 19488], sizes = [1, 512], strides = [1, 1]} : vector<1x20480xi32> to vector<1x512xi32>
    %add3A_489 = arith.addi %slice3A_488, %and3A_336 : vector<1x512xi32>
    %ge3A_490 = arith.constant 240 : i32
    %ge3A_491 = vector.broadcast %ge3A_490 : i32 to vector<1x512xi32>
    %ge3A_492 = arith.cmpi sge, %iota3A_333, %ge3A_491 : vector<1x512xi32>
    %select_n3A_493 = arith.select %ge3A_492, %add3A_489, %add3A_346 : vector<1x512xi1>, vector<1x512xi32>
    %reshape3A_494 = vector.shape_cast %select_n3A_493 : vector<1x512xi32> to vector<4x128xi32>
    %stack3A_495 = vector.shape_cast %reshape3A_433 : vector<4x128xi32> to vector<1x4x128xi32>
    %stack3A_496 = vector.shape_cast %reshape3A_436 : vector<4x128xi32> to vector<1x4x128xi32>
    %stack3A_497 = vector.shape_cast %reshape3A_439 : vector<4x128xi32> to vector<1x4x128xi32>
    %stack3A_498 = vector.shape_cast %reshape3A_442 : vector<4x128xi32> to vector<1x4x128xi32>
    %stack3A_499 = vector.shape_cast %reshape3A_445 : vector<4x128xi32> to vector<1x4x128xi32>
    %stack3A_500 = vector.shape_cast %reshape3A_448 : vector<4x128xi32> to vector<1x4x128xi32>
    %stack3A_501 = vector.shape_cast %reshape3A_451 : vector<4x128xi32> to vector<1x4x128xi32>
    %stack3A_502 = vector.shape_cast %reshape3A_454 : vector<4x128xi32> to vector<1x4x128xi32>
    %stack3A_503 = vector.shape_cast %reshape3A_457 : vector<4x128xi32> to vector<1x4x128xi32>
    %stack3A_504 = vector.shape_cast %reshape3A_460 : vector<4x128xi32> to vector<1x4x128xi32>
    %stack3A_505 = vector.shape_cast %reshape3A_463 : vector<4x128xi32> to vector<1x4x128xi32>
    %stack3A_506 = vector.shape_cast %reshape3A_466 : vector<4x128xi32> to vector<1x4x128xi32>
    %stack3A_507 = vector.shape_cast %reshape3A_469 : vector<4x128xi32> to vector<1x4x128xi32>
    %stack3A_508 = vector.shape_cast %reshape3A_472 : vector<4x128xi32> to vector<1x4x128xi32>
    %stack3A_509 = vector.shape_cast %reshape3A_475 : vector<4x128xi32> to vector<1x4x128xi32>
    %stack3A_510 = vector.shape_cast %reshape3A_478 : vector<4x128xi32> to vector<1x4x128xi32>
    %stack3A_511 = vector.shape_cast %reshape3A_481 : vector<4x128xi32> to vector<1x4x128xi32>
    %stack3A_512 = vector.shape_cast %reshape3A_484 : vector<4x128xi32> to vector<1x4x128xi32>
    %stack3A_513 = vector.shape_cast %reshape3A_487 : vector<4x128xi32> to vector<1x4x128xi32>
    %stack3A_514 = vector.shape_cast %reshape3A_494 : vector<4x128xi32> to vector<1x4x128xi32>
    %stack3A_515 = tpu.concatenate %stack3A_495, %stack3A_496, %stack3A_497, %stack3A_498, %stack3A_499, %stack3A_500, %stack3A_501, %stack3A_502, %stack3A_503, %stack3A_504, %stack3A_505, %stack3A_506, %stack3A_507, %stack3A_508, %stack3A_509, %stack3A_510, %stack3A_511, %stack3A_512, %stack3A_513, %stack3A_514 in 0 : vector<1x4x128xi32>, vector<1x4x128xi32>, vector<1x4x128xi32>, vector<1x4x128xi32>, vector<1x4x128xi32>, vector<1x4x128xi32>, vector<1x4x128xi32>, vector<1x4x128xi32>, vector<1x4x128xi32>, vector<1x4x128xi32>, vector<1x4x128xi32>, vector<1x4x128xi32>, vector<1x4x128xi32>, vector<1x4x128xi32>, vector<1x4x128xi32>, vector<1x4x128xi32>, vector<1x4x128xi32>, vector<1x4x128xi32>, vector<1x4x128xi32>, vector<1x4x128xi32> -> vector<20x4x128xi32>
    %stack3A_516 = vector.shape_cast %stack3A_430 : vector<20x4x128xi32> to vector<1x20x4x128xi32>
    %stack3A_517 = vector.shape_cast %stack3A_515 : vector<20x4x128xi32> to vector<1x20x4x128xi32>
    %stack3A_518 = tpu.concatenate %stack3A_516, %stack3A_517 in 0 : vector<1x20x4x128xi32>, vector<1x20x4x128xi32> -> vector<2x20x4x128xi32>
    %swap3A_519 = arith.constant 0 : index
    %swap3A_520 = arith.constant 0 : index
    %swap3A_521 = arith.constant 0 : index
    %swap3A_522 = arith.constant 0 : index
    %swap3A_523 = arith.constant 0 : index
    %swap3A_524 = vector.load %arg2[%swap3A_519, %swap3A_520, %swap3A_521, %swap3A_522, %swap3A_523] : memref<1x2x20x4x128xi32, #tpu.memory_space<vmem>>, vector<1x2x20x4x128xi32>
    %swap3A_525 = vector.shape_cast %swap3A_524 : vector<1x2x20x4x128xi32> to vector<2x20x4x128xi32>
    %swap3A_526 = vector.shape_cast %stack3A_518 : vector<2x20x4x128xi32> to vector<1x2x20x4x128xi32>
    tpu.vector_store %arg2[%swap3A_519, %swap3A_520, %swap3A_521, %swap3A_522, %swap3A_523], %swap3A_526 {strides = array<i32>} : memref<1x2x20x4x128xi32, #tpu.memory_space<vmem>>, vector<1x2x20x4x128xi32>,
    return
  }
  func.func @transform_0(%arg0: i32) -> (i32, i32, i32) {
    %c0_i32 = arith.constant 0 : i32
    %c0_i32_0 = arith.constant 0 : i32
    %c0_i32_1 = arith.constant 0 : i32
    return %arg0, %c0_i32, %c0_i32_0 : i32, i32, i32
  }
  func.func @transform_1(%arg0: i32) -> (i32, i32, i32, i32, i32) {
    %c0_i32 = arith.constant 0 : i32
    %c0_i32_0 = arith.constant 0 : i32
    %c0_i32_1 = arith.constant 0 : i32
    %c0_i32_2 = arith.constant 0 : i32
    %c0_i32_3 = arith.constant 0 : i32
    return %arg0, %c0_i32, %c0_i32_0, %c0_i32_1, %c0_i32_2 : i32, i32, i32, i32, i32
  }
  func.func @transform_2(%arg0: i32) -> (i32, i32, i32) {
    %c0_i32 = arith.constant 0 : i32
    %c0_i32_0 = arith.constant 0 : i32
    %c0_i32_1 = arith.constant 0 : i32
    return %arg0, %c0_i32, %c0_i32_0 : i32, i32, i32
  }
}

module attributes {stable_mosaic.version = 14 : i64} {
  func.func @_final_body(%arg0: memref<2x1152x64xf32, #tpu.memory_space<vmem>>, %arg1: memref<16x64x1xf32, #tpu.memory_space<vmem>>, %arg2: memref<1x1xf32, #tpu.memory_space<vmem>>) attributes {dimension_semantics = [], scalar_prefetch = 0 : i64, scratch_operands = 0 : i64, tpu.core_type = #tpu.core_type<tc>} {
    %get3A = arith.constant 0 : index
    %get3A_0 = arith.constant 0 : index
    %get3A_1 = arith.constant 0 : index
    %get3A_2 = vector.load %arg0[%get3A, %get3A_0, %get3A_1] : memref<2x1152x64xf32, #tpu.memory_space<vmem>>, vector<2x1152x64xf32>
    %slice3A = vector.extract_strided_slice %get3A_2 {offsets = [0, 0, 0], sizes = [1, 1024, 64], strides = [1, 1, 1]} : vector<2x1152x64xf32> to vector<1x1024x64xf32>
    %squeeze3A = vector.shape_cast %slice3A : vector<1x1024x64xf32> to vector<1024x64xf32>
    %slice3A_3 = vector.extract_strided_slice %get3A_2 {offsets = [1, 0, 0], sizes = [1, 1024, 64], strides = [1, 1, 1]} : vector<2x1152x64xf32> to vector<1x1024x64xf32>
    %squeeze3A_4 = vector.shape_cast %slice3A_3 : vector<1x1024x64xf32> to vector<1024x64xf32>
    %add3A = arith.addf %squeeze3A, %squeeze3A_4 : vector<1024x64xf32>
    %slice3A_5 = vector.extract_strided_slice %add3A {offsets = [0, 0], sizes = [64, 64], strides = [1, 1]} : vector<1024x64xf32> to vector<64x64xf32>
    %get3A_6 = arith.constant 0 : index
    %get3A_7 = arith.constant 0 : index
    %get3A_8 = arith.constant 0 : index
    %get3A_9 = vector.load %arg1[%get3A_6, %get3A_7, %get3A_8] : memref<16x64x1xf32, #tpu.memory_space<vmem>>, vector<1x64x1xf32>
    %get3A_10 = vector.shape_cast %get3A_9 : vector<1x64x1xf32> to vector<64x1xf32>
    %max3A = arith.constant 1.000000e+00 : f32
    %max3A_11 = vector.broadcast %max3A : f32 to vector<64x1xf32>
    %max3A_12 = arith.maximumf %get3A_10, %max3A_11 : vector<64x1xf32>
    %div3A = vector.broadcast %max3A_12 : vector<64x1xf32> to vector<64x64xf32>
    %div3A_13 = arith.divf %slice3A_5, %div3A : vector<64x64xf32>
    %reduce_sum3A = arith.constant dense<0.000000e+00> : vector<64xf32>
    %reduce_sum3A_14 = vector.multi_reduction <add>, %div3A_13, %reduce_sum3A [1] : vector<64x64xf32> to vector<64xf32>
    %broadcast_in_dim3A = vector.shape_cast %reduce_sum3A_14 : vector<64xf32> to vector<64x1xf32>
    %mul3A = arith.mulf %div3A_13, %div3A_13 : vector<64x64xf32>
    %reduce_sum3A_15 = arith.constant dense<0.000000e+00> : vector<64xf32>
    %reduce_sum3A_16 = vector.multi_reduction <add>, %mul3A, %reduce_sum3A_15 [1] : vector<64x64xf32> to vector<64xf32>
    %broadcast_in_dim3A_17 = vector.shape_cast %reduce_sum3A_16 : vector<64xf32> to vector<64x1xf32>
    %mul3A_18 = arith.mulf %broadcast_in_dim3A, %broadcast_in_dim3A : vector<64x1xf32>
    %div3A_19 = arith.constant 6.400000e+01 : f32
    %div3A_20 = vector.broadcast %div3A_19 : f32 to vector<64x1xf32>
    %div3A_21 = arith.divf %mul3A_18, %div3A_20 : vector<64x1xf32>
    %sub3A = arith.subf %broadcast_in_dim3A_17, %div3A_21 : vector<64x1xf32>
    %sub3A_22 = arith.constant 6.400000e+01 : f32
    %sub3A_23 = arith.constant 1.000000e+00 : f32
    %sub3A_24 = arith.subf %sub3A_22, %sub3A_23 : f32
    %div3A_25 = vector.broadcast %sub3A_24 : f32 to vector<64x1xf32>
    %div3A_26 = arith.divf %sub3A, %div3A_25 : vector<64x1xf32>
    %iota3A = tpu.iota {dimensions = array<i32: 0>} : vector<64x64xi32>
    %iota3A_27 = tpu.iota {dimensions = array<i32: 1>} : vector<64x64xi32>
    %eq3A = arith.cmpi eq, %iota3A, %iota3A_27 : vector<64x64xi32>
    %jit3A = arith.constant 0.000000e+00 : f32
    %broadcast_in_dim3A_28 = vector.shape_cast %div3A_26 : vector<64x1xf32> to vector<64x1xf32>
    %broadcast_in_dim3A_29 = vector.broadcast %broadcast_in_dim3A_28 : vector<64x1xf32> to vector<64x64xf32>
    %broadcast_in_dim3A_30 = vector.broadcast %jit3A : f32 to vector<64x64xf32>
    %select_n3A = arith.select %eq3A, %broadcast_in_dim3A_29, %broadcast_in_dim3A_30 : vector<64x64xi1>, vector<64x64xf32>
    %reduce_sum3A_31 = arith.constant dense<0.000000e+00> : vector<64xf32>
    %reduce_sum3A_32 = vector.multi_reduction <add>, %select_n3A, %reduce_sum3A_31 [0] : vector<64x64xf32> to vector<64xf32>
    %broadcast_in_dim3A_33 = vector.shape_cast %reduce_sum3A_32 : vector<64xf32> to vector<1x64xf32>
    %iota3A_34 = tpu.iota {dimensions = array<i32: 0>} : vector<64x64xi32>
    %iota3A_35 = tpu.iota {dimensions = array<i32: 1>} : vector<64x64xi32>
    %gt3A = vector.broadcast %div3A_26 : vector<64x1xf32> to vector<64x64xf32>
    %gt3A_36 = vector.broadcast %broadcast_in_dim3A_33 : vector<1x64xf32> to vector<64x64xf32>
    %gt3A_37 = arith.cmpf ogt, %gt3A, %gt3A_36 : vector<64x64xf32>
    %eq3A_38 = vector.broadcast %div3A_26 : vector<64x1xf32> to vector<64x64xf32>
    %eq3A_39 = vector.broadcast %broadcast_in_dim3A_33 : vector<1x64xf32> to vector<64x64xf32>
    %eq3A_40 = arith.cmpf oeq, %eq3A_38, %eq3A_39 : vector<64x64xf32>
    %lt3A = arith.cmpi slt, %iota3A_34, %iota3A_35 : vector<64x64xi32>
    %and3A = arith.andi %eq3A_40, %lt3A : vector<64x64xi1>
    %or3A = arith.ori %gt3A_37, %and3A : vector<64x64xi1>
    %convert_element_type3A = arith.extui %or3A : vector<64x64xi1> to vector<64x64xi32>
    %reduce_sum3A_41 = arith.constant dense<0> : vector<64xi32>
    %reduce_sum3A_42 = vector.multi_reduction <add>, %convert_element_type3A, %reduce_sum3A_41 [0] : vector<64x64xi32> to vector<64xi32>
    %broadcast_in_dim3A_43 = vector.shape_cast %reduce_sum3A_42 : vector<64xi32> to vector<1x64xi32>
    %jit3A_44 = arith.constant 8 : i32
    %div3A_45 = vector.broadcast %jit3A_44 : i32 to vector<1x64xi32>
    %div3A_46 = arith.divsi %broadcast_in_dim3A_43, %div3A_45 : vector<1x64xi32>
    %sign3A = arith.constant 0 : i32
    %sign3A_47 = vector.broadcast %sign3A : i32 to vector<1x64xi32>
    %sign3A_48 = arith.cmpi sgt, %broadcast_in_dim3A_43, %sign3A_47 : vector<1x64xi32>
    %sign3A_49 = arith.extui %sign3A_48 : vector<1x64xi1> to vector<1x64xi32>
    %sign3A_50 = arith.constant 0 : i32
    %sign3A_51 = vector.broadcast %sign3A_50 : i32 to vector<1x64xi32>
    %sign3A_52 = arith.cmpi slt, %broadcast_in_dim3A_43, %sign3A_51 : vector<1x64xi32>
    %sign3A_53 = arith.extui %sign3A_52 : vector<1x64xi1> to vector<1x64xi32>
    %sign3A_54 = arith.subi %sign3A_49, %sign3A_53 : vector<1x64xi32>
    %sign3A_55 = arith.constant 0 : i32
    %sign3A_56 = arith.cmpi sgt, %jit3A_44, %sign3A_55 : i32
    %sign3A_57 = arith.extui %sign3A_56 : i1 to i32
    %sign3A_58 = arith.constant 0 : i32
    %sign3A_59 = arith.cmpi slt, %jit3A_44, %sign3A_58 : i32
    %sign3A_60 = arith.extui %sign3A_59 : i1 to i32
    %sign3A_61 = arith.subi %sign3A_57, %sign3A_60 : i32
    %ne3A = vector.broadcast %sign3A_61 : i32 to vector<1x64xi32>
    %ne3A_62 = arith.cmpi ne, %sign3A_54, %ne3A : vector<1x64xi32>
    %rem3A = vector.broadcast %jit3A_44 : i32 to vector<1x64xi32>
    %rem3A_63 = arith.remsi %broadcast_in_dim3A_43, %rem3A : vector<1x64xi32>
    %ne3A_64 = arith.constant 0 : i32
    %ne3A_65 = vector.broadcast %ne3A_64 : i32 to vector<1x64xi32>
    %ne3A_66 = arith.cmpi ne, %rem3A_63, %ne3A_65 : vector<1x64xi32>
    %and3A_67 = arith.andi %ne3A_62, %ne3A_66 : vector<1x64xi1>
    %sub3A_68 = arith.constant 1 : i32
    %sub3A_69 = vector.broadcast %sub3A_68 : i32 to vector<1x64xi32>
    %sub3A_70 = arith.subi %div3A_46, %sub3A_69 : vector<1x64xi32>
    %select_n3A_71 = arith.select %and3A_67, %sub3A_70, %div3A_46 : vector<1x64xi1>, vector<1x64xi32>
    %iota3A_72 = tpu.iota {dimensions = array<i32: 0>} : vector<8x1xi32>
    %eq3A_73 = vector.broadcast %select_n3A_71 : vector<1x64xi32> to vector<8x64xi32>
    %eq3A_74 = vector.broadcast %iota3A_72 : vector<8x1xi32> to vector<8x64xi32>
    %eq3A_75 = arith.cmpi eq, %eq3A_73, %eq3A_74 : vector<8x64xi32>
    %convert_element_type3A_76 = arith.extui %eq3A_75 : vector<8x64xi1> to vector<8x64xi32>
    %convert_element_type3A_77 = arith.sitofp %convert_element_type3A_76 : vector<8x64xi32> to vector<8x64xf32>
    %dot_general3A = arith.constant dense<0.000000e+00> : vector<8x64xf32>
    %dot_general3A_78 = tpu.matmul %convert_element_type3A_77, %div3A_13, %dot_general3A {dimension_numbers = #tpu.dot_dimension_numbers<[1], [0], [0], [1], [0, 0, 1, 1], [], []>, transpose_lhs_hint = false} : vector<8x64xf32>, vector<64x64xf32>, vector<8x64xf32> -> vector<8x64xf32>
    %mul3A_79 = arith.constant 1.250000e-01 : f32
    %mul3A_80 = vector.broadcast %mul3A_79 : f32 to vector<8x64xf32>
    %mul3A_81 = arith.mulf %dot_general3A_78, %mul3A_80 : vector<8x64xf32>
    %slice3A_82 = vector.extract_strided_slice %add3A {offsets = [64, 0], sizes = [64, 64], strides = [1, 1]} : vector<1024x64xf32> to vector<64x64xf32>
    %get3A_83 = arith.constant 1 : index
    %get3A_84 = arith.constant 0 : index
    %get3A_85 = arith.constant 0 : index
    %get3A_86 = vector.load %arg1[%get3A_83, %get3A_84, %get3A_85] : memref<16x64x1xf32, #tpu.memory_space<vmem>>, vector<1x64x1xf32>
    %get3A_87 = vector.shape_cast %get3A_86 : vector<1x64x1xf32> to vector<64x1xf32>
    %max3A_88 = arith.constant 1.000000e+00 : f32
    %max3A_89 = vector.broadcast %max3A_88 : f32 to vector<64x1xf32>
    %max3A_90 = arith.maximumf %get3A_87, %max3A_89 : vector<64x1xf32>
    %div3A_91 = vector.broadcast %max3A_90 : vector<64x1xf32> to vector<64x64xf32>
    %div3A_92 = arith.divf %slice3A_82, %div3A_91 : vector<64x64xf32>
    %reduce_sum3A_93 = arith.constant dense<0.000000e+00> : vector<64xf32>
    %reduce_sum3A_94 = vector.multi_reduction <add>, %div3A_92, %reduce_sum3A_93 [1] : vector<64x64xf32> to vector<64xf32>
    %broadcast_in_dim3A_95 = vector.shape_cast %reduce_sum3A_94 : vector<64xf32> to vector<64x1xf32>
    %mul3A_96 = arith.mulf %div3A_92, %div3A_92 : vector<64x64xf32>
    %reduce_sum3A_97 = arith.constant dense<0.000000e+00> : vector<64xf32>
    %reduce_sum3A_98 = vector.multi_reduction <add>, %mul3A_96, %reduce_sum3A_97 [1] : vector<64x64xf32> to vector<64xf32>
    %broadcast_in_dim3A_99 = vector.shape_cast %reduce_sum3A_98 : vector<64xf32> to vector<64x1xf32>
    %mul3A_100 = arith.mulf %broadcast_in_dim3A_95, %broadcast_in_dim3A_95 : vector<64x1xf32>
    %div3A_101 = arith.constant 6.400000e+01 : f32
    %div3A_102 = vector.broadcast %div3A_101 : f32 to vector<64x1xf32>
    %div3A_103 = arith.divf %mul3A_100, %div3A_102 : vector<64x1xf32>
    %sub3A_104 = arith.subf %broadcast_in_dim3A_99, %div3A_103 : vector<64x1xf32>
    %sub3A_105 = arith.constant 6.400000e+01 : f32
    %sub3A_106 = arith.constant 1.000000e+00 : f32
    %sub3A_107 = arith.subf %sub3A_105, %sub3A_106 : f32
    %div3A_108 = vector.broadcast %sub3A_107 : f32 to vector<64x1xf32>
    %div3A_109 = arith.divf %sub3A_104, %div3A_108 : vector<64x1xf32>
    %iota3A_110 = tpu.iota {dimensions = array<i32: 0>} : vector<64x64xi32>
    %iota3A_111 = tpu.iota {dimensions = array<i32: 1>} : vector<64x64xi32>
    %eq3A_112 = arith.cmpi eq, %iota3A_110, %iota3A_111 : vector<64x64xi32>
    %jit3A_113 = arith.constant 0.000000e+00 : f32
    %broadcast_in_dim3A_114 = vector.shape_cast %div3A_109 : vector<64x1xf32> to vector<64x1xf32>
    %broadcast_in_dim3A_115 = vector.broadcast %broadcast_in_dim3A_114 : vector<64x1xf32> to vector<64x64xf32>
    %broadcast_in_dim3A_116 = vector.broadcast %jit3A_113 : f32 to vector<64x64xf32>
    %select_n3A_117 = arith.select %eq3A_112, %broadcast_in_dim3A_115, %broadcast_in_dim3A_116 : vector<64x64xi1>, vector<64x64xf32>
    %reduce_sum3A_118 = arith.constant dense<0.000000e+00> : vector<64xf32>
    %reduce_sum3A_119 = vector.multi_reduction <add>, %select_n3A_117, %reduce_sum3A_118 [0] : vector<64x64xf32> to vector<64xf32>
    %broadcast_in_dim3A_120 = vector.shape_cast %reduce_sum3A_119 : vector<64xf32> to vector<1x64xf32>
    %iota3A_121 = tpu.iota {dimensions = array<i32: 0>} : vector<64x64xi32>
    %iota3A_122 = tpu.iota {dimensions = array<i32: 1>} : vector<64x64xi32>
    %gt3A_123 = vector.broadcast %div3A_109 : vector<64x1xf32> to vector<64x64xf32>
    %gt3A_124 = vector.broadcast %broadcast_in_dim3A_120 : vector<1x64xf32> to vector<64x64xf32>
    %gt3A_125 = arith.cmpf ogt, %gt3A_123, %gt3A_124 : vector<64x64xf32>
    %eq3A_126 = vector.broadcast %div3A_109 : vector<64x1xf32> to vector<64x64xf32>
    %eq3A_127 = vector.broadcast %broadcast_in_dim3A_120 : vector<1x64xf32> to vector<64x64xf32>
    %eq3A_128 = arith.cmpf oeq, %eq3A_126, %eq3A_127 : vector<64x64xf32>
    %lt3A_129 = arith.cmpi slt, %iota3A_121, %iota3A_122 : vector<64x64xi32>
    %and3A_130 = arith.andi %eq3A_128, %lt3A_129 : vector<64x64xi1>
    %or3A_131 = arith.ori %gt3A_125, %and3A_130 : vector<64x64xi1>
    %convert_element_type3A_132 = arith.extui %or3A_131 : vector<64x64xi1> to vector<64x64xi32>
    %reduce_sum3A_133 = arith.constant dense<0> : vector<64xi32>
    %reduce_sum3A_134 = vector.multi_reduction <add>, %convert_element_type3A_132, %reduce_sum3A_133 [0] : vector<64x64xi32> to vector<64xi32>
    %broadcast_in_dim3A_135 = vector.shape_cast %reduce_sum3A_134 : vector<64xi32> to vector<1x64xi32>
    %jit3A_136 = arith.constant 8 : i32
    %div3A_137 = vector.broadcast %jit3A_136 : i32 to vector<1x64xi32>
    %div3A_138 = arith.divsi %broadcast_in_dim3A_135, %div3A_137 : vector<1x64xi32>
    %sign3A_139 = arith.constant 0 : i32
    %sign3A_140 = vector.broadcast %sign3A_139 : i32 to vector<1x64xi32>
    %sign3A_141 = arith.cmpi sgt, %broadcast_in_dim3A_135, %sign3A_140 : vector<1x64xi32>
    %sign3A_142 = arith.extui %sign3A_141 : vector<1x64xi1> to vector<1x64xi32>
    %sign3A_143 = arith.constant 0 : i32
    %sign3A_144 = vector.broadcast %sign3A_143 : i32 to vector<1x64xi32>
    %sign3A_145 = arith.cmpi slt, %broadcast_in_dim3A_135, %sign3A_144 : vector<1x64xi32>
    %sign3A_146 = arith.extui %sign3A_145 : vector<1x64xi1> to vector<1x64xi32>
    %sign3A_147 = arith.subi %sign3A_142, %sign3A_146 : vector<1x64xi32>
    %sign3A_148 = arith.constant 0 : i32
    %sign3A_149 = arith.cmpi sgt, %jit3A_136, %sign3A_148 : i32
    %sign3A_150 = arith.extui %sign3A_149 : i1 to i32
    %sign3A_151 = arith.constant 0 : i32
    %sign3A_152 = arith.cmpi slt, %jit3A_136, %sign3A_151 : i32
    %sign3A_153 = arith.extui %sign3A_152 : i1 to i32
    %sign3A_154 = arith.subi %sign3A_150, %sign3A_153 : i32
    %ne3A_155 = vector.broadcast %sign3A_154 : i32 to vector<1x64xi32>
    %ne3A_156 = arith.cmpi ne, %sign3A_147, %ne3A_155 : vector<1x64xi32>
    %rem3A_157 = vector.broadcast %jit3A_136 : i32 to vector<1x64xi32>
    %rem3A_158 = arith.remsi %broadcast_in_dim3A_135, %rem3A_157 : vector<1x64xi32>
    %ne3A_159 = arith.constant 0 : i32
    %ne3A_160 = vector.broadcast %ne3A_159 : i32 to vector<1x64xi32>
    %ne3A_161 = arith.cmpi ne, %rem3A_158, %ne3A_160 : vector<1x64xi32>
    %and3A_162 = arith.andi %ne3A_156, %ne3A_161 : vector<1x64xi1>
    %sub3A_163 = arith.constant 1 : i32
    %sub3A_164 = vector.broadcast %sub3A_163 : i32 to vector<1x64xi32>
    %sub3A_165 = arith.subi %div3A_138, %sub3A_164 : vector<1x64xi32>
    %select_n3A_166 = arith.select %and3A_162, %sub3A_165, %div3A_138 : vector<1x64xi1>, vector<1x64xi32>
    %iota3A_167 = tpu.iota {dimensions = array<i32: 0>} : vector<8x1xi32>
    %eq3A_168 = vector.broadcast %select_n3A_166 : vector<1x64xi32> to vector<8x64xi32>
    %eq3A_169 = vector.broadcast %iota3A_167 : vector<8x1xi32> to vector<8x64xi32>
    %eq3A_170 = arith.cmpi eq, %eq3A_168, %eq3A_169 : vector<8x64xi32>
    %convert_element_type3A_171 = arith.extui %eq3A_170 : vector<8x64xi1> to vector<8x64xi32>
    %convert_element_type3A_172 = arith.sitofp %convert_element_type3A_171 : vector<8x64xi32> to vector<8x64xf32>
    %dot_general3A_173 = arith.constant dense<0.000000e+00> : vector<8x64xf32>
    %dot_general3A_174 = tpu.matmul %convert_element_type3A_172, %div3A_92, %dot_general3A_173 {dimension_numbers = #tpu.dot_dimension_numbers<[1], [0], [0], [1], [0, 0, 1, 1], [], []>, transpose_lhs_hint = false} : vector<8x64xf32>, vector<64x64xf32>, vector<8x64xf32> -> vector<8x64xf32>
    %mul3A_175 = arith.constant 1.250000e-01 : f32
    %mul3A_176 = vector.broadcast %mul3A_175 : f32 to vector<8x64xf32>
    %mul3A_177 = arith.mulf %dot_general3A_174, %mul3A_176 : vector<8x64xf32>
    %slice3A_178 = vector.extract_strided_slice %add3A {offsets = [128, 0], sizes = [64, 64], strides = [1, 1]} : vector<1024x64xf32> to vector<64x64xf32>
    %get3A_179 = arith.constant 2 : index
    %get3A_180 = arith.constant 0 : index
    %get3A_181 = arith.constant 0 : index
    %get3A_182 = vector.load %arg1[%get3A_179, %get3A_180, %get3A_181] : memref<16x64x1xf32, #tpu.memory_space<vmem>>, vector<1x64x1xf32>
    %get3A_183 = vector.shape_cast %get3A_182 : vector<1x64x1xf32> to vector<64x1xf32>
    %max3A_184 = arith.constant 1.000000e+00 : f32
    %max3A_185 = vector.broadcast %max3A_184 : f32 to vector<64x1xf32>
    %max3A_186 = arith.maximumf %get3A_183, %max3A_185 : vector<64x1xf32>
    %div3A_187 = vector.broadcast %max3A_186 : vector<64x1xf32> to vector<64x64xf32>
    %div3A_188 = arith.divf %slice3A_178, %div3A_187 : vector<64x64xf32>
    %reduce_sum3A_189 = arith.constant dense<0.000000e+00> : vector<64xf32>
    %reduce_sum3A_190 = vector.multi_reduction <add>, %div3A_188, %reduce_sum3A_189 [1] : vector<64x64xf32> to vector<64xf32>
    %broadcast_in_dim3A_191 = vector.shape_cast %reduce_sum3A_190 : vector<64xf32> to vector<64x1xf32>
    %mul3A_192 = arith.mulf %div3A_188, %div3A_188 : vector<64x64xf32>
    %reduce_sum3A_193 = arith.constant dense<0.000000e+00> : vector<64xf32>
    %reduce_sum3A_194 = vector.multi_reduction <add>, %mul3A_192, %reduce_sum3A_193 [1] : vector<64x64xf32> to vector<64xf32>
    %broadcast_in_dim3A_195 = vector.shape_cast %reduce_sum3A_194 : vector<64xf32> to vector<64x1xf32>
    %mul3A_196 = arith.mulf %broadcast_in_dim3A_191, %broadcast_in_dim3A_191 : vector<64x1xf32>
    %div3A_197 = arith.constant 6.400000e+01 : f32
    %div3A_198 = vector.broadcast %div3A_197 : f32 to vector<64x1xf32>
    %div3A_199 = arith.divf %mul3A_196, %div3A_198 : vector<64x1xf32>
    %sub3A_200 = arith.subf %broadcast_in_dim3A_195, %div3A_199 : vector<64x1xf32>
    %sub3A_201 = arith.constant 6.400000e+01 : f32
    %sub3A_202 = arith.constant 1.000000e+00 : f32
    %sub3A_203 = arith.subf %sub3A_201, %sub3A_202 : f32
    %div3A_204 = vector.broadcast %sub3A_203 : f32 to vector<64x1xf32>
    %div3A_205 = arith.divf %sub3A_200, %div3A_204 : vector<64x1xf32>
    %iota3A_206 = tpu.iota {dimensions = array<i32: 0>} : vector<64x64xi32>
    %iota3A_207 = tpu.iota {dimensions = array<i32: 1>} : vector<64x64xi32>
    %eq3A_208 = arith.cmpi eq, %iota3A_206, %iota3A_207 : vector<64x64xi32>
    %jit3A_209 = arith.constant 0.000000e+00 : f32
    %broadcast_in_dim3A_210 = vector.shape_cast %div3A_205 : vector<64x1xf32> to vector<64x1xf32>
    %broadcast_in_dim3A_211 = vector.broadcast %broadcast_in_dim3A_210 : vector<64x1xf32> to vector<64x64xf32>
    %broadcast_in_dim3A_212 = vector.broadcast %jit3A_209 : f32 to vector<64x64xf32>
    %select_n3A_213 = arith.select %eq3A_208, %broadcast_in_dim3A_211, %broadcast_in_dim3A_212 : vector<64x64xi1>, vector<64x64xf32>
    %reduce_sum3A_214 = arith.constant dense<0.000000e+00> : vector<64xf32>
    %reduce_sum3A_215 = vector.multi_reduction <add>, %select_n3A_213, %reduce_sum3A_214 [0] : vector<64x64xf32> to vector<64xf32>
    %broadcast_in_dim3A_216 = vector.shape_cast %reduce_sum3A_215 : vector<64xf32> to vector<1x64xf32>
    %iota3A_217 = tpu.iota {dimensions = array<i32: 0>} : vector<64x64xi32>
    %iota3A_218 = tpu.iota {dimensions = array<i32: 1>} : vector<64x64xi32>
    %gt3A_219 = vector.broadcast %div3A_205 : vector<64x1xf32> to vector<64x64xf32>
    %gt3A_220 = vector.broadcast %broadcast_in_dim3A_216 : vector<1x64xf32> to vector<64x64xf32>
    %gt3A_221 = arith.cmpf ogt, %gt3A_219, %gt3A_220 : vector<64x64xf32>
    %eq3A_222 = vector.broadcast %div3A_205 : vector<64x1xf32> to vector<64x64xf32>
    %eq3A_223 = vector.broadcast %broadcast_in_dim3A_216 : vector<1x64xf32> to vector<64x64xf32>
    %eq3A_224 = arith.cmpf oeq, %eq3A_222, %eq3A_223 : vector<64x64xf32>
    %lt3A_225 = arith.cmpi slt, %iota3A_217, %iota3A_218 : vector<64x64xi32>
    %and3A_226 = arith.andi %eq3A_224, %lt3A_225 : vector<64x64xi1>
    %or3A_227 = arith.ori %gt3A_221, %and3A_226 : vector<64x64xi1>
    %convert_element_type3A_228 = arith.extui %or3A_227 : vector<64x64xi1> to vector<64x64xi32>
    %reduce_sum3A_229 = arith.constant dense<0> : vector<64xi32>
    %reduce_sum3A_230 = vector.multi_reduction <add>, %convert_element_type3A_228, %reduce_sum3A_229 [0] : vector<64x64xi32> to vector<64xi32>
    %broadcast_in_dim3A_231 = vector.shape_cast %reduce_sum3A_230 : vector<64xi32> to vector<1x64xi32>
    %jit3A_232 = arith.constant 8 : i32
    %div3A_233 = vector.broadcast %jit3A_232 : i32 to vector<1x64xi32>
    %div3A_234 = arith.divsi %broadcast_in_dim3A_231, %div3A_233 : vector<1x64xi32>
    %sign3A_235 = arith.constant 0 : i32
    %sign3A_236 = vector.broadcast %sign3A_235 : i32 to vector<1x64xi32>
    %sign3A_237 = arith.cmpi sgt, %broadcast_in_dim3A_231, %sign3A_236 : vector<1x64xi32>
    %sign3A_238 = arith.extui %sign3A_237 : vector<1x64xi1> to vector<1x64xi32>
    %sign3A_239 = arith.constant 0 : i32
    %sign3A_240 = vector.broadcast %sign3A_239 : i32 to vector<1x64xi32>
    %sign3A_241 = arith.cmpi slt, %broadcast_in_dim3A_231, %sign3A_240 : vector<1x64xi32>
    %sign3A_242 = arith.extui %sign3A_241 : vector<1x64xi1> to vector<1x64xi32>
    %sign3A_243 = arith.subi %sign3A_238, %sign3A_242 : vector<1x64xi32>
    %sign3A_244 = arith.constant 0 : i32
    %sign3A_245 = arith.cmpi sgt, %jit3A_232, %sign3A_244 : i32
    %sign3A_246 = arith.extui %sign3A_245 : i1 to i32
    %sign3A_247 = arith.constant 0 : i32
    %sign3A_248 = arith.cmpi slt, %jit3A_232, %sign3A_247 : i32
    %sign3A_249 = arith.extui %sign3A_248 : i1 to i32
    %sign3A_250 = arith.subi %sign3A_246, %sign3A_249 : i32
    %ne3A_251 = vector.broadcast %sign3A_250 : i32 to vector<1x64xi32>
    %ne3A_252 = arith.cmpi ne, %sign3A_243, %ne3A_251 : vector<1x64xi32>
    %rem3A_253 = vector.broadcast %jit3A_232 : i32 to vector<1x64xi32>
    %rem3A_254 = arith.remsi %broadcast_in_dim3A_231, %rem3A_253 : vector<1x64xi32>
    %ne3A_255 = arith.constant 0 : i32
    %ne3A_256 = vector.broadcast %ne3A_255 : i32 to vector<1x64xi32>
    %ne3A_257 = arith.cmpi ne, %rem3A_254, %ne3A_256 : vector<1x64xi32>
    %and3A_258 = arith.andi %ne3A_252, %ne3A_257 : vector<1x64xi1>
    %sub3A_259 = arith.constant 1 : i32
    %sub3A_260 = vector.broadcast %sub3A_259 : i32 to vector<1x64xi32>
    %sub3A_261 = arith.subi %div3A_234, %sub3A_260 : vector<1x64xi32>
    %select_n3A_262 = arith.select %and3A_258, %sub3A_261, %div3A_234 : vector<1x64xi1>, vector<1x64xi32>
    %iota3A_263 = tpu.iota {dimensions = array<i32: 0>} : vector<8x1xi32>
    %eq3A_264 = vector.broadcast %select_n3A_262 : vector<1x64xi32> to vector<8x64xi32>
    %eq3A_265 = vector.broadcast %iota3A_263 : vector<8x1xi32> to vector<8x64xi32>
    %eq3A_266 = arith.cmpi eq, %eq3A_264, %eq3A_265 : vector<8x64xi32>
    %convert_element_type3A_267 = arith.extui %eq3A_266 : vector<8x64xi1> to vector<8x64xi32>
    %convert_element_type3A_268 = arith.sitofp %convert_element_type3A_267 : vector<8x64xi32> to vector<8x64xf32>
    %dot_general3A_269 = arith.constant dense<0.000000e+00> : vector<8x64xf32>
    %dot_general3A_270 = tpu.matmul %convert_element_type3A_268, %div3A_188, %dot_general3A_269 {dimension_numbers = #tpu.dot_dimension_numbers<[1], [0], [0], [1], [0, 0, 1, 1], [], []>, transpose_lhs_hint = false} : vector<8x64xf32>, vector<64x64xf32>, vector<8x64xf32> -> vector<8x64xf32>
    %mul3A_271 = arith.constant 1.250000e-01 : f32
    %mul3A_272 = vector.broadcast %mul3A_271 : f32 to vector<8x64xf32>
    %mul3A_273 = arith.mulf %dot_general3A_270, %mul3A_272 : vector<8x64xf32>
    %slice3A_274 = vector.extract_strided_slice %add3A {offsets = [192, 0], sizes = [64, 64], strides = [1, 1]} : vector<1024x64xf32> to vector<64x64xf32>
    %get3A_275 = arith.constant 3 : index
    %get3A_276 = arith.constant 0 : index
    %get3A_277 = arith.constant 0 : index
    %get3A_278 = vector.load %arg1[%get3A_275, %get3A_276, %get3A_277] : memref<16x64x1xf32, #tpu.memory_space<vmem>>, vector<1x64x1xf32>
    %get3A_279 = vector.shape_cast %get3A_278 : vector<1x64x1xf32> to vector<64x1xf32>
    %max3A_280 = arith.constant 1.000000e+00 : f32
    %max3A_281 = vector.broadcast %max3A_280 : f32 to vector<64x1xf32>
    %max3A_282 = arith.maximumf %get3A_279, %max3A_281 : vector<64x1xf32>
    %div3A_283 = vector.broadcast %max3A_282 : vector<64x1xf32> to vector<64x64xf32>
    %div3A_284 = arith.divf %slice3A_274, %div3A_283 : vector<64x64xf32>
    %reduce_sum3A_285 = arith.constant dense<0.000000e+00> : vector<64xf32>
    %reduce_sum3A_286 = vector.multi_reduction <add>, %div3A_284, %reduce_sum3A_285 [1] : vector<64x64xf32> to vector<64xf32>
    %broadcast_in_dim3A_287 = vector.shape_cast %reduce_sum3A_286 : vector<64xf32> to vector<64x1xf32>
    %mul3A_288 = arith.mulf %div3A_284, %div3A_284 : vector<64x64xf32>
    %reduce_sum3A_289 = arith.constant dense<0.000000e+00> : vector<64xf32>
    %reduce_sum3A_290 = vector.multi_reduction <add>, %mul3A_288, %reduce_sum3A_289 [1] : vector<64x64xf32> to vector<64xf32>
    %broadcast_in_dim3A_291 = vector.shape_cast %reduce_sum3A_290 : vector<64xf32> to vector<64x1xf32>
    %mul3A_292 = arith.mulf %broadcast_in_dim3A_287, %broadcast_in_dim3A_287 : vector<64x1xf32>
    %div3A_293 = arith.constant 6.400000e+01 : f32
    %div3A_294 = vector.broadcast %div3A_293 : f32 to vector<64x1xf32>
    %div3A_295 = arith.divf %mul3A_292, %div3A_294 : vector<64x1xf32>
    %sub3A_296 = arith.subf %broadcast_in_dim3A_291, %div3A_295 : vector<64x1xf32>
    %sub3A_297 = arith.constant 6.400000e+01 : f32
    %sub3A_298 = arith.constant 1.000000e+00 : f32
    %sub3A_299 = arith.subf %sub3A_297, %sub3A_298 : f32
    %div3A_300 = vector.broadcast %sub3A_299 : f32 to vector<64x1xf32>
    %div3A_301 = arith.divf %sub3A_296, %div3A_300 : vector<64x1xf32>
    %iota3A_302 = tpu.iota {dimensions = array<i32: 0>} : vector<64x64xi32>
    %iota3A_303 = tpu.iota {dimensions = array<i32: 1>} : vector<64x64xi32>
    %eq3A_304 = arith.cmpi eq, %iota3A_302, %iota3A_303 : vector<64x64xi32>
    %jit3A_305 = arith.constant 0.000000e+00 : f32
    %broadcast_in_dim3A_306 = vector.shape_cast %div3A_301 : vector<64x1xf32> to vector<64x1xf32>
    %broadcast_in_dim3A_307 = vector.broadcast %broadcast_in_dim3A_306 : vector<64x1xf32> to vector<64x64xf32>
    %broadcast_in_dim3A_308 = vector.broadcast %jit3A_305 : f32 to vector<64x64xf32>
    %select_n3A_309 = arith.select %eq3A_304, %broadcast_in_dim3A_307, %broadcast_in_dim3A_308 : vector<64x64xi1>, vector<64x64xf32>
    %reduce_sum3A_310 = arith.constant dense<0.000000e+00> : vector<64xf32>
    %reduce_sum3A_311 = vector.multi_reduction <add>, %select_n3A_309, %reduce_sum3A_310 [0] : vector<64x64xf32> to vector<64xf32>
    %broadcast_in_dim3A_312 = vector.shape_cast %reduce_sum3A_311 : vector<64xf32> to vector<1x64xf32>
    %iota3A_313 = tpu.iota {dimensions = array<i32: 0>} : vector<64x64xi32>
    %iota3A_314 = tpu.iota {dimensions = array<i32: 1>} : vector<64x64xi32>
    %gt3A_315 = vector.broadcast %div3A_301 : vector<64x1xf32> to vector<64x64xf32>
    %gt3A_316 = vector.broadcast %broadcast_in_dim3A_312 : vector<1x64xf32> to vector<64x64xf32>
    %gt3A_317 = arith.cmpf ogt, %gt3A_315, %gt3A_316 : vector<64x64xf32>
    %eq3A_318 = vector.broadcast %div3A_301 : vector<64x1xf32> to vector<64x64xf32>
    %eq3A_319 = vector.broadcast %broadcast_in_dim3A_312 : vector<1x64xf32> to vector<64x64xf32>
    %eq3A_320 = arith.cmpf oeq, %eq3A_318, %eq3A_319 : vector<64x64xf32>
    %lt3A_321 = arith.cmpi slt, %iota3A_313, %iota3A_314 : vector<64x64xi32>
    %and3A_322 = arith.andi %eq3A_320, %lt3A_321 : vector<64x64xi1>
    %or3A_323 = arith.ori %gt3A_317, %and3A_322 : vector<64x64xi1>
    %convert_element_type3A_324 = arith.extui %or3A_323 : vector<64x64xi1> to vector<64x64xi32>
    %reduce_sum3A_325 = arith.constant dense<0> : vector<64xi32>
    %reduce_sum3A_326 = vector.multi_reduction <add>, %convert_element_type3A_324, %reduce_sum3A_325 [0] : vector<64x64xi32> to vector<64xi32>
    %broadcast_in_dim3A_327 = vector.shape_cast %reduce_sum3A_326 : vector<64xi32> to vector<1x64xi32>
    %jit3A_328 = arith.constant 8 : i32
    %div3A_329 = vector.broadcast %jit3A_328 : i32 to vector<1x64xi32>
    %div3A_330 = arith.divsi %broadcast_in_dim3A_327, %div3A_329 : vector<1x64xi32>
    %sign3A_331 = arith.constant 0 : i32
    %sign3A_332 = vector.broadcast %sign3A_331 : i32 to vector<1x64xi32>
    %sign3A_333 = arith.cmpi sgt, %broadcast_in_dim3A_327, %sign3A_332 : vector<1x64xi32>
    %sign3A_334 = arith.extui %sign3A_333 : vector<1x64xi1> to vector<1x64xi32>
    %sign3A_335 = arith.constant 0 : i32
    %sign3A_336 = vector.broadcast %sign3A_335 : i32 to vector<1x64xi32>
    %sign3A_337 = arith.cmpi slt, %broadcast_in_dim3A_327, %sign3A_336 : vector<1x64xi32>
    %sign3A_338 = arith.extui %sign3A_337 : vector<1x64xi1> to vector<1x64xi32>
    %sign3A_339 = arith.subi %sign3A_334, %sign3A_338 : vector<1x64xi32>
    %sign3A_340 = arith.constant 0 : i32
    %sign3A_341 = arith.cmpi sgt, %jit3A_328, %sign3A_340 : i32
    %sign3A_342 = arith.extui %sign3A_341 : i1 to i32
    %sign3A_343 = arith.constant 0 : i32
    %sign3A_344 = arith.cmpi slt, %jit3A_328, %sign3A_343 : i32
    %sign3A_345 = arith.extui %sign3A_344 : i1 to i32
    %sign3A_346 = arith.subi %sign3A_342, %sign3A_345 : i32
    %ne3A_347 = vector.broadcast %sign3A_346 : i32 to vector<1x64xi32>
    %ne3A_348 = arith.cmpi ne, %sign3A_339, %ne3A_347 : vector<1x64xi32>
    %rem3A_349 = vector.broadcast %jit3A_328 : i32 to vector<1x64xi32>
    %rem3A_350 = arith.remsi %broadcast_in_dim3A_327, %rem3A_349 : vector<1x64xi32>
    %ne3A_351 = arith.constant 0 : i32
    %ne3A_352 = vector.broadcast %ne3A_351 : i32 to vector<1x64xi32>
    %ne3A_353 = arith.cmpi ne, %rem3A_350, %ne3A_352 : vector<1x64xi32>
    %and3A_354 = arith.andi %ne3A_348, %ne3A_353 : vector<1x64xi1>
    %sub3A_355 = arith.constant 1 : i32
    %sub3A_356 = vector.broadcast %sub3A_355 : i32 to vector<1x64xi32>
    %sub3A_357 = arith.subi %div3A_330, %sub3A_356 : vector<1x64xi32>
    %select_n3A_358 = arith.select %and3A_354, %sub3A_357, %div3A_330 : vector<1x64xi1>, vector<1x64xi32>
    %iota3A_359 = tpu.iota {dimensions = array<i32: 0>} : vector<8x1xi32>
    %eq3A_360 = vector.broadcast %select_n3A_358 : vector<1x64xi32> to vector<8x64xi32>
    %eq3A_361 = vector.broadcast %iota3A_359 : vector<8x1xi32> to vector<8x64xi32>
    %eq3A_362 = arith.cmpi eq, %eq3A_360, %eq3A_361 : vector<8x64xi32>
    %convert_element_type3A_363 = arith.extui %eq3A_362 : vector<8x64xi1> to vector<8x64xi32>
    %convert_element_type3A_364 = arith.sitofp %convert_element_type3A_363 : vector<8x64xi32> to vector<8x64xf32>
    %dot_general3A_365 = arith.constant dense<0.000000e+00> : vector<8x64xf32>
    %dot_general3A_366 = tpu.matmul %convert_element_type3A_364, %div3A_284, %dot_general3A_365 {dimension_numbers = #tpu.dot_dimension_numbers<[1], [0], [0], [1], [0, 0, 1, 1], [], []>, transpose_lhs_hint = false} : vector<8x64xf32>, vector<64x64xf32>, vector<8x64xf32> -> vector<8x64xf32>
    %mul3A_367 = arith.constant 1.250000e-01 : f32
    %mul3A_368 = vector.broadcast %mul3A_367 : f32 to vector<8x64xf32>
    %mul3A_369 = arith.mulf %dot_general3A_366, %mul3A_368 : vector<8x64xf32>
    %slice3A_370 = vector.extract_strided_slice %add3A {offsets = [256, 0], sizes = [64, 64], strides = [1, 1]} : vector<1024x64xf32> to vector<64x64xf32>
    %get3A_371 = arith.constant 4 : index
    %get3A_372 = arith.constant 0 : index
    %get3A_373 = arith.constant 0 : index
    %get3A_374 = vector.load %arg1[%get3A_371, %get3A_372, %get3A_373] : memref<16x64x1xf32, #tpu.memory_space<vmem>>, vector<1x64x1xf32>
    %get3A_375 = vector.shape_cast %get3A_374 : vector<1x64x1xf32> to vector<64x1xf32>
    %max3A_376 = arith.constant 1.000000e+00 : f32
    %max3A_377 = vector.broadcast %max3A_376 : f32 to vector<64x1xf32>
    %max3A_378 = arith.maximumf %get3A_375, %max3A_377 : vector<64x1xf32>
    %div3A_379 = vector.broadcast %max3A_378 : vector<64x1xf32> to vector<64x64xf32>
    %div3A_380 = arith.divf %slice3A_370, %div3A_379 : vector<64x64xf32>
    %reduce_sum3A_381 = arith.constant dense<0.000000e+00> : vector<64xf32>
    %reduce_sum3A_382 = vector.multi_reduction <add>, %div3A_380, %reduce_sum3A_381 [1] : vector<64x64xf32> to vector<64xf32>
    %broadcast_in_dim3A_383 = vector.shape_cast %reduce_sum3A_382 : vector<64xf32> to vector<64x1xf32>
    %mul3A_384 = arith.mulf %div3A_380, %div3A_380 : vector<64x64xf32>
    %reduce_sum3A_385 = arith.constant dense<0.000000e+00> : vector<64xf32>
    %reduce_sum3A_386 = vector.multi_reduction <add>, %mul3A_384, %reduce_sum3A_385 [1] : vector<64x64xf32> to vector<64xf32>
    %broadcast_in_dim3A_387 = vector.shape_cast %reduce_sum3A_386 : vector<64xf32> to vector<64x1xf32>
    %mul3A_388 = arith.mulf %broadcast_in_dim3A_383, %broadcast_in_dim3A_383 : vector<64x1xf32>
    %div3A_389 = arith.constant 6.400000e+01 : f32
    %div3A_390 = vector.broadcast %div3A_389 : f32 to vector<64x1xf32>
    %div3A_391 = arith.divf %mul3A_388, %div3A_390 : vector<64x1xf32>
    %sub3A_392 = arith.subf %broadcast_in_dim3A_387, %div3A_391 : vector<64x1xf32>
    %sub3A_393 = arith.constant 6.400000e+01 : f32
    %sub3A_394 = arith.constant 1.000000e+00 : f32
    %sub3A_395 = arith.subf %sub3A_393, %sub3A_394 : f32
    %div3A_396 = vector.broadcast %sub3A_395 : f32 to vector<64x1xf32>
    %div3A_397 = arith.divf %sub3A_392, %div3A_396 : vector<64x1xf32>
    %iota3A_398 = tpu.iota {dimensions = array<i32: 0>} : vector<64x64xi32>
    %iota3A_399 = tpu.iota {dimensions = array<i32: 1>} : vector<64x64xi32>
    %eq3A_400 = arith.cmpi eq, %iota3A_398, %iota3A_399 : vector<64x64xi32>
    %jit3A_401 = arith.constant 0.000000e+00 : f32
    %broadcast_in_dim3A_402 = vector.shape_cast %div3A_397 : vector<64x1xf32> to vector<64x1xf32>
    %broadcast_in_dim3A_403 = vector.broadcast %broadcast_in_dim3A_402 : vector<64x1xf32> to vector<64x64xf32>
    %broadcast_in_dim3A_404 = vector.broadcast %jit3A_401 : f32 to vector<64x64xf32>
    %select_n3A_405 = arith.select %eq3A_400, %broadcast_in_dim3A_403, %broadcast_in_dim3A_404 : vector<64x64xi1>, vector<64x64xf32>
    %reduce_sum3A_406 = arith.constant dense<0.000000e+00> : vector<64xf32>
    %reduce_sum3A_407 = vector.multi_reduction <add>, %select_n3A_405, %reduce_sum3A_406 [0] : vector<64x64xf32> to vector<64xf32>
    %broadcast_in_dim3A_408 = vector.shape_cast %reduce_sum3A_407 : vector<64xf32> to vector<1x64xf32>
    %iota3A_409 = tpu.iota {dimensions = array<i32: 0>} : vector<64x64xi32>
    %iota3A_410 = tpu.iota {dimensions = array<i32: 1>} : vector<64x64xi32>
    %gt3A_411 = vector.broadcast %div3A_397 : vector<64x1xf32> to vector<64x64xf32>
    %gt3A_412 = vector.broadcast %broadcast_in_dim3A_408 : vector<1x64xf32> to vector<64x64xf32>
    %gt3A_413 = arith.cmpf ogt, %gt3A_411, %gt3A_412 : vector<64x64xf32>
    %eq3A_414 = vector.broadcast %div3A_397 : vector<64x1xf32> to vector<64x64xf32>
    %eq3A_415 = vector.broadcast %broadcast_in_dim3A_408 : vector<1x64xf32> to vector<64x64xf32>
    %eq3A_416 = arith.cmpf oeq, %eq3A_414, %eq3A_415 : vector<64x64xf32>
    %lt3A_417 = arith.cmpi slt, %iota3A_409, %iota3A_410 : vector<64x64xi32>
    %and3A_418 = arith.andi %eq3A_416, %lt3A_417 : vector<64x64xi1>
    %or3A_419 = arith.ori %gt3A_413, %and3A_418 : vector<64x64xi1>
    %convert_element_type3A_420 = arith.extui %or3A_419 : vector<64x64xi1> to vector<64x64xi32>
    %reduce_sum3A_421 = arith.constant dense<0> : vector<64xi32>
    %reduce_sum3A_422 = vector.multi_reduction <add>, %convert_element_type3A_420, %reduce_sum3A_421 [0] : vector<64x64xi32> to vector<64xi32>
    %broadcast_in_dim3A_423 = vector.shape_cast %reduce_sum3A_422 : vector<64xi32> to vector<1x64xi32>
    %jit3A_424 = arith.constant 8 : i32
    %div3A_425 = vector.broadcast %jit3A_424 : i32 to vector<1x64xi32>
    %div3A_426 = arith.divsi %broadcast_in_dim3A_423, %div3A_425 : vector<1x64xi32>
    %sign3A_427 = arith.constant 0 : i32
    %sign3A_428 = vector.broadcast %sign3A_427 : i32 to vector<1x64xi32>
    %sign3A_429 = arith.cmpi sgt, %broadcast_in_dim3A_423, %sign3A_428 : vector<1x64xi32>
    %sign3A_430 = arith.extui %sign3A_429 : vector<1x64xi1> to vector<1x64xi32>
    %sign3A_431 = arith.constant 0 : i32
    %sign3A_432 = vector.broadcast %sign3A_431 : i32 to vector<1x64xi32>
    %sign3A_433 = arith.cmpi slt, %broadcast_in_dim3A_423, %sign3A_432 : vector<1x64xi32>
    %sign3A_434 = arith.extui %sign3A_433 : vector<1x64xi1> to vector<1x64xi32>
    %sign3A_435 = arith.subi %sign3A_430, %sign3A_434 : vector<1x64xi32>
    %sign3A_436 = arith.constant 0 : i32
    %sign3A_437 = arith.cmpi sgt, %jit3A_424, %sign3A_436 : i32
    %sign3A_438 = arith.extui %sign3A_437 : i1 to i32
    %sign3A_439 = arith.constant 0 : i32
    %sign3A_440 = arith.cmpi slt, %jit3A_424, %sign3A_439 : i32
    %sign3A_441 = arith.extui %sign3A_440 : i1 to i32
    %sign3A_442 = arith.subi %sign3A_438, %sign3A_441 : i32
    %ne3A_443 = vector.broadcast %sign3A_442 : i32 to vector<1x64xi32>
    %ne3A_444 = arith.cmpi ne, %sign3A_435, %ne3A_443 : vector<1x64xi32>
    %rem3A_445 = vector.broadcast %jit3A_424 : i32 to vector<1x64xi32>
    %rem3A_446 = arith.remsi %broadcast_in_dim3A_423, %rem3A_445 : vector<1x64xi32>
    %ne3A_447 = arith.constant 0 : i32
    %ne3A_448 = vector.broadcast %ne3A_447 : i32 to vector<1x64xi32>
    %ne3A_449 = arith.cmpi ne, %rem3A_446, %ne3A_448 : vector<1x64xi32>
    %and3A_450 = arith.andi %ne3A_444, %ne3A_449 : vector<1x64xi1>
    %sub3A_451 = arith.constant 1 : i32
    %sub3A_452 = vector.broadcast %sub3A_451 : i32 to vector<1x64xi32>
    %sub3A_453 = arith.subi %div3A_426, %sub3A_452 : vector<1x64xi32>
    %select_n3A_454 = arith.select %and3A_450, %sub3A_453, %div3A_426 : vector<1x64xi1>, vector<1x64xi32>
    %iota3A_455 = tpu.iota {dimensions = array<i32: 0>} : vector<8x1xi32>
    %eq3A_456 = vector.broadcast %select_n3A_454 : vector<1x64xi32> to vector<8x64xi32>
    %eq3A_457 = vector.broadcast %iota3A_455 : vector<8x1xi32> to vector<8x64xi32>
    %eq3A_458 = arith.cmpi eq, %eq3A_456, %eq3A_457 : vector<8x64xi32>
    %convert_element_type3A_459 = arith.extui %eq3A_458 : vector<8x64xi1> to vector<8x64xi32>
    %convert_element_type3A_460 = arith.sitofp %convert_element_type3A_459 : vector<8x64xi32> to vector<8x64xf32>
    %dot_general3A_461 = arith.constant dense<0.000000e+00> : vector<8x64xf32>
    %dot_general3A_462 = tpu.matmul %convert_element_type3A_460, %div3A_380, %dot_general3A_461 {dimension_numbers = #tpu.dot_dimension_numbers<[1], [0], [0], [1], [0, 0, 1, 1], [], []>, transpose_lhs_hint = false} : vector<8x64xf32>, vector<64x64xf32>, vector<8x64xf32> -> vector<8x64xf32>
    %mul3A_463 = arith.constant 1.250000e-01 : f32
    %mul3A_464 = vector.broadcast %mul3A_463 : f32 to vector<8x64xf32>
    %mul3A_465 = arith.mulf %dot_general3A_462, %mul3A_464 : vector<8x64xf32>
    %slice3A_466 = vector.extract_strided_slice %add3A {offsets = [320, 0], sizes = [64, 64], strides = [1, 1]} : vector<1024x64xf32> to vector<64x64xf32>
    %get3A_467 = arith.constant 5 : index
    %get3A_468 = arith.constant 0 : index
    %get3A_469 = arith.constant 0 : index
    %get3A_470 = vector.load %arg1[%get3A_467, %get3A_468, %get3A_469] : memref<16x64x1xf32, #tpu.memory_space<vmem>>, vector<1x64x1xf32>
    %get3A_471 = vector.shape_cast %get3A_470 : vector<1x64x1xf32> to vector<64x1xf32>
    %max3A_472 = arith.constant 1.000000e+00 : f32
    %max3A_473 = vector.broadcast %max3A_472 : f32 to vector<64x1xf32>
    %max3A_474 = arith.maximumf %get3A_471, %max3A_473 : vector<64x1xf32>
    %div3A_475 = vector.broadcast %max3A_474 : vector<64x1xf32> to vector<64x64xf32>
    %div3A_476 = arith.divf %slice3A_466, %div3A_475 : vector<64x64xf32>
    %reduce_sum3A_477 = arith.constant dense<0.000000e+00> : vector<64xf32>
    %reduce_sum3A_478 = vector.multi_reduction <add>, %div3A_476, %reduce_sum3A_477 [1] : vector<64x64xf32> to vector<64xf32>
    %broadcast_in_dim3A_479 = vector.shape_cast %reduce_sum3A_478 : vector<64xf32> to vector<64x1xf32>
    %mul3A_480 = arith.mulf %div3A_476, %div3A_476 : vector<64x64xf32>
    %reduce_sum3A_481 = arith.constant dense<0.000000e+00> : vector<64xf32>
    %reduce_sum3A_482 = vector.multi_reduction <add>, %mul3A_480, %reduce_sum3A_481 [1] : vector<64x64xf32> to vector<64xf32>
    %broadcast_in_dim3A_483 = vector.shape_cast %reduce_sum3A_482 : vector<64xf32> to vector<64x1xf32>
    %mul3A_484 = arith.mulf %broadcast_in_dim3A_479, %broadcast_in_dim3A_479 : vector<64x1xf32>
    %div3A_485 = arith.constant 6.400000e+01 : f32
    %div3A_486 = vector.broadcast %div3A_485 : f32 to vector<64x1xf32>
    %div3A_487 = arith.divf %mul3A_484, %div3A_486 : vector<64x1xf32>
    %sub3A_488 = arith.subf %broadcast_in_dim3A_483, %div3A_487 : vector<64x1xf32>
    %sub3A_489 = arith.constant 6.400000e+01 : f32
    %sub3A_490 = arith.constant 1.000000e+00 : f32
    %sub3A_491 = arith.subf %sub3A_489, %sub3A_490 : f32
    %div3A_492 = vector.broadcast %sub3A_491 : f32 to vector<64x1xf32>
    %div3A_493 = arith.divf %sub3A_488, %div3A_492 : vector<64x1xf32>
    %iota3A_494 = tpu.iota {dimensions = array<i32: 0>} : vector<64x64xi32>
    %iota3A_495 = tpu.iota {dimensions = array<i32: 1>} : vector<64x64xi32>
    %eq3A_496 = arith.cmpi eq, %iota3A_494, %iota3A_495 : vector<64x64xi32>
    %jit3A_497 = arith.constant 0.000000e+00 : f32
    %broadcast_in_dim3A_498 = vector.shape_cast %div3A_493 : vector<64x1xf32> to vector<64x1xf32>
    %broadcast_in_dim3A_499 = vector.broadcast %broadcast_in_dim3A_498 : vector<64x1xf32> to vector<64x64xf32>
    %broadcast_in_dim3A_500 = vector.broadcast %jit3A_497 : f32 to vector<64x64xf32>
    %select_n3A_501 = arith.select %eq3A_496, %broadcast_in_dim3A_499, %broadcast_in_dim3A_500 : vector<64x64xi1>, vector<64x64xf32>
    %reduce_sum3A_502 = arith.constant dense<0.000000e+00> : vector<64xf32>
    %reduce_sum3A_503 = vector.multi_reduction <add>, %select_n3A_501, %reduce_sum3A_502 [0] : vector<64x64xf32> to vector<64xf32>
    %broadcast_in_dim3A_504 = vector.shape_cast %reduce_sum3A_503 : vector<64xf32> to vector<1x64xf32>
    %iota3A_505 = tpu.iota {dimensions = array<i32: 0>} : vector<64x64xi32>
    %iota3A_506 = tpu.iota {dimensions = array<i32: 1>} : vector<64x64xi32>
    %gt3A_507 = vector.broadcast %div3A_493 : vector<64x1xf32> to vector<64x64xf32>
    %gt3A_508 = vector.broadcast %broadcast_in_dim3A_504 : vector<1x64xf32> to vector<64x64xf32>
    %gt3A_509 = arith.cmpf ogt, %gt3A_507, %gt3A_508 : vector<64x64xf32>
    %eq3A_510 = vector.broadcast %div3A_493 : vector<64x1xf32> to vector<64x64xf32>
    %eq3A_511 = vector.broadcast %broadcast_in_dim3A_504 : vector<1x64xf32> to vector<64x64xf32>
    %eq3A_512 = arith.cmpf oeq, %eq3A_510, %eq3A_511 : vector<64x64xf32>
    %lt3A_513 = arith.cmpi slt, %iota3A_505, %iota3A_506 : vector<64x64xi32>
    %and3A_514 = arith.andi %eq3A_512, %lt3A_513 : vector<64x64xi1>
    %or3A_515 = arith.ori %gt3A_509, %and3A_514 : vector<64x64xi1>
    %convert_element_type3A_516 = arith.extui %or3A_515 : vector<64x64xi1> to vector<64x64xi32>
    %reduce_sum3A_517 = arith.constant dense<0> : vector<64xi32>
    %reduce_sum3A_518 = vector.multi_reduction <add>, %convert_element_type3A_516, %reduce_sum3A_517 [0] : vector<64x64xi32> to vector<64xi32>
    %broadcast_in_dim3A_519 = vector.shape_cast %reduce_sum3A_518 : vector<64xi32> to vector<1x64xi32>
    %jit3A_520 = arith.constant 8 : i32
    %div3A_521 = vector.broadcast %jit3A_520 : i32 to vector<1x64xi32>
    %div3A_522 = arith.divsi %broadcast_in_dim3A_519, %div3A_521 : vector<1x64xi32>
    %sign3A_523 = arith.constant 0 : i32
    %sign3A_524 = vector.broadcast %sign3A_523 : i32 to vector<1x64xi32>
    %sign3A_525 = arith.cmpi sgt, %broadcast_in_dim3A_519, %sign3A_524 : vector<1x64xi32>
    %sign3A_526 = arith.extui %sign3A_525 : vector<1x64xi1> to vector<1x64xi32>
    %sign3A_527 = arith.constant 0 : i32
    %sign3A_528 = vector.broadcast %sign3A_527 : i32 to vector<1x64xi32>
    %sign3A_529 = arith.cmpi slt, %broadcast_in_dim3A_519, %sign3A_528 : vector<1x64xi32>
    %sign3A_530 = arith.extui %sign3A_529 : vector<1x64xi1> to vector<1x64xi32>
    %sign3A_531 = arith.subi %sign3A_526, %sign3A_530 : vector<1x64xi32>
    %sign3A_532 = arith.constant 0 : i32
    %sign3A_533 = arith.cmpi sgt, %jit3A_520, %sign3A_532 : i32
    %sign3A_534 = arith.extui %sign3A_533 : i1 to i32
    %sign3A_535 = arith.constant 0 : i32
    %sign3A_536 = arith.cmpi slt, %jit3A_520, %sign3A_535 : i32
    %sign3A_537 = arith.extui %sign3A_536 : i1 to i32
    %sign3A_538 = arith.subi %sign3A_534, %sign3A_537 : i32
    %ne3A_539 = vector.broadcast %sign3A_538 : i32 to vector<1x64xi32>
    %ne3A_540 = arith.cmpi ne, %sign3A_531, %ne3A_539 : vector<1x64xi32>
    %rem3A_541 = vector.broadcast %jit3A_520 : i32 to vector<1x64xi32>
    %rem3A_542 = arith.remsi %broadcast_in_dim3A_519, %rem3A_541 : vector<1x64xi32>
    %ne3A_543 = arith.constant 0 : i32
    %ne3A_544 = vector.broadcast %ne3A_543 : i32 to vector<1x64xi32>
    %ne3A_545 = arith.cmpi ne, %rem3A_542, %ne3A_544 : vector<1x64xi32>
    %and3A_546 = arith.andi %ne3A_540, %ne3A_545 : vector<1x64xi1>
    %sub3A_547 = arith.constant 1 : i32
    %sub3A_548 = vector.broadcast %sub3A_547 : i32 to vector<1x64xi32>
    %sub3A_549 = arith.subi %div3A_522, %sub3A_548 : vector<1x64xi32>
    %select_n3A_550 = arith.select %and3A_546, %sub3A_549, %div3A_522 : vector<1x64xi1>, vector<1x64xi32>
    %iota3A_551 = tpu.iota {dimensions = array<i32: 0>} : vector<8x1xi32>
    %eq3A_552 = vector.broadcast %select_n3A_550 : vector<1x64xi32> to vector<8x64xi32>
    %eq3A_553 = vector.broadcast %iota3A_551 : vector<8x1xi32> to vector<8x64xi32>
    %eq3A_554 = arith.cmpi eq, %eq3A_552, %eq3A_553 : vector<8x64xi32>
    %convert_element_type3A_555 = arith.extui %eq3A_554 : vector<8x64xi1> to vector<8x64xi32>
    %convert_element_type3A_556 = arith.sitofp %convert_element_type3A_555 : vector<8x64xi32> to vector<8x64xf32>
    %dot_general3A_557 = arith.constant dense<0.000000e+00> : vector<8x64xf32>
    %dot_general3A_558 = tpu.matmul %convert_element_type3A_556, %div3A_476, %dot_general3A_557 {dimension_numbers = #tpu.dot_dimension_numbers<[1], [0], [0], [1], [0, 0, 1, 1], [], []>, transpose_lhs_hint = false} : vector<8x64xf32>, vector<64x64xf32>, vector<8x64xf32> -> vector<8x64xf32>
    %mul3A_559 = arith.constant 1.250000e-01 : f32
    %mul3A_560 = vector.broadcast %mul3A_559 : f32 to vector<8x64xf32>
    %mul3A_561 = arith.mulf %dot_general3A_558, %mul3A_560 : vector<8x64xf32>
    %slice3A_562 = vector.extract_strided_slice %add3A {offsets = [384, 0], sizes = [64, 64], strides = [1, 1]} : vector<1024x64xf32> to vector<64x64xf32>
    %get3A_563 = arith.constant 6 : index
    %get3A_564 = arith.constant 0 : index
    %get3A_565 = arith.constant 0 : index
    %get3A_566 = vector.load %arg1[%get3A_563, %get3A_564, %get3A_565] : memref<16x64x1xf32, #tpu.memory_space<vmem>>, vector<1x64x1xf32>
    %get3A_567 = vector.shape_cast %get3A_566 : vector<1x64x1xf32> to vector<64x1xf32>
    %max3A_568 = arith.constant 1.000000e+00 : f32
    %max3A_569 = vector.broadcast %max3A_568 : f32 to vector<64x1xf32>
    %max3A_570 = arith.maximumf %get3A_567, %max3A_569 : vector<64x1xf32>
    %div3A_571 = vector.broadcast %max3A_570 : vector<64x1xf32> to vector<64x64xf32>
    %div3A_572 = arith.divf %slice3A_562, %div3A_571 : vector<64x64xf32>
    %reduce_sum3A_573 = arith.constant dense<0.000000e+00> : vector<64xf32>
    %reduce_sum3A_574 = vector.multi_reduction <add>, %div3A_572, %reduce_sum3A_573 [1] : vector<64x64xf32> to vector<64xf32>
    %broadcast_in_dim3A_575 = vector.shape_cast %reduce_sum3A_574 : vector<64xf32> to vector<64x1xf32>
    %mul3A_576 = arith.mulf %div3A_572, %div3A_572 : vector<64x64xf32>
    %reduce_sum3A_577 = arith.constant dense<0.000000e+00> : vector<64xf32>
    %reduce_sum3A_578 = vector.multi_reduction <add>, %mul3A_576, %reduce_sum3A_577 [1] : vector<64x64xf32> to vector<64xf32>
    %broadcast_in_dim3A_579 = vector.shape_cast %reduce_sum3A_578 : vector<64xf32> to vector<64x1xf32>
    %mul3A_580 = arith.mulf %broadcast_in_dim3A_575, %broadcast_in_dim3A_575 : vector<64x1xf32>
    %div3A_581 = arith.constant 6.400000e+01 : f32
    %div3A_582 = vector.broadcast %div3A_581 : f32 to vector<64x1xf32>
    %div3A_583 = arith.divf %mul3A_580, %div3A_582 : vector<64x1xf32>
    %sub3A_584 = arith.subf %broadcast_in_dim3A_579, %div3A_583 : vector<64x1xf32>
    %sub3A_585 = arith.constant 6.400000e+01 : f32
    %sub3A_586 = arith.constant 1.000000e+00 : f32
    %sub3A_587 = arith.subf %sub3A_585, %sub3A_586 : f32
    %div3A_588 = vector.broadcast %sub3A_587 : f32 to vector<64x1xf32>
    %div3A_589 = arith.divf %sub3A_584, %div3A_588 : vector<64x1xf32>
    %iota3A_590 = tpu.iota {dimensions = array<i32: 0>} : vector<64x64xi32>
    %iota3A_591 = tpu.iota {dimensions = array<i32: 1>} : vector<64x64xi32>
    %eq3A_592 = arith.cmpi eq, %iota3A_590, %iota3A_591 : vector<64x64xi32>
    %jit3A_593 = arith.constant 0.000000e+00 : f32
    %broadcast_in_dim3A_594 = vector.shape_cast %div3A_589 : vector<64x1xf32> to vector<64x1xf32>
    %broadcast_in_dim3A_595 = vector.broadcast %broadcast_in_dim3A_594 : vector<64x1xf32> to vector<64x64xf32>
    %broadcast_in_dim3A_596 = vector.broadcast %jit3A_593 : f32 to vector<64x64xf32>
    %select_n3A_597 = arith.select %eq3A_592, %broadcast_in_dim3A_595, %broadcast_in_dim3A_596 : vector<64x64xi1>, vector<64x64xf32>
    %reduce_sum3A_598 = arith.constant dense<0.000000e+00> : vector<64xf32>
    %reduce_sum3A_599 = vector.multi_reduction <add>, %select_n3A_597, %reduce_sum3A_598 [0] : vector<64x64xf32> to vector<64xf32>
    %broadcast_in_dim3A_600 = vector.shape_cast %reduce_sum3A_599 : vector<64xf32> to vector<1x64xf32>
    %iota3A_601 = tpu.iota {dimensions = array<i32: 0>} : vector<64x64xi32>
    %iota3A_602 = tpu.iota {dimensions = array<i32: 1>} : vector<64x64xi32>
    %gt3A_603 = vector.broadcast %div3A_589 : vector<64x1xf32> to vector<64x64xf32>
    %gt3A_604 = vector.broadcast %broadcast_in_dim3A_600 : vector<1x64xf32> to vector<64x64xf32>
    %gt3A_605 = arith.cmpf ogt, %gt3A_603, %gt3A_604 : vector<64x64xf32>
    %eq3A_606 = vector.broadcast %div3A_589 : vector<64x1xf32> to vector<64x64xf32>
    %eq3A_607 = vector.broadcast %broadcast_in_dim3A_600 : vector<1x64xf32> to vector<64x64xf32>
    %eq3A_608 = arith.cmpf oeq, %eq3A_606, %eq3A_607 : vector<64x64xf32>
    %lt3A_609 = arith.cmpi slt, %iota3A_601, %iota3A_602 : vector<64x64xi32>
    %and3A_610 = arith.andi %eq3A_608, %lt3A_609 : vector<64x64xi1>
    %or3A_611 = arith.ori %gt3A_605, %and3A_610 : vector<64x64xi1>
    %convert_element_type3A_612 = arith.extui %or3A_611 : vector<64x64xi1> to vector<64x64xi32>
    %reduce_sum3A_613 = arith.constant dense<0> : vector<64xi32>
    %reduce_sum3A_614 = vector.multi_reduction <add>, %convert_element_type3A_612, %reduce_sum3A_613 [0] : vector<64x64xi32> to vector<64xi32>
    %broadcast_in_dim3A_615 = vector.shape_cast %reduce_sum3A_614 : vector<64xi32> to vector<1x64xi32>
    %jit3A_616 = arith.constant 8 : i32
    %div3A_617 = vector.broadcast %jit3A_616 : i32 to vector<1x64xi32>
    %div3A_618 = arith.divsi %broadcast_in_dim3A_615, %div3A_617 : vector<1x64xi32>
    %sign3A_619 = arith.constant 0 : i32
    %sign3A_620 = vector.broadcast %sign3A_619 : i32 to vector<1x64xi32>
    %sign3A_621 = arith.cmpi sgt, %broadcast_in_dim3A_615, %sign3A_620 : vector<1x64xi32>
    %sign3A_622 = arith.extui %sign3A_621 : vector<1x64xi1> to vector<1x64xi32>
    %sign3A_623 = arith.constant 0 : i32
    %sign3A_624 = vector.broadcast %sign3A_623 : i32 to vector<1x64xi32>
    %sign3A_625 = arith.cmpi slt, %broadcast_in_dim3A_615, %sign3A_624 : vector<1x64xi32>
    %sign3A_626 = arith.extui %sign3A_625 : vector<1x64xi1> to vector<1x64xi32>
    %sign3A_627 = arith.subi %sign3A_622, %sign3A_626 : vector<1x64xi32>
    %sign3A_628 = arith.constant 0 : i32
    %sign3A_629 = arith.cmpi sgt, %jit3A_616, %sign3A_628 : i32
    %sign3A_630 = arith.extui %sign3A_629 : i1 to i32
    %sign3A_631 = arith.constant 0 : i32
    %sign3A_632 = arith.cmpi slt, %jit3A_616, %sign3A_631 : i32
    %sign3A_633 = arith.extui %sign3A_632 : i1 to i32
    %sign3A_634 = arith.subi %sign3A_630, %sign3A_633 : i32
    %ne3A_635 = vector.broadcast %sign3A_634 : i32 to vector<1x64xi32>
    %ne3A_636 = arith.cmpi ne, %sign3A_627, %ne3A_635 : vector<1x64xi32>
    %rem3A_637 = vector.broadcast %jit3A_616 : i32 to vector<1x64xi32>
    %rem3A_638 = arith.remsi %broadcast_in_dim3A_615, %rem3A_637 : vector<1x64xi32>
    %ne3A_639 = arith.constant 0 : i32
    %ne3A_640 = vector.broadcast %ne3A_639 : i32 to vector<1x64xi32>
    %ne3A_641 = arith.cmpi ne, %rem3A_638, %ne3A_640 : vector<1x64xi32>
    %and3A_642 = arith.andi %ne3A_636, %ne3A_641 : vector<1x64xi1>
    %sub3A_643 = arith.constant 1 : i32
    %sub3A_644 = vector.broadcast %sub3A_643 : i32 to vector<1x64xi32>
    %sub3A_645 = arith.subi %div3A_618, %sub3A_644 : vector<1x64xi32>
    %select_n3A_646 = arith.select %and3A_642, %sub3A_645, %div3A_618 : vector<1x64xi1>, vector<1x64xi32>
    %iota3A_647 = tpu.iota {dimensions = array<i32: 0>} : vector<8x1xi32>
    %eq3A_648 = vector.broadcast %select_n3A_646 : vector<1x64xi32> to vector<8x64xi32>
    %eq3A_649 = vector.broadcast %iota3A_647 : vector<8x1xi32> to vector<8x64xi32>
    %eq3A_650 = arith.cmpi eq, %eq3A_648, %eq3A_649 : vector<8x64xi32>
    %convert_element_type3A_651 = arith.extui %eq3A_650 : vector<8x64xi1> to vector<8x64xi32>
    %convert_element_type3A_652 = arith.sitofp %convert_element_type3A_651 : vector<8x64xi32> to vector<8x64xf32>
    %dot_general3A_653 = arith.constant dense<0.000000e+00> : vector<8x64xf32>
    %dot_general3A_654 = tpu.matmul %convert_element_type3A_652, %div3A_572, %dot_general3A_653 {dimension_numbers = #tpu.dot_dimension_numbers<[1], [0], [0], [1], [0, 0, 1, 1], [], []>, transpose_lhs_hint = false} : vector<8x64xf32>, vector<64x64xf32>, vector<8x64xf32> -> vector<8x64xf32>
    %mul3A_655 = arith.constant 1.250000e-01 : f32
    %mul3A_656 = vector.broadcast %mul3A_655 : f32 to vector<8x64xf32>
    %mul3A_657 = arith.mulf %dot_general3A_654, %mul3A_656 : vector<8x64xf32>
    %slice3A_658 = vector.extract_strided_slice %add3A {offsets = [448, 0], sizes = [64, 64], strides = [1, 1]} : vector<1024x64xf32> to vector<64x64xf32>
    %get3A_659 = arith.constant 7 : index
    %get3A_660 = arith.constant 0 : index
    %get3A_661 = arith.constant 0 : index
    %get3A_662 = vector.load %arg1[%get3A_659, %get3A_660, %get3A_661] : memref<16x64x1xf32, #tpu.memory_space<vmem>>, vector<1x64x1xf32>
    %get3A_663 = vector.shape_cast %get3A_662 : vector<1x64x1xf32> to vector<64x1xf32>
    %max3A_664 = arith.constant 1.000000e+00 : f32
    %max3A_665 = vector.broadcast %max3A_664 : f32 to vector<64x1xf32>
    %max3A_666 = arith.maximumf %get3A_663, %max3A_665 : vector<64x1xf32>
    %div3A_667 = vector.broadcast %max3A_666 : vector<64x1xf32> to vector<64x64xf32>
    %div3A_668 = arith.divf %slice3A_658, %div3A_667 : vector<64x64xf32>
    %reduce_sum3A_669 = arith.constant dense<0.000000e+00> : vector<64xf32>
    %reduce_sum3A_670 = vector.multi_reduction <add>, %div3A_668, %reduce_sum3A_669 [1] : vector<64x64xf32> to vector<64xf32>
    %broadcast_in_dim3A_671 = vector.shape_cast %reduce_sum3A_670 : vector<64xf32> to vector<64x1xf32>
    %mul3A_672 = arith.mulf %div3A_668, %div3A_668 : vector<64x64xf32>
    %reduce_sum3A_673 = arith.constant dense<0.000000e+00> : vector<64xf32>
    %reduce_sum3A_674 = vector.multi_reduction <add>, %mul3A_672, %reduce_sum3A_673 [1] : vector<64x64xf32> to vector<64xf32>
    %broadcast_in_dim3A_675 = vector.shape_cast %reduce_sum3A_674 : vector<64xf32> to vector<64x1xf32>
    %mul3A_676 = arith.mulf %broadcast_in_dim3A_671, %broadcast_in_dim3A_671 : vector<64x1xf32>
    %div3A_677 = arith.constant 6.400000e+01 : f32
    %div3A_678 = vector.broadcast %div3A_677 : f32 to vector<64x1xf32>
    %div3A_679 = arith.divf %mul3A_676, %div3A_678 : vector<64x1xf32>
    %sub3A_680 = arith.subf %broadcast_in_dim3A_675, %div3A_679 : vector<64x1xf32>
    %sub3A_681 = arith.constant 6.400000e+01 : f32
    %sub3A_682 = arith.constant 1.000000e+00 : f32
    %sub3A_683 = arith.subf %sub3A_681, %sub3A_682 : f32
    %div3A_684 = vector.broadcast %sub3A_683 : f32 to vector<64x1xf32>
    %div3A_685 = arith.divf %sub3A_680, %div3A_684 : vector<64x1xf32>
    %iota3A_686 = tpu.iota {dimensions = array<i32: 0>} : vector<64x64xi32>
    %iota3A_687 = tpu.iota {dimensions = array<i32: 1>} : vector<64x64xi32>
    %eq3A_688 = arith.cmpi eq, %iota3A_686, %iota3A_687 : vector<64x64xi32>
    %jit3A_689 = arith.constant 0.000000e+00 : f32
    %broadcast_in_dim3A_690 = vector.shape_cast %div3A_685 : vector<64x1xf32> to vector<64x1xf32>
    %broadcast_in_dim3A_691 = vector.broadcast %broadcast_in_dim3A_690 : vector<64x1xf32> to vector<64x64xf32>
    %broadcast_in_dim3A_692 = vector.broadcast %jit3A_689 : f32 to vector<64x64xf32>
    %select_n3A_693 = arith.select %eq3A_688, %broadcast_in_dim3A_691, %broadcast_in_dim3A_692 : vector<64x64xi1>, vector<64x64xf32>
    %reduce_sum3A_694 = arith.constant dense<0.000000e+00> : vector<64xf32>
    %reduce_sum3A_695 = vector.multi_reduction <add>, %select_n3A_693, %reduce_sum3A_694 [0] : vector<64x64xf32> to vector<64xf32>
    %broadcast_in_dim3A_696 = vector.shape_cast %reduce_sum3A_695 : vector<64xf32> to vector<1x64xf32>
    %iota3A_697 = tpu.iota {dimensions = array<i32: 0>} : vector<64x64xi32>
    %iota3A_698 = tpu.iota {dimensions = array<i32: 1>} : vector<64x64xi32>
    %gt3A_699 = vector.broadcast %div3A_685 : vector<64x1xf32> to vector<64x64xf32>
    %gt3A_700 = vector.broadcast %broadcast_in_dim3A_696 : vector<1x64xf32> to vector<64x64xf32>
    %gt3A_701 = arith.cmpf ogt, %gt3A_699, %gt3A_700 : vector<64x64xf32>
    %eq3A_702 = vector.broadcast %div3A_685 : vector<64x1xf32> to vector<64x64xf32>
    %eq3A_703 = vector.broadcast %broadcast_in_dim3A_696 : vector<1x64xf32> to vector<64x64xf32>
    %eq3A_704 = arith.cmpf oeq, %eq3A_702, %eq3A_703 : vector<64x64xf32>
    %lt3A_705 = arith.cmpi slt, %iota3A_697, %iota3A_698 : vector<64x64xi32>
    %and3A_706 = arith.andi %eq3A_704, %lt3A_705 : vector<64x64xi1>
    %or3A_707 = arith.ori %gt3A_701, %and3A_706 : vector<64x64xi1>
    %convert_element_type3A_708 = arith.extui %or3A_707 : vector<64x64xi1> to vector<64x64xi32>
    %reduce_sum3A_709 = arith.constant dense<0> : vector<64xi32>
    %reduce_sum3A_710 = vector.multi_reduction <add>, %convert_element_type3A_708, %reduce_sum3A_709 [0] : vector<64x64xi32> to vector<64xi32>
    %broadcast_in_dim3A_711 = vector.shape_cast %reduce_sum3A_710 : vector<64xi32> to vector<1x64xi32>
    %jit3A_712 = arith.constant 8 : i32
    %div3A_713 = vector.broadcast %jit3A_712 : i32 to vector<1x64xi32>
    %div3A_714 = arith.divsi %broadcast_in_dim3A_711, %div3A_713 : vector<1x64xi32>
    %sign3A_715 = arith.constant 0 : i32
    %sign3A_716 = vector.broadcast %sign3A_715 : i32 to vector<1x64xi32>
    %sign3A_717 = arith.cmpi sgt, %broadcast_in_dim3A_711, %sign3A_716 : vector<1x64xi32>
    %sign3A_718 = arith.extui %sign3A_717 : vector<1x64xi1> to vector<1x64xi32>
    %sign3A_719 = arith.constant 0 : i32
    %sign3A_720 = vector.broadcast %sign3A_719 : i32 to vector<1x64xi32>
    %sign3A_721 = arith.cmpi slt, %broadcast_in_dim3A_711, %sign3A_720 : vector<1x64xi32>
    %sign3A_722 = arith.extui %sign3A_721 : vector<1x64xi1> to vector<1x64xi32>
    %sign3A_723 = arith.subi %sign3A_718, %sign3A_722 : vector<1x64xi32>
    %sign3A_724 = arith.constant 0 : i32
    %sign3A_725 = arith.cmpi sgt, %jit3A_712, %sign3A_724 : i32
    %sign3A_726 = arith.extui %sign3A_725 : i1 to i32
    %sign3A_727 = arith.constant 0 : i32
    %sign3A_728 = arith.cmpi slt, %jit3A_712, %sign3A_727 : i32
    %sign3A_729 = arith.extui %sign3A_728 : i1 to i32
    %sign3A_730 = arith.subi %sign3A_726, %sign3A_729 : i32
    %ne3A_731 = vector.broadcast %sign3A_730 : i32 to vector<1x64xi32>
    %ne3A_732 = arith.cmpi ne, %sign3A_723, %ne3A_731 : vector<1x64xi32>
    %rem3A_733 = vector.broadcast %jit3A_712 : i32 to vector<1x64xi32>
    %rem3A_734 = arith.remsi %broadcast_in_dim3A_711, %rem3A_733 : vector<1x64xi32>
    %ne3A_735 = arith.constant 0 : i32
    %ne3A_736 = vector.broadcast %ne3A_735 : i32 to vector<1x64xi32>
    %ne3A_737 = arith.cmpi ne, %rem3A_734, %ne3A_736 : vector<1x64xi32>
    %and3A_738 = arith.andi %ne3A_732, %ne3A_737 : vector<1x64xi1>
    %sub3A_739 = arith.constant 1 : i32
    %sub3A_740 = vector.broadcast %sub3A_739 : i32 to vector<1x64xi32>
    %sub3A_741 = arith.subi %div3A_714, %sub3A_740 : vector<1x64xi32>
    %select_n3A_742 = arith.select %and3A_738, %sub3A_741, %div3A_714 : vector<1x64xi1>, vector<1x64xi32>
    %iota3A_743 = tpu.iota {dimensions = array<i32: 0>} : vector<8x1xi32>
    %eq3A_744 = vector.broadcast %select_n3A_742 : vector<1x64xi32> to vector<8x64xi32>
    %eq3A_745 = vector.broadcast %iota3A_743 : vector<8x1xi32> to vector<8x64xi32>
    %eq3A_746 = arith.cmpi eq, %eq3A_744, %eq3A_745 : vector<8x64xi32>
    %convert_element_type3A_747 = arith.extui %eq3A_746 : vector<8x64xi1> to vector<8x64xi32>
    %convert_element_type3A_748 = arith.sitofp %convert_element_type3A_747 : vector<8x64xi32> to vector<8x64xf32>
    %dot_general3A_749 = arith.constant dense<0.000000e+00> : vector<8x64xf32>
    %dot_general3A_750 = tpu.matmul %convert_element_type3A_748, %div3A_668, %dot_general3A_749 {dimension_numbers = #tpu.dot_dimension_numbers<[1], [0], [0], [1], [0, 0, 1, 1], [], []>, transpose_lhs_hint = false} : vector<8x64xf32>, vector<64x64xf32>, vector<8x64xf32> -> vector<8x64xf32>
    %mul3A_751 = arith.constant 1.250000e-01 : f32
    %mul3A_752 = vector.broadcast %mul3A_751 : f32 to vector<8x64xf32>
    %mul3A_753 = arith.mulf %dot_general3A_750, %mul3A_752 : vector<8x64xf32>
    %slice3A_754 = vector.extract_strided_slice %add3A {offsets = [512, 0], sizes = [64, 64], strides = [1, 1]} : vector<1024x64xf32> to vector<64x64xf32>
    %get3A_755 = arith.constant 8 : index
    %get3A_756 = arith.constant 0 : index
    %get3A_757 = arith.constant 0 : index
    %get3A_758 = vector.load %arg1[%get3A_755, %get3A_756, %get3A_757] : memref<16x64x1xf32, #tpu.memory_space<vmem>>, vector<1x64x1xf32>
    %get3A_759 = vector.shape_cast %get3A_758 : vector<1x64x1xf32> to vector<64x1xf32>
    %max3A_760 = arith.constant 1.000000e+00 : f32
    %max3A_761 = vector.broadcast %max3A_760 : f32 to vector<64x1xf32>
    %max3A_762 = arith.maximumf %get3A_759, %max3A_761 : vector<64x1xf32>
    %div3A_763 = vector.broadcast %max3A_762 : vector<64x1xf32> to vector<64x64xf32>
    %div3A_764 = arith.divf %slice3A_754, %div3A_763 : vector<64x64xf32>
    %reduce_sum3A_765 = arith.constant dense<0.000000e+00> : vector<64xf32>
    %reduce_sum3A_766 = vector.multi_reduction <add>, %div3A_764, %reduce_sum3A_765 [1] : vector<64x64xf32> to vector<64xf32>
    %broadcast_in_dim3A_767 = vector.shape_cast %reduce_sum3A_766 : vector<64xf32> to vector<64x1xf32>
    %mul3A_768 = arith.mulf %div3A_764, %div3A_764 : vector<64x64xf32>
    %reduce_sum3A_769 = arith.constant dense<0.000000e+00> : vector<64xf32>
    %reduce_sum3A_770 = vector.multi_reduction <add>, %mul3A_768, %reduce_sum3A_769 [1] : vector<64x64xf32> to vector<64xf32>
    %broadcast_in_dim3A_771 = vector.shape_cast %reduce_sum3A_770 : vector<64xf32> to vector<64x1xf32>
    %mul3A_772 = arith.mulf %broadcast_in_dim3A_767, %broadcast_in_dim3A_767 : vector<64x1xf32>
    %div3A_773 = arith.constant 6.400000e+01 : f32
    %div3A_774 = vector.broadcast %div3A_773 : f32 to vector<64x1xf32>
    %div3A_775 = arith.divf %mul3A_772, %div3A_774 : vector<64x1xf32>
    %sub3A_776 = arith.subf %broadcast_in_dim3A_771, %div3A_775 : vector<64x1xf32>
    %sub3A_777 = arith.constant 6.400000e+01 : f32
    %sub3A_778 = arith.constant 1.000000e+00 : f32
    %sub3A_779 = arith.subf %sub3A_777, %sub3A_778 : f32
    %div3A_780 = vector.broadcast %sub3A_779 : f32 to vector<64x1xf32>
    %div3A_781 = arith.divf %sub3A_776, %div3A_780 : vector<64x1xf32>
    %iota3A_782 = tpu.iota {dimensions = array<i32: 0>} : vector<64x64xi32>
    %iota3A_783 = tpu.iota {dimensions = array<i32: 1>} : vector<64x64xi32>
    %eq3A_784 = arith.cmpi eq, %iota3A_782, %iota3A_783 : vector<64x64xi32>
    %jit3A_785 = arith.constant 0.000000e+00 : f32
    %broadcast_in_dim3A_786 = vector.shape_cast %div3A_781 : vector<64x1xf32> to vector<64x1xf32>
    %broadcast_in_dim3A_787 = vector.broadcast %broadcast_in_dim3A_786 : vector<64x1xf32> to vector<64x64xf32>
    %broadcast_in_dim3A_788 = vector.broadcast %jit3A_785 : f32 to vector<64x64xf32>
    %select_n3A_789 = arith.select %eq3A_784, %broadcast_in_dim3A_787, %broadcast_in_dim3A_788 : vector<64x64xi1>, vector<64x64xf32>
    %reduce_sum3A_790 = arith.constant dense<0.000000e+00> : vector<64xf32>
    %reduce_sum3A_791 = vector.multi_reduction <add>, %select_n3A_789, %reduce_sum3A_790 [0] : vector<64x64xf32> to vector<64xf32>
    %broadcast_in_dim3A_792 = vector.shape_cast %reduce_sum3A_791 : vector<64xf32> to vector<1x64xf32>
    %iota3A_793 = tpu.iota {dimensions = array<i32: 0>} : vector<64x64xi32>
    %iota3A_794 = tpu.iota {dimensions = array<i32: 1>} : vector<64x64xi32>
    %gt3A_795 = vector.broadcast %div3A_781 : vector<64x1xf32> to vector<64x64xf32>
    %gt3A_796 = vector.broadcast %broadcast_in_dim3A_792 : vector<1x64xf32> to vector<64x64xf32>
    %gt3A_797 = arith.cmpf ogt, %gt3A_795, %gt3A_796 : vector<64x64xf32>
    %eq3A_798 = vector.broadcast %div3A_781 : vector<64x1xf32> to vector<64x64xf32>
    %eq3A_799 = vector.broadcast %broadcast_in_dim3A_792 : vector<1x64xf32> to vector<64x64xf32>
    %eq3A_800 = arith.cmpf oeq, %eq3A_798, %eq3A_799 : vector<64x64xf32>
    %lt3A_801 = arith.cmpi slt, %iota3A_793, %iota3A_794 : vector<64x64xi32>
    %and3A_802 = arith.andi %eq3A_800, %lt3A_801 : vector<64x64xi1>
    %or3A_803 = arith.ori %gt3A_797, %and3A_802 : vector<64x64xi1>
    %convert_element_type3A_804 = arith.extui %or3A_803 : vector<64x64xi1> to vector<64x64xi32>
    %reduce_sum3A_805 = arith.constant dense<0> : vector<64xi32>
    %reduce_sum3A_806 = vector.multi_reduction <add>, %convert_element_type3A_804, %reduce_sum3A_805 [0] : vector<64x64xi32> to vector<64xi32>
    %broadcast_in_dim3A_807 = vector.shape_cast %reduce_sum3A_806 : vector<64xi32> to vector<1x64xi32>
    %jit3A_808 = arith.constant 8 : i32
    %div3A_809 = vector.broadcast %jit3A_808 : i32 to vector<1x64xi32>
    %div3A_810 = arith.divsi %broadcast_in_dim3A_807, %div3A_809 : vector<1x64xi32>
    %sign3A_811 = arith.constant 0 : i32
    %sign3A_812 = vector.broadcast %sign3A_811 : i32 to vector<1x64xi32>
    %sign3A_813 = arith.cmpi sgt, %broadcast_in_dim3A_807, %sign3A_812 : vector<1x64xi32>
    %sign3A_814 = arith.extui %sign3A_813 : vector<1x64xi1> to vector<1x64xi32>
    %sign3A_815 = arith.constant 0 : i32
    %sign3A_816 = vector.broadcast %sign3A_815 : i32 to vector<1x64xi32>
    %sign3A_817 = arith.cmpi slt, %broadcast_in_dim3A_807, %sign3A_816 : vector<1x64xi32>
    %sign3A_818 = arith.extui %sign3A_817 : vector<1x64xi1> to vector<1x64xi32>
    %sign3A_819 = arith.subi %sign3A_814, %sign3A_818 : vector<1x64xi32>
    %sign3A_820 = arith.constant 0 : i32
    %sign3A_821 = arith.cmpi sgt, %jit3A_808, %sign3A_820 : i32
    %sign3A_822 = arith.extui %sign3A_821 : i1 to i32
    %sign3A_823 = arith.constant 0 : i32
    %sign3A_824 = arith.cmpi slt, %jit3A_808, %sign3A_823 : i32
    %sign3A_825 = arith.extui %sign3A_824 : i1 to i32
    %sign3A_826 = arith.subi %sign3A_822, %sign3A_825 : i32
    %ne3A_827 = vector.broadcast %sign3A_826 : i32 to vector<1x64xi32>
    %ne3A_828 = arith.cmpi ne, %sign3A_819, %ne3A_827 : vector<1x64xi32>
    %rem3A_829 = vector.broadcast %jit3A_808 : i32 to vector<1x64xi32>
    %rem3A_830 = arith.remsi %broadcast_in_dim3A_807, %rem3A_829 : vector<1x64xi32>
    %ne3A_831 = arith.constant 0 : i32
    %ne3A_832 = vector.broadcast %ne3A_831 : i32 to vector<1x64xi32>
    %ne3A_833 = arith.cmpi ne, %rem3A_830, %ne3A_832 : vector<1x64xi32>
    %and3A_834 = arith.andi %ne3A_828, %ne3A_833 : vector<1x64xi1>
    %sub3A_835 = arith.constant 1 : i32
    %sub3A_836 = vector.broadcast %sub3A_835 : i32 to vector<1x64xi32>
    %sub3A_837 = arith.subi %div3A_810, %sub3A_836 : vector<1x64xi32>
    %select_n3A_838 = arith.select %and3A_834, %sub3A_837, %div3A_810 : vector<1x64xi1>, vector<1x64xi32>
    %iota3A_839 = tpu.iota {dimensions = array<i32: 0>} : vector<8x1xi32>
    %eq3A_840 = vector.broadcast %select_n3A_838 : vector<1x64xi32> to vector<8x64xi32>
    %eq3A_841 = vector.broadcast %iota3A_839 : vector<8x1xi32> to vector<8x64xi32>
    %eq3A_842 = arith.cmpi eq, %eq3A_840, %eq3A_841 : vector<8x64xi32>
    %convert_element_type3A_843 = arith.extui %eq3A_842 : vector<8x64xi1> to vector<8x64xi32>
    %convert_element_type3A_844 = arith.sitofp %convert_element_type3A_843 : vector<8x64xi32> to vector<8x64xf32>
    %dot_general3A_845 = arith.constant dense<0.000000e+00> : vector<8x64xf32>
    %dot_general3A_846 = tpu.matmul %convert_element_type3A_844, %div3A_764, %dot_general3A_845 {dimension_numbers = #tpu.dot_dimension_numbers<[1], [0], [0], [1], [0, 0, 1, 1], [], []>, transpose_lhs_hint = false} : vector<8x64xf32>, vector<64x64xf32>, vector<8x64xf32> -> vector<8x64xf32>
    %mul3A_847 = arith.constant 1.250000e-01 : f32
    %mul3A_848 = vector.broadcast %mul3A_847 : f32 to vector<8x64xf32>
    %mul3A_849 = arith.mulf %dot_general3A_846, %mul3A_848 : vector<8x64xf32>
    %slice3A_850 = vector.extract_strided_slice %add3A {offsets = [576, 0], sizes = [64, 64], strides = [1, 1]} : vector<1024x64xf32> to vector<64x64xf32>
    %get3A_851 = arith.constant 9 : index
    %get3A_852 = arith.constant 0 : index
    %get3A_853 = arith.constant 0 : index
    %get3A_854 = vector.load %arg1[%get3A_851, %get3A_852, %get3A_853] : memref<16x64x1xf32, #tpu.memory_space<vmem>>, vector<1x64x1xf32>
    %get3A_855 = vector.shape_cast %get3A_854 : vector<1x64x1xf32> to vector<64x1xf32>
    %max3A_856 = arith.constant 1.000000e+00 : f32
    %max3A_857 = vector.broadcast %max3A_856 : f32 to vector<64x1xf32>
    %max3A_858 = arith.maximumf %get3A_855, %max3A_857 : vector<64x1xf32>
    %div3A_859 = vector.broadcast %max3A_858 : vector<64x1xf32> to vector<64x64xf32>
    %div3A_860 = arith.divf %slice3A_850, %div3A_859 : vector<64x64xf32>
    %reduce_sum3A_861 = arith.constant dense<0.000000e+00> : vector<64xf32>
    %reduce_sum3A_862 = vector.multi_reduction <add>, %div3A_860, %reduce_sum3A_861 [1] : vector<64x64xf32> to vector<64xf32>
    %broadcast_in_dim3A_863 = vector.shape_cast %reduce_sum3A_862 : vector<64xf32> to vector<64x1xf32>
    %mul3A_864 = arith.mulf %div3A_860, %div3A_860 : vector<64x64xf32>
    %reduce_sum3A_865 = arith.constant dense<0.000000e+00> : vector<64xf32>
    %reduce_sum3A_866 = vector.multi_reduction <add>, %mul3A_864, %reduce_sum3A_865 [1] : vector<64x64xf32> to vector<64xf32>
    %broadcast_in_dim3A_867 = vector.shape_cast %reduce_sum3A_866 : vector<64xf32> to vector<64x1xf32>
    %mul3A_868 = arith.mulf %broadcast_in_dim3A_863, %broadcast_in_dim3A_863 : vector<64x1xf32>
    %div3A_869 = arith.constant 6.400000e+01 : f32
    %div3A_870 = vector.broadcast %div3A_869 : f32 to vector<64x1xf32>
    %div3A_871 = arith.divf %mul3A_868, %div3A_870 : vector<64x1xf32>
    %sub3A_872 = arith.subf %broadcast_in_dim3A_867, %div3A_871 : vector<64x1xf32>
    %sub3A_873 = arith.constant 6.400000e+01 : f32
    %sub3A_874 = arith.constant 1.000000e+00 : f32
    %sub3A_875 = arith.subf %sub3A_873, %sub3A_874 : f32
    %div3A_876 = vector.broadcast %sub3A_875 : f32 to vector<64x1xf32>
    %div3A_877 = arith.divf %sub3A_872, %div3A_876 : vector<64x1xf32>
    %iota3A_878 = tpu.iota {dimensions = array<i32: 0>} : vector<64x64xi32>
    %iota3A_879 = tpu.iota {dimensions = array<i32: 1>} : vector<64x64xi32>
    %eq3A_880 = arith.cmpi eq, %iota3A_878, %iota3A_879 : vector<64x64xi32>
    %jit3A_881 = arith.constant 0.000000e+00 : f32
    %broadcast_in_dim3A_882 = vector.shape_cast %div3A_877 : vector<64x1xf32> to vector<64x1xf32>
    %broadcast_in_dim3A_883 = vector.broadcast %broadcast_in_dim3A_882 : vector<64x1xf32> to vector<64x64xf32>
    %broadcast_in_dim3A_884 = vector.broadcast %jit3A_881 : f32 to vector<64x64xf32>
    %select_n3A_885 = arith.select %eq3A_880, %broadcast_in_dim3A_883, %broadcast_in_dim3A_884 : vector<64x64xi1>, vector<64x64xf32>
    %reduce_sum3A_886 = arith.constant dense<0.000000e+00> : vector<64xf32>
    %reduce_sum3A_887 = vector.multi_reduction <add>, %select_n3A_885, %reduce_sum3A_886 [0] : vector<64x64xf32> to vector<64xf32>
    %broadcast_in_dim3A_888 = vector.shape_cast %reduce_sum3A_887 : vector<64xf32> to vector<1x64xf32>
    %iota3A_889 = tpu.iota {dimensions = array<i32: 0>} : vector<64x64xi32>
    %iota3A_890 = tpu.iota {dimensions = array<i32: 1>} : vector<64x64xi32>
    %gt3A_891 = vector.broadcast %div3A_877 : vector<64x1xf32> to vector<64x64xf32>
    %gt3A_892 = vector.broadcast %broadcast_in_dim3A_888 : vector<1x64xf32> to vector<64x64xf32>
    %gt3A_893 = arith.cmpf ogt, %gt3A_891, %gt3A_892 : vector<64x64xf32>
    %eq3A_894 = vector.broadcast %div3A_877 : vector<64x1xf32> to vector<64x64xf32>
    %eq3A_895 = vector.broadcast %broadcast_in_dim3A_888 : vector<1x64xf32> to vector<64x64xf32>
    %eq3A_896 = arith.cmpf oeq, %eq3A_894, %eq3A_895 : vector<64x64xf32>
    %lt3A_897 = arith.cmpi slt, %iota3A_889, %iota3A_890 : vector<64x64xi32>
    %and3A_898 = arith.andi %eq3A_896, %lt3A_897 : vector<64x64xi1>
    %or3A_899 = arith.ori %gt3A_893, %and3A_898 : vector<64x64xi1>
    %convert_element_type3A_900 = arith.extui %or3A_899 : vector<64x64xi1> to vector<64x64xi32>
    %reduce_sum3A_901 = arith.constant dense<0> : vector<64xi32>
    %reduce_sum3A_902 = vector.multi_reduction <add>, %convert_element_type3A_900, %reduce_sum3A_901 [0] : vector<64x64xi32> to vector<64xi32>
    %broadcast_in_dim3A_903 = vector.shape_cast %reduce_sum3A_902 : vector<64xi32> to vector<1x64xi32>
    %jit3A_904 = arith.constant 8 : i32
    %div3A_905 = vector.broadcast %jit3A_904 : i32 to vector<1x64xi32>
    %div3A_906 = arith.divsi %broadcast_in_dim3A_903, %div3A_905 : vector<1x64xi32>
    %sign3A_907 = arith.constant 0 : i32
    %sign3A_908 = vector.broadcast %sign3A_907 : i32 to vector<1x64xi32>
    %sign3A_909 = arith.cmpi sgt, %broadcast_in_dim3A_903, %sign3A_908 : vector<1x64xi32>
    %sign3A_910 = arith.extui %sign3A_909 : vector<1x64xi1> to vector<1x64xi32>
    %sign3A_911 = arith.constant 0 : i32
    %sign3A_912 = vector.broadcast %sign3A_911 : i32 to vector<1x64xi32>
    %sign3A_913 = arith.cmpi slt, %broadcast_in_dim3A_903, %sign3A_912 : vector<1x64xi32>
    %sign3A_914 = arith.extui %sign3A_913 : vector<1x64xi1> to vector<1x64xi32>
    %sign3A_915 = arith.subi %sign3A_910, %sign3A_914 : vector<1x64xi32>
    %sign3A_916 = arith.constant 0 : i32
    %sign3A_917 = arith.cmpi sgt, %jit3A_904, %sign3A_916 : i32
    %sign3A_918 = arith.extui %sign3A_917 : i1 to i32
    %sign3A_919 = arith.constant 0 : i32
    %sign3A_920 = arith.cmpi slt, %jit3A_904, %sign3A_919 : i32
    %sign3A_921 = arith.extui %sign3A_920 : i1 to i32
    %sign3A_922 = arith.subi %sign3A_918, %sign3A_921 : i32
    %ne3A_923 = vector.broadcast %sign3A_922 : i32 to vector<1x64xi32>
    %ne3A_924 = arith.cmpi ne, %sign3A_915, %ne3A_923 : vector<1x64xi32>
    %rem3A_925 = vector.broadcast %jit3A_904 : i32 to vector<1x64xi32>
    %rem3A_926 = arith.remsi %broadcast_in_dim3A_903, %rem3A_925 : vector<1x64xi32>
    %ne3A_927 = arith.constant 0 : i32
    %ne3A_928 = vector.broadcast %ne3A_927 : i32 to vector<1x64xi32>
    %ne3A_929 = arith.cmpi ne, %rem3A_926, %ne3A_928 : vector<1x64xi32>
    %and3A_930 = arith.andi %ne3A_924, %ne3A_929 : vector<1x64xi1>
    %sub3A_931 = arith.constant 1 : i32
    %sub3A_932 = vector.broadcast %sub3A_931 : i32 to vector<1x64xi32>
    %sub3A_933 = arith.subi %div3A_906, %sub3A_932 : vector<1x64xi32>
    %select_n3A_934 = arith.select %and3A_930, %sub3A_933, %div3A_906 : vector<1x64xi1>, vector<1x64xi32>
    %iota3A_935 = tpu.iota {dimensions = array<i32: 0>} : vector<8x1xi32>
    %eq3A_936 = vector.broadcast %select_n3A_934 : vector<1x64xi32> to vector<8x64xi32>
    %eq3A_937 = vector.broadcast %iota3A_935 : vector<8x1xi32> to vector<8x64xi32>
    %eq3A_938 = arith.cmpi eq, %eq3A_936, %eq3A_937 : vector<8x64xi32>
    %convert_element_type3A_939 = arith.extui %eq3A_938 : vector<8x64xi1> to vector<8x64xi32>
    %convert_element_type3A_940 = arith.sitofp %convert_element_type3A_939 : vector<8x64xi32> to vector<8x64xf32>
    %dot_general3A_941 = arith.constant dense<0.000000e+00> : vector<8x64xf32>
    %dot_general3A_942 = tpu.matmul %convert_element_type3A_940, %div3A_860, %dot_general3A_941 {dimension_numbers = #tpu.dot_dimension_numbers<[1], [0], [0], [1], [0, 0, 1, 1], [], []>, transpose_lhs_hint = false} : vector<8x64xf32>, vector<64x64xf32>, vector<8x64xf32> -> vector<8x64xf32>
    %mul3A_943 = arith.constant 1.250000e-01 : f32
    %mul3A_944 = vector.broadcast %mul3A_943 : f32 to vector<8x64xf32>
    %mul3A_945 = arith.mulf %dot_general3A_942, %mul3A_944 : vector<8x64xf32>
    %slice3A_946 = vector.extract_strided_slice %add3A {offsets = [640, 0], sizes = [64, 64], strides = [1, 1]} : vector<1024x64xf32> to vector<64x64xf32>
    %get3A_947 = arith.constant 10 : index
    %get3A_948 = arith.constant 0 : index
    %get3A_949 = arith.constant 0 : index
    %get3A_950 = vector.load %arg1[%get3A_947, %get3A_948, %get3A_949] : memref<16x64x1xf32, #tpu.memory_space<vmem>>, vector<1x64x1xf32>
    %get3A_951 = vector.shape_cast %get3A_950 : vector<1x64x1xf32> to vector<64x1xf32>
    %max3A_952 = arith.constant 1.000000e+00 : f32
    %max3A_953 = vector.broadcast %max3A_952 : f32 to vector<64x1xf32>
    %max3A_954 = arith.maximumf %get3A_951, %max3A_953 : vector<64x1xf32>
    %div3A_955 = vector.broadcast %max3A_954 : vector<64x1xf32> to vector<64x64xf32>
    %div3A_956 = arith.divf %slice3A_946, %div3A_955 : vector<64x64xf32>
    %reduce_sum3A_957 = arith.constant dense<0.000000e+00> : vector<64xf32>
    %reduce_sum3A_958 = vector.multi_reduction <add>, %div3A_956, %reduce_sum3A_957 [1] : vector<64x64xf32> to vector<64xf32>
    %broadcast_in_dim3A_959 = vector.shape_cast %reduce_sum3A_958 : vector<64xf32> to vector<64x1xf32>
    %mul3A_960 = arith.mulf %div3A_956, %div3A_956 : vector<64x64xf32>
    %reduce_sum3A_961 = arith.constant dense<0.000000e+00> : vector<64xf32>
    %reduce_sum3A_962 = vector.multi_reduction <add>, %mul3A_960, %reduce_sum3A_961 [1] : vector<64x64xf32> to vector<64xf32>
    %broadcast_in_dim3A_963 = vector.shape_cast %reduce_sum3A_962 : vector<64xf32> to vector<64x1xf32>
    %mul3A_964 = arith.mulf %broadcast_in_dim3A_959, %broadcast_in_dim3A_959 : vector<64x1xf32>
    %div3A_965 = arith.constant 6.400000e+01 : f32
    %div3A_966 = vector.broadcast %div3A_965 : f32 to vector<64x1xf32>
    %div3A_967 = arith.divf %mul3A_964, %div3A_966 : vector<64x1xf32>
    %sub3A_968 = arith.subf %broadcast_in_dim3A_963, %div3A_967 : vector<64x1xf32>
    %sub3A_969 = arith.constant 6.400000e+01 : f32
    %sub3A_970 = arith.constant 1.000000e+00 : f32
    %sub3A_971 = arith.subf %sub3A_969, %sub3A_970 : f32
    %div3A_972 = vector.broadcast %sub3A_971 : f32 to vector<64x1xf32>
    %div3A_973 = arith.divf %sub3A_968, %div3A_972 : vector<64x1xf32>
    %iota3A_974 = tpu.iota {dimensions = array<i32: 0>} : vector<64x64xi32>
    %iota3A_975 = tpu.iota {dimensions = array<i32: 1>} : vector<64x64xi32>
    %eq3A_976 = arith.cmpi eq, %iota3A_974, %iota3A_975 : vector<64x64xi32>
    %jit3A_977 = arith.constant 0.000000e+00 : f32
    %broadcast_in_dim3A_978 = vector.shape_cast %div3A_973 : vector<64x1xf32> to vector<64x1xf32>
    %broadcast_in_dim3A_979 = vector.broadcast %broadcast_in_dim3A_978 : vector<64x1xf32> to vector<64x64xf32>
    %broadcast_in_dim3A_980 = vector.broadcast %jit3A_977 : f32 to vector<64x64xf32>
    %select_n3A_981 = arith.select %eq3A_976, %broadcast_in_dim3A_979, %broadcast_in_dim3A_980 : vector<64x64xi1>, vector<64x64xf32>
    %reduce_sum3A_982 = arith.constant dense<0.000000e+00> : vector<64xf32>
    %reduce_sum3A_983 = vector.multi_reduction <add>, %select_n3A_981, %reduce_sum3A_982 [0] : vector<64x64xf32> to vector<64xf32>
    %broadcast_in_dim3A_984 = vector.shape_cast %reduce_sum3A_983 : vector<64xf32> to vector<1x64xf32>
    %iota3A_985 = tpu.iota {dimensions = array<i32: 0>} : vector<64x64xi32>
    %iota3A_986 = tpu.iota {dimensions = array<i32: 1>} : vector<64x64xi32>
    %gt3A_987 = vector.broadcast %div3A_973 : vector<64x1xf32> to vector<64x64xf32>
    %gt3A_988 = vector.broadcast %broadcast_in_dim3A_984 : vector<1x64xf32> to vector<64x64xf32>
    %gt3A_989 = arith.cmpf ogt, %gt3A_987, %gt3A_988 : vector<64x64xf32>
    %eq3A_990 = vector.broadcast %div3A_973 : vector<64x1xf32> to vector<64x64xf32>
    %eq3A_991 = vector.broadcast %broadcast_in_dim3A_984 : vector<1x64xf32> to vector<64x64xf32>
    %eq3A_992 = arith.cmpf oeq, %eq3A_990, %eq3A_991 : vector<64x64xf32>
    %lt3A_993 = arith.cmpi slt, %iota3A_985, %iota3A_986 : vector<64x64xi32>
    %and3A_994 = arith.andi %eq3A_992, %lt3A_993 : vector<64x64xi1>
    %or3A_995 = arith.ori %gt3A_989, %and3A_994 : vector<64x64xi1>
    %convert_element_type3A_996 = arith.extui %or3A_995 : vector<64x64xi1> to vector<64x64xi32>
    %reduce_sum3A_997 = arith.constant dense<0> : vector<64xi32>
    %reduce_sum3A_998 = vector.multi_reduction <add>, %convert_element_type3A_996, %reduce_sum3A_997 [0] : vector<64x64xi32> to vector<64xi32>
    %broadcast_in_dim3A_999 = vector.shape_cast %reduce_sum3A_998 : vector<64xi32> to vector<1x64xi32>
    %jit3A_1000 = arith.constant 8 : i32
    %div3A_1001 = vector.broadcast %jit3A_1000 : i32 to vector<1x64xi32>
    %div3A_1002 = arith.divsi %broadcast_in_dim3A_999, %div3A_1001 : vector<1x64xi32>
    %sign3A_1003 = arith.constant 0 : i32
    %sign3A_1004 = vector.broadcast %sign3A_1003 : i32 to vector<1x64xi32>
    %sign3A_1005 = arith.cmpi sgt, %broadcast_in_dim3A_999, %sign3A_1004 : vector<1x64xi32>
    %sign3A_1006 = arith.extui %sign3A_1005 : vector<1x64xi1> to vector<1x64xi32>
    %sign3A_1007 = arith.constant 0 : i32
    %sign3A_1008 = vector.broadcast %sign3A_1007 : i32 to vector<1x64xi32>
    %sign3A_1009 = arith.cmpi slt, %broadcast_in_dim3A_999, %sign3A_1008 : vector<1x64xi32>
    %sign3A_1010 = arith.extui %sign3A_1009 : vector<1x64xi1> to vector<1x64xi32>
    %sign3A_1011 = arith.subi %sign3A_1006, %sign3A_1010 : vector<1x64xi32>
    %sign3A_1012 = arith.constant 0 : i32
    %sign3A_1013 = arith.cmpi sgt, %jit3A_1000, %sign3A_1012 : i32
    %sign3A_1014 = arith.extui %sign3A_1013 : i1 to i32
    %sign3A_1015 = arith.constant 0 : i32
    %sign3A_1016 = arith.cmpi slt, %jit3A_1000, %sign3A_1015 : i32
    %sign3A_1017 = arith.extui %sign3A_1016 : i1 to i32
    %sign3A_1018 = arith.subi %sign3A_1014, %sign3A_1017 : i32
    %ne3A_1019 = vector.broadcast %sign3A_1018 : i32 to vector<1x64xi32>
    %ne3A_1020 = arith.cmpi ne, %sign3A_1011, %ne3A_1019 : vector<1x64xi32>
    %rem3A_1021 = vector.broadcast %jit3A_1000 : i32 to vector<1x64xi32>
    %rem3A_1022 = arith.remsi %broadcast_in_dim3A_999, %rem3A_1021 : vector<1x64xi32>
    %ne3A_1023 = arith.constant 0 : i32
    %ne3A_1024 = vector.broadcast %ne3A_1023 : i32 to vector<1x64xi32>
    %ne3A_1025 = arith.cmpi ne, %rem3A_1022, %ne3A_1024 : vector<1x64xi32>
    %and3A_1026 = arith.andi %ne3A_1020, %ne3A_1025 : vector<1x64xi1>
    %sub3A_1027 = arith.constant 1 : i32
    %sub3A_1028 = vector.broadcast %sub3A_1027 : i32 to vector<1x64xi32>
    %sub3A_1029 = arith.subi %div3A_1002, %sub3A_1028 : vector<1x64xi32>
    %select_n3A_1030 = arith.select %and3A_1026, %sub3A_1029, %div3A_1002 : vector<1x64xi1>, vector<1x64xi32>
    %iota3A_1031 = tpu.iota {dimensions = array<i32: 0>} : vector<8x1xi32>
    %eq3A_1032 = vector.broadcast %select_n3A_1030 : vector<1x64xi32> to vector<8x64xi32>
    %eq3A_1033 = vector.broadcast %iota3A_1031 : vector<8x1xi32> to vector<8x64xi32>
    %eq3A_1034 = arith.cmpi eq, %eq3A_1032, %eq3A_1033 : vector<8x64xi32>
    %convert_element_type3A_1035 = arith.extui %eq3A_1034 : vector<8x64xi1> to vector<8x64xi32>
    %convert_element_type3A_1036 = arith.sitofp %convert_element_type3A_1035 : vector<8x64xi32> to vector<8x64xf32>
    %dot_general3A_1037 = arith.constant dense<0.000000e+00> : vector<8x64xf32>
    %dot_general3A_1038 = tpu.matmul %convert_element_type3A_1036, %div3A_956, %dot_general3A_1037 {dimension_numbers = #tpu.dot_dimension_numbers<[1], [0], [0], [1], [0, 0, 1, 1], [], []>, transpose_lhs_hint = false} : vector<8x64xf32>, vector<64x64xf32>, vector<8x64xf32> -> vector<8x64xf32>
    %mul3A_1039 = arith.constant 1.250000e-01 : f32
    %mul3A_1040 = vector.broadcast %mul3A_1039 : f32 to vector<8x64xf32>
    %mul3A_1041 = arith.mulf %dot_general3A_1038, %mul3A_1040 : vector<8x64xf32>
    %slice3A_1042 = vector.extract_strided_slice %add3A {offsets = [704, 0], sizes = [64, 64], strides = [1, 1]} : vector<1024x64xf32> to vector<64x64xf32>
    %get3A_1043 = arith.constant 11 : index
    %get3A_1044 = arith.constant 0 : index
    %get3A_1045 = arith.constant 0 : index
    %get3A_1046 = vector.load %arg1[%get3A_1043, %get3A_1044, %get3A_1045] : memref<16x64x1xf32, #tpu.memory_space<vmem>>, vector<1x64x1xf32>
    %get3A_1047 = vector.shape_cast %get3A_1046 : vector<1x64x1xf32> to vector<64x1xf32>
    %max3A_1048 = arith.constant 1.000000e+00 : f32
    %max3A_1049 = vector.broadcast %max3A_1048 : f32 to vector<64x1xf32>
    %max3A_1050 = arith.maximumf %get3A_1047, %max3A_1049 : vector<64x1xf32>
    %div3A_1051 = vector.broadcast %max3A_1050 : vector<64x1xf32> to vector<64x64xf32>
    %div3A_1052 = arith.divf %slice3A_1042, %div3A_1051 : vector<64x64xf32>
    %reduce_sum3A_1053 = arith.constant dense<0.000000e+00> : vector<64xf32>
    %reduce_sum3A_1054 = vector.multi_reduction <add>, %div3A_1052, %reduce_sum3A_1053 [1] : vector<64x64xf32> to vector<64xf32>
    %broadcast_in_dim3A_1055 = vector.shape_cast %reduce_sum3A_1054 : vector<64xf32> to vector<64x1xf32>
    %mul3A_1056 = arith.mulf %div3A_1052, %div3A_1052 : vector<64x64xf32>
    %reduce_sum3A_1057 = arith.constant dense<0.000000e+00> : vector<64xf32>
    %reduce_sum3A_1058 = vector.multi_reduction <add>, %mul3A_1056, %reduce_sum3A_1057 [1] : vector<64x64xf32> to vector<64xf32>
    %broadcast_in_dim3A_1059 = vector.shape_cast %reduce_sum3A_1058 : vector<64xf32> to vector<64x1xf32>
    %mul3A_1060 = arith.mulf %broadcast_in_dim3A_1055, %broadcast_in_dim3A_1055 : vector<64x1xf32>
    %div3A_1061 = arith.constant 6.400000e+01 : f32
    %div3A_1062 = vector.broadcast %div3A_1061 : f32 to vector<64x1xf32>
    %div3A_1063 = arith.divf %mul3A_1060, %div3A_1062 : vector<64x1xf32>
    %sub3A_1064 = arith.subf %broadcast_in_dim3A_1059, %div3A_1063 : vector<64x1xf32>
    %sub3A_1065 = arith.constant 6.400000e+01 : f32
    %sub3A_1066 = arith.constant 1.000000e+00 : f32
    %sub3A_1067 = arith.subf %sub3A_1065, %sub3A_1066 : f32
    %div3A_1068 = vector.broadcast %sub3A_1067 : f32 to vector<64x1xf32>
    %div3A_1069 = arith.divf %sub3A_1064, %div3A_1068 : vector<64x1xf32>
    %iota3A_1070 = tpu.iota {dimensions = array<i32: 0>} : vector<64x64xi32>
    %iota3A_1071 = tpu.iota {dimensions = array<i32: 1>} : vector<64x64xi32>
    %eq3A_1072 = arith.cmpi eq, %iota3A_1070, %iota3A_1071 : vector<64x64xi32>
    %jit3A_1073 = arith.constant 0.000000e+00 : f32
    %broadcast_in_dim3A_1074 = vector.shape_cast %div3A_1069 : vector<64x1xf32> to vector<64x1xf32>
    %broadcast_in_dim3A_1075 = vector.broadcast %broadcast_in_dim3A_1074 : vector<64x1xf32> to vector<64x64xf32>
    %broadcast_in_dim3A_1076 = vector.broadcast %jit3A_1073 : f32 to vector<64x64xf32>
    %select_n3A_1077 = arith.select %eq3A_1072, %broadcast_in_dim3A_1075, %broadcast_in_dim3A_1076 : vector<64x64xi1>, vector<64x64xf32>
    %reduce_sum3A_1078 = arith.constant dense<0.000000e+00> : vector<64xf32>
    %reduce_sum3A_1079 = vector.multi_reduction <add>, %select_n3A_1077, %reduce_sum3A_1078 [0] : vector<64x64xf32> to vector<64xf32>
    %broadcast_in_dim3A_1080 = vector.shape_cast %reduce_sum3A_1079 : vector<64xf32> to vector<1x64xf32>
    %iota3A_1081 = tpu.iota {dimensions = array<i32: 0>} : vector<64x64xi32>
    %iota3A_1082 = tpu.iota {dimensions = array<i32: 1>} : vector<64x64xi32>
    %gt3A_1083 = vector.broadcast %div3A_1069 : vector<64x1xf32> to vector<64x64xf32>
    %gt3A_1084 = vector.broadcast %broadcast_in_dim3A_1080 : vector<1x64xf32> to vector<64x64xf32>
    %gt3A_1085 = arith.cmpf ogt, %gt3A_1083, %gt3A_1084 : vector<64x64xf32>
    %eq3A_1086 = vector.broadcast %div3A_1069 : vector<64x1xf32> to vector<64x64xf32>
    %eq3A_1087 = vector.broadcast %broadcast_in_dim3A_1080 : vector<1x64xf32> to vector<64x64xf32>
    %eq3A_1088 = arith.cmpf oeq, %eq3A_1086, %eq3A_1087 : vector<64x64xf32>
    %lt3A_1089 = arith.cmpi slt, %iota3A_1081, %iota3A_1082 : vector<64x64xi32>
    %and3A_1090 = arith.andi %eq3A_1088, %lt3A_1089 : vector<64x64xi1>
    %or3A_1091 = arith.ori %gt3A_1085, %and3A_1090 : vector<64x64xi1>
    %convert_element_type3A_1092 = arith.extui %or3A_1091 : vector<64x64xi1> to vector<64x64xi32>
    %reduce_sum3A_1093 = arith.constant dense<0> : vector<64xi32>
    %reduce_sum3A_1094 = vector.multi_reduction <add>, %convert_element_type3A_1092, %reduce_sum3A_1093 [0] : vector<64x64xi32> to vector<64xi32>
    %broadcast_in_dim3A_1095 = vector.shape_cast %reduce_sum3A_1094 : vector<64xi32> to vector<1x64xi32>
    %jit3A_1096 = arith.constant 8 : i32
    %div3A_1097 = vector.broadcast %jit3A_1096 : i32 to vector<1x64xi32>
    %div3A_1098 = arith.divsi %broadcast_in_dim3A_1095, %div3A_1097 : vector<1x64xi32>
    %sign3A_1099 = arith.constant 0 : i32
    %sign3A_1100 = vector.broadcast %sign3A_1099 : i32 to vector<1x64xi32>
    %sign3A_1101 = arith.cmpi sgt, %broadcast_in_dim3A_1095, %sign3A_1100 : vector<1x64xi32>
    %sign3A_1102 = arith.extui %sign3A_1101 : vector<1x64xi1> to vector<1x64xi32>
    %sign3A_1103 = arith.constant 0 : i32
    %sign3A_1104 = vector.broadcast %sign3A_1103 : i32 to vector<1x64xi32>
    %sign3A_1105 = arith.cmpi slt, %broadcast_in_dim3A_1095, %sign3A_1104 : vector<1x64xi32>
    %sign3A_1106 = arith.extui %sign3A_1105 : vector<1x64xi1> to vector<1x64xi32>
    %sign3A_1107 = arith.subi %sign3A_1102, %sign3A_1106 : vector<1x64xi32>
    %sign3A_1108 = arith.constant 0 : i32
    %sign3A_1109 = arith.cmpi sgt, %jit3A_1096, %sign3A_1108 : i32
    %sign3A_1110 = arith.extui %sign3A_1109 : i1 to i32
    %sign3A_1111 = arith.constant 0 : i32
    %sign3A_1112 = arith.cmpi slt, %jit3A_1096, %sign3A_1111 : i32
    %sign3A_1113 = arith.extui %sign3A_1112 : i1 to i32
    %sign3A_1114 = arith.subi %sign3A_1110, %sign3A_1113 : i32
    %ne3A_1115 = vector.broadcast %sign3A_1114 : i32 to vector<1x64xi32>
    %ne3A_1116 = arith.cmpi ne, %sign3A_1107, %ne3A_1115 : vector<1x64xi32>
    %rem3A_1117 = vector.broadcast %jit3A_1096 : i32 to vector<1x64xi32>
    %rem3A_1118 = arith.remsi %broadcast_in_dim3A_1095, %rem3A_1117 : vector<1x64xi32>
    %ne3A_1119 = arith.constant 0 : i32
    %ne3A_1120 = vector.broadcast %ne3A_1119 : i32 to vector<1x64xi32>
    %ne3A_1121 = arith.cmpi ne, %rem3A_1118, %ne3A_1120 : vector<1x64xi32>
    %and3A_1122 = arith.andi %ne3A_1116, %ne3A_1121 : vector<1x64xi1>
    %sub3A_1123 = arith.constant 1 : i32
    %sub3A_1124 = vector.broadcast %sub3A_1123 : i32 to vector<1x64xi32>
    %sub3A_1125 = arith.subi %div3A_1098, %sub3A_1124 : vector<1x64xi32>
    %select_n3A_1126 = arith.select %and3A_1122, %sub3A_1125, %div3A_1098 : vector<1x64xi1>, vector<1x64xi32>
    %iota3A_1127 = tpu.iota {dimensions = array<i32: 0>} : vector<8x1xi32>
    %eq3A_1128 = vector.broadcast %select_n3A_1126 : vector<1x64xi32> to vector<8x64xi32>
    %eq3A_1129 = vector.broadcast %iota3A_1127 : vector<8x1xi32> to vector<8x64xi32>
    %eq3A_1130 = arith.cmpi eq, %eq3A_1128, %eq3A_1129 : vector<8x64xi32>
    %convert_element_type3A_1131 = arith.extui %eq3A_1130 : vector<8x64xi1> to vector<8x64xi32>
    %convert_element_type3A_1132 = arith.sitofp %convert_element_type3A_1131 : vector<8x64xi32> to vector<8x64xf32>
    %dot_general3A_1133 = arith.constant dense<0.000000e+00> : vector<8x64xf32>
    %dot_general3A_1134 = tpu.matmul %convert_element_type3A_1132, %div3A_1052, %dot_general3A_1133 {dimension_numbers = #tpu.dot_dimension_numbers<[1], [0], [0], [1], [0, 0, 1, 1], [], []>, transpose_lhs_hint = false} : vector<8x64xf32>, vector<64x64xf32>, vector<8x64xf32> -> vector<8x64xf32>
    %mul3A_1135 = arith.constant 1.250000e-01 : f32
    %mul3A_1136 = vector.broadcast %mul3A_1135 : f32 to vector<8x64xf32>
    %mul3A_1137 = arith.mulf %dot_general3A_1134, %mul3A_1136 : vector<8x64xf32>
    %slice3A_1138 = vector.extract_strided_slice %add3A {offsets = [768, 0], sizes = [64, 64], strides = [1, 1]} : vector<1024x64xf32> to vector<64x64xf32>
    %get3A_1139 = arith.constant 12 : index
    %get3A_1140 = arith.constant 0 : index
    %get3A_1141 = arith.constant 0 : index
    %get3A_1142 = vector.load %arg1[%get3A_1139, %get3A_1140, %get3A_1141] : memref<16x64x1xf32, #tpu.memory_space<vmem>>, vector<1x64x1xf32>
    %get3A_1143 = vector.shape_cast %get3A_1142 : vector<1x64x1xf32> to vector<64x1xf32>
    %max3A_1144 = arith.constant 1.000000e+00 : f32
    %max3A_1145 = vector.broadcast %max3A_1144 : f32 to vector<64x1xf32>
    %max3A_1146 = arith.maximumf %get3A_1143, %max3A_1145 : vector<64x1xf32>
    %div3A_1147 = vector.broadcast %max3A_1146 : vector<64x1xf32> to vector<64x64xf32>
    %div3A_1148 = arith.divf %slice3A_1138, %div3A_1147 : vector<64x64xf32>
    %reduce_sum3A_1149 = arith.constant dense<0.000000e+00> : vector<64xf32>
    %reduce_sum3A_1150 = vector.multi_reduction <add>, %div3A_1148, %reduce_sum3A_1149 [1] : vector<64x64xf32> to vector<64xf32>
    %broadcast_in_dim3A_1151 = vector.shape_cast %reduce_sum3A_1150 : vector<64xf32> to vector<64x1xf32>
    %mul3A_1152 = arith.mulf %div3A_1148, %div3A_1148 : vector<64x64xf32>
    %reduce_sum3A_1153 = arith.constant dense<0.000000e+00> : vector<64xf32>
    %reduce_sum3A_1154 = vector.multi_reduction <add>, %mul3A_1152, %reduce_sum3A_1153 [1] : vector<64x64xf32> to vector<64xf32>
    %broadcast_in_dim3A_1155 = vector.shape_cast %reduce_sum3A_1154 : vector<64xf32> to vector<64x1xf32>
    %mul3A_1156 = arith.mulf %broadcast_in_dim3A_1151, %broadcast_in_dim3A_1151 : vector<64x1xf32>
    %div3A_1157 = arith.constant 6.400000e+01 : f32
    %div3A_1158 = vector.broadcast %div3A_1157 : f32 to vector<64x1xf32>
    %div3A_1159 = arith.divf %mul3A_1156, %div3A_1158 : vector<64x1xf32>
    %sub3A_1160 = arith.subf %broadcast_in_dim3A_1155, %div3A_1159 : vector<64x1xf32>
    %sub3A_1161 = arith.constant 6.400000e+01 : f32
    %sub3A_1162 = arith.constant 1.000000e+00 : f32
    %sub3A_1163 = arith.subf %sub3A_1161, %sub3A_1162 : f32
    %div3A_1164 = vector.broadcast %sub3A_1163 : f32 to vector<64x1xf32>
    %div3A_1165 = arith.divf %sub3A_1160, %div3A_1164 : vector<64x1xf32>
    %iota3A_1166 = tpu.iota {dimensions = array<i32: 0>} : vector<64x64xi32>
    %iota3A_1167 = tpu.iota {dimensions = array<i32: 1>} : vector<64x64xi32>
    %eq3A_1168 = arith.cmpi eq, %iota3A_1166, %iota3A_1167 : vector<64x64xi32>
    %jit3A_1169 = arith.constant 0.000000e+00 : f32
    %broadcast_in_dim3A_1170 = vector.shape_cast %div3A_1165 : vector<64x1xf32> to vector<64x1xf32>
    %broadcast_in_dim3A_1171 = vector.broadcast %broadcast_in_dim3A_1170 : vector<64x1xf32> to vector<64x64xf32>
    %broadcast_in_dim3A_1172 = vector.broadcast %jit3A_1169 : f32 to vector<64x64xf32>
    %select_n3A_1173 = arith.select %eq3A_1168, %broadcast_in_dim3A_1171, %broadcast_in_dim3A_1172 : vector<64x64xi1>, vector<64x64xf32>
    %reduce_sum3A_1174 = arith.constant dense<0.000000e+00> : vector<64xf32>
    %reduce_sum3A_1175 = vector.multi_reduction <add>, %select_n3A_1173, %reduce_sum3A_1174 [0] : vector<64x64xf32> to vector<64xf32>
    %broadcast_in_dim3A_1176 = vector.shape_cast %reduce_sum3A_1175 : vector<64xf32> to vector<1x64xf32>
    %iota3A_1177 = tpu.iota {dimensions = array<i32: 0>} : vector<64x64xi32>
    %iota3A_1178 = tpu.iota {dimensions = array<i32: 1>} : vector<64x64xi32>
    %gt3A_1179 = vector.broadcast %div3A_1165 : vector<64x1xf32> to vector<64x64xf32>
    %gt3A_1180 = vector.broadcast %broadcast_in_dim3A_1176 : vector<1x64xf32> to vector<64x64xf32>
    %gt3A_1181 = arith.cmpf ogt, %gt3A_1179, %gt3A_1180 : vector<64x64xf32>
    %eq3A_1182 = vector.broadcast %div3A_1165 : vector<64x1xf32> to vector<64x64xf32>
    %eq3A_1183 = vector.broadcast %broadcast_in_dim3A_1176 : vector<1x64xf32> to vector<64x64xf32>
    %eq3A_1184 = arith.cmpf oeq, %eq3A_1182, %eq3A_1183 : vector<64x64xf32>
    %lt3A_1185 = arith.cmpi slt, %iota3A_1177, %iota3A_1178 : vector<64x64xi32>
    %and3A_1186 = arith.andi %eq3A_1184, %lt3A_1185 : vector<64x64xi1>
    %or3A_1187 = arith.ori %gt3A_1181, %and3A_1186 : vector<64x64xi1>
    %convert_element_type3A_1188 = arith.extui %or3A_1187 : vector<64x64xi1> to vector<64x64xi32>
    %reduce_sum3A_1189 = arith.constant dense<0> : vector<64xi32>
    %reduce_sum3A_1190 = vector.multi_reduction <add>, %convert_element_type3A_1188, %reduce_sum3A_1189 [0] : vector<64x64xi32> to vector<64xi32>
    %broadcast_in_dim3A_1191 = vector.shape_cast %reduce_sum3A_1190 : vector<64xi32> to vector<1x64xi32>
    %jit3A_1192 = arith.constant 8 : i32
    %div3A_1193 = vector.broadcast %jit3A_1192 : i32 to vector<1x64xi32>
    %div3A_1194 = arith.divsi %broadcast_in_dim3A_1191, %div3A_1193 : vector<1x64xi32>
    %sign3A_1195 = arith.constant 0 : i32
    %sign3A_1196 = vector.broadcast %sign3A_1195 : i32 to vector<1x64xi32>
    %sign3A_1197 = arith.cmpi sgt, %broadcast_in_dim3A_1191, %sign3A_1196 : vector<1x64xi32>
    %sign3A_1198 = arith.extui %sign3A_1197 : vector<1x64xi1> to vector<1x64xi32>
    %sign3A_1199 = arith.constant 0 : i32
    %sign3A_1200 = vector.broadcast %sign3A_1199 : i32 to vector<1x64xi32>
    %sign3A_1201 = arith.cmpi slt, %broadcast_in_dim3A_1191, %sign3A_1200 : vector<1x64xi32>
    %sign3A_1202 = arith.extui %sign3A_1201 : vector<1x64xi1> to vector<1x64xi32>
    %sign3A_1203 = arith.subi %sign3A_1198, %sign3A_1202 : vector<1x64xi32>
    %sign3A_1204 = arith.constant 0 : i32
    %sign3A_1205 = arith.cmpi sgt, %jit3A_1192, %sign3A_1204 : i32
    %sign3A_1206 = arith.extui %sign3A_1205 : i1 to i32
    %sign3A_1207 = arith.constant 0 : i32
    %sign3A_1208 = arith.cmpi slt, %jit3A_1192, %sign3A_1207 : i32
    %sign3A_1209 = arith.extui %sign3A_1208 : i1 to i32
    %sign3A_1210 = arith.subi %sign3A_1206, %sign3A_1209 : i32
    %ne3A_1211 = vector.broadcast %sign3A_1210 : i32 to vector<1x64xi32>
    %ne3A_1212 = arith.cmpi ne, %sign3A_1203, %ne3A_1211 : vector<1x64xi32>
    %rem3A_1213 = vector.broadcast %jit3A_1192 : i32 to vector<1x64xi32>
    %rem3A_1214 = arith.remsi %broadcast_in_dim3A_1191, %rem3A_1213 : vector<1x64xi32>
    %ne3A_1215 = arith.constant 0 : i32
    %ne3A_1216 = vector.broadcast %ne3A_1215 : i32 to vector<1x64xi32>
    %ne3A_1217 = arith.cmpi ne, %rem3A_1214, %ne3A_1216 : vector<1x64xi32>
    %and3A_1218 = arith.andi %ne3A_1212, %ne3A_1217 : vector<1x64xi1>
    %sub3A_1219 = arith.constant 1 : i32
    %sub3A_1220 = vector.broadcast %sub3A_1219 : i32 to vector<1x64xi32>
    %sub3A_1221 = arith.subi %div3A_1194, %sub3A_1220 : vector<1x64xi32>
    %select_n3A_1222 = arith.select %and3A_1218, %sub3A_1221, %div3A_1194 : vector<1x64xi1>, vector<1x64xi32>
    %iota3A_1223 = tpu.iota {dimensions = array<i32: 0>} : vector<8x1xi32>
    %eq3A_1224 = vector.broadcast %select_n3A_1222 : vector<1x64xi32> to vector<8x64xi32>
    %eq3A_1225 = vector.broadcast %iota3A_1223 : vector<8x1xi32> to vector<8x64xi32>
    %eq3A_1226 = arith.cmpi eq, %eq3A_1224, %eq3A_1225 : vector<8x64xi32>
    %convert_element_type3A_1227 = arith.extui %eq3A_1226 : vector<8x64xi1> to vector<8x64xi32>
    %convert_element_type3A_1228 = arith.sitofp %convert_element_type3A_1227 : vector<8x64xi32> to vector<8x64xf32>
    %dot_general3A_1229 = arith.constant dense<0.000000e+00> : vector<8x64xf32>
    %dot_general3A_1230 = tpu.matmul %convert_element_type3A_1228, %div3A_1148, %dot_general3A_1229 {dimension_numbers = #tpu.dot_dimension_numbers<[1], [0], [0], [1], [0, 0, 1, 1], [], []>, transpose_lhs_hint = false} : vector<8x64xf32>, vector<64x64xf32>, vector<8x64xf32> -> vector<8x64xf32>
    %mul3A_1231 = arith.constant 1.250000e-01 : f32
    %mul3A_1232 = vector.broadcast %mul3A_1231 : f32 to vector<8x64xf32>
    %mul3A_1233 = arith.mulf %dot_general3A_1230, %mul3A_1232 : vector<8x64xf32>
    %slice3A_1234 = vector.extract_strided_slice %add3A {offsets = [832, 0], sizes = [64, 64], strides = [1, 1]} : vector<1024x64xf32> to vector<64x64xf32>
    %get3A_1235 = arith.constant 13 : index
    %get3A_1236 = arith.constant 0 : index
    %get3A_1237 = arith.constant 0 : index
    %get3A_1238 = vector.load %arg1[%get3A_1235, %get3A_1236, %get3A_1237] : memref<16x64x1xf32, #tpu.memory_space<vmem>>, vector<1x64x1xf32>
    %get3A_1239 = vector.shape_cast %get3A_1238 : vector<1x64x1xf32> to vector<64x1xf32>
    %max3A_1240 = arith.constant 1.000000e+00 : f32
    %max3A_1241 = vector.broadcast %max3A_1240 : f32 to vector<64x1xf32>
    %max3A_1242 = arith.maximumf %get3A_1239, %max3A_1241 : vector<64x1xf32>
    %div3A_1243 = vector.broadcast %max3A_1242 : vector<64x1xf32> to vector<64x64xf32>
    %div3A_1244 = arith.divf %slice3A_1234, %div3A_1243 : vector<64x64xf32>
    %reduce_sum3A_1245 = arith.constant dense<0.000000e+00> : vector<64xf32>
    %reduce_sum3A_1246 = vector.multi_reduction <add>, %div3A_1244, %reduce_sum3A_1245 [1] : vector<64x64xf32> to vector<64xf32>
    %broadcast_in_dim3A_1247 = vector.shape_cast %reduce_sum3A_1246 : vector<64xf32> to vector<64x1xf32>
    %mul3A_1248 = arith.mulf %div3A_1244, %div3A_1244 : vector<64x64xf32>
    %reduce_sum3A_1249 = arith.constant dense<0.000000e+00> : vector<64xf32>
    %reduce_sum3A_1250 = vector.multi_reduction <add>, %mul3A_1248, %reduce_sum3A_1249 [1] : vector<64x64xf32> to vector<64xf32>
    %broadcast_in_dim3A_1251 = vector.shape_cast %reduce_sum3A_1250 : vector<64xf32> to vector<64x1xf32>
    %mul3A_1252 = arith.mulf %broadcast_in_dim3A_1247, %broadcast_in_dim3A_1247 : vector<64x1xf32>
    %div3A_1253 = arith.constant 6.400000e+01 : f32
    %div3A_1254 = vector.broadcast %div3A_1253 : f32 to vector<64x1xf32>
    %div3A_1255 = arith.divf %mul3A_1252, %div3A_1254 : vector<64x1xf32>
    %sub3A_1256 = arith.subf %broadcast_in_dim3A_1251, %div3A_1255 : vector<64x1xf32>
    %sub3A_1257 = arith.constant 6.400000e+01 : f32
    %sub3A_1258 = arith.constant 1.000000e+00 : f32
    %sub3A_1259 = arith.subf %sub3A_1257, %sub3A_1258 : f32
    %div3A_1260 = vector.broadcast %sub3A_1259 : f32 to vector<64x1xf32>
    %div3A_1261 = arith.divf %sub3A_1256, %div3A_1260 : vector<64x1xf32>
    %iota3A_1262 = tpu.iota {dimensions = array<i32: 0>} : vector<64x64xi32>
    %iota3A_1263 = tpu.iota {dimensions = array<i32: 1>} : vector<64x64xi32>
    %eq3A_1264 = arith.cmpi eq, %iota3A_1262, %iota3A_1263 : vector<64x64xi32>
    %jit3A_1265 = arith.constant 0.000000e+00 : f32
    %broadcast_in_dim3A_1266 = vector.shape_cast %div3A_1261 : vector<64x1xf32> to vector<64x1xf32>
    %broadcast_in_dim3A_1267 = vector.broadcast %broadcast_in_dim3A_1266 : vector<64x1xf32> to vector<64x64xf32>
    %broadcast_in_dim3A_1268 = vector.broadcast %jit3A_1265 : f32 to vector<64x64xf32>
    %select_n3A_1269 = arith.select %eq3A_1264, %broadcast_in_dim3A_1267, %broadcast_in_dim3A_1268 : vector<64x64xi1>, vector<64x64xf32>
    %reduce_sum3A_1270 = arith.constant dense<0.000000e+00> : vector<64xf32>
    %reduce_sum3A_1271 = vector.multi_reduction <add>, %select_n3A_1269, %reduce_sum3A_1270 [0] : vector<64x64xf32> to vector<64xf32>
    %broadcast_in_dim3A_1272 = vector.shape_cast %reduce_sum3A_1271 : vector<64xf32> to vector<1x64xf32>
    %iota3A_1273 = tpu.iota {dimensions = array<i32: 0>} : vector<64x64xi32>
    %iota3A_1274 = tpu.iota {dimensions = array<i32: 1>} : vector<64x64xi32>
    %gt3A_1275 = vector.broadcast %div3A_1261 : vector<64x1xf32> to vector<64x64xf32>
    %gt3A_1276 = vector.broadcast %broadcast_in_dim3A_1272 : vector<1x64xf32> to vector<64x64xf32>
    %gt3A_1277 = arith.cmpf ogt, %gt3A_1275, %gt3A_1276 : vector<64x64xf32>
    %eq3A_1278 = vector.broadcast %div3A_1261 : vector<64x1xf32> to vector<64x64xf32>
    %eq3A_1279 = vector.broadcast %broadcast_in_dim3A_1272 : vector<1x64xf32> to vector<64x64xf32>
    %eq3A_1280 = arith.cmpf oeq, %eq3A_1278, %eq3A_1279 : vector<64x64xf32>
    %lt3A_1281 = arith.cmpi slt, %iota3A_1273, %iota3A_1274 : vector<64x64xi32>
    %and3A_1282 = arith.andi %eq3A_1280, %lt3A_1281 : vector<64x64xi1>
    %or3A_1283 = arith.ori %gt3A_1277, %and3A_1282 : vector<64x64xi1>
    %convert_element_type3A_1284 = arith.extui %or3A_1283 : vector<64x64xi1> to vector<64x64xi32>
    %reduce_sum3A_1285 = arith.constant dense<0> : vector<64xi32>
    %reduce_sum3A_1286 = vector.multi_reduction <add>, %convert_element_type3A_1284, %reduce_sum3A_1285 [0] : vector<64x64xi32> to vector<64xi32>
    %broadcast_in_dim3A_1287 = vector.shape_cast %reduce_sum3A_1286 : vector<64xi32> to vector<1x64xi32>
    %jit3A_1288 = arith.constant 8 : i32
    %div3A_1289 = vector.broadcast %jit3A_1288 : i32 to vector<1x64xi32>
    %div3A_1290 = arith.divsi %broadcast_in_dim3A_1287, %div3A_1289 : vector<1x64xi32>
    %sign3A_1291 = arith.constant 0 : i32
    %sign3A_1292 = vector.broadcast %sign3A_1291 : i32 to vector<1x64xi32>
    %sign3A_1293 = arith.cmpi sgt, %broadcast_in_dim3A_1287, %sign3A_1292 : vector<1x64xi32>
    %sign3A_1294 = arith.extui %sign3A_1293 : vector<1x64xi1> to vector<1x64xi32>
    %sign3A_1295 = arith.constant 0 : i32
    %sign3A_1296 = vector.broadcast %sign3A_1295 : i32 to vector<1x64xi32>
    %sign3A_1297 = arith.cmpi slt, %broadcast_in_dim3A_1287, %sign3A_1296 : vector<1x64xi32>
    %sign3A_1298 = arith.extui %sign3A_1297 : vector<1x64xi1> to vector<1x64xi32>
    %sign3A_1299 = arith.subi %sign3A_1294, %sign3A_1298 : vector<1x64xi32>
    %sign3A_1300 = arith.constant 0 : i32
    %sign3A_1301 = arith.cmpi sgt, %jit3A_1288, %sign3A_1300 : i32
    %sign3A_1302 = arith.extui %sign3A_1301 : i1 to i32
    %sign3A_1303 = arith.constant 0 : i32
    %sign3A_1304 = arith.cmpi slt, %jit3A_1288, %sign3A_1303 : i32
    %sign3A_1305 = arith.extui %sign3A_1304 : i1 to i32
    %sign3A_1306 = arith.subi %sign3A_1302, %sign3A_1305 : i32
    %ne3A_1307 = vector.broadcast %sign3A_1306 : i32 to vector<1x64xi32>
    %ne3A_1308 = arith.cmpi ne, %sign3A_1299, %ne3A_1307 : vector<1x64xi32>
    %rem3A_1309 = vector.broadcast %jit3A_1288 : i32 to vector<1x64xi32>
    %rem3A_1310 = arith.remsi %broadcast_in_dim3A_1287, %rem3A_1309 : vector<1x64xi32>
    %ne3A_1311 = arith.constant 0 : i32
    %ne3A_1312 = vector.broadcast %ne3A_1311 : i32 to vector<1x64xi32>
    %ne3A_1313 = arith.cmpi ne, %rem3A_1310, %ne3A_1312 : vector<1x64xi32>
    %and3A_1314 = arith.andi %ne3A_1308, %ne3A_1313 : vector<1x64xi1>
    %sub3A_1315 = arith.constant 1 : i32
    %sub3A_1316 = vector.broadcast %sub3A_1315 : i32 to vector<1x64xi32>
    %sub3A_1317 = arith.subi %div3A_1290, %sub3A_1316 : vector<1x64xi32>
    %select_n3A_1318 = arith.select %and3A_1314, %sub3A_1317, %div3A_1290 : vector<1x64xi1>, vector<1x64xi32>
    %iota3A_1319 = tpu.iota {dimensions = array<i32: 0>} : vector<8x1xi32>
    %eq3A_1320 = vector.broadcast %select_n3A_1318 : vector<1x64xi32> to vector<8x64xi32>
    %eq3A_1321 = vector.broadcast %iota3A_1319 : vector<8x1xi32> to vector<8x64xi32>
    %eq3A_1322 = arith.cmpi eq, %eq3A_1320, %eq3A_1321 : vector<8x64xi32>
    %convert_element_type3A_1323 = arith.extui %eq3A_1322 : vector<8x64xi1> to vector<8x64xi32>
    %convert_element_type3A_1324 = arith.sitofp %convert_element_type3A_1323 : vector<8x64xi32> to vector<8x64xf32>
    %dot_general3A_1325 = arith.constant dense<0.000000e+00> : vector<8x64xf32>
    %dot_general3A_1326 = tpu.matmul %convert_element_type3A_1324, %div3A_1244, %dot_general3A_1325 {dimension_numbers = #tpu.dot_dimension_numbers<[1], [0], [0], [1], [0, 0, 1, 1], [], []>, transpose_lhs_hint = false} : vector<8x64xf32>, vector<64x64xf32>, vector<8x64xf32> -> vector<8x64xf32>
    %mul3A_1327 = arith.constant 1.250000e-01 : f32
    %mul3A_1328 = vector.broadcast %mul3A_1327 : f32 to vector<8x64xf32>
    %mul3A_1329 = arith.mulf %dot_general3A_1326, %mul3A_1328 : vector<8x64xf32>
    %slice3A_1330 = vector.extract_strided_slice %add3A {offsets = [896, 0], sizes = [64, 64], strides = [1, 1]} : vector<1024x64xf32> to vector<64x64xf32>
    %get3A_1331 = arith.constant 14 : index
    %get3A_1332 = arith.constant 0 : index
    %get3A_1333 = arith.constant 0 : index
    %get3A_1334 = vector.load %arg1[%get3A_1331, %get3A_1332, %get3A_1333] : memref<16x64x1xf32, #tpu.memory_space<vmem>>, vector<1x64x1xf32>
    %get3A_1335 = vector.shape_cast %get3A_1334 : vector<1x64x1xf32> to vector<64x1xf32>
    %max3A_1336 = arith.constant 1.000000e+00 : f32
    %max3A_1337 = vector.broadcast %max3A_1336 : f32 to vector<64x1xf32>
    %max3A_1338 = arith.maximumf %get3A_1335, %max3A_1337 : vector<64x1xf32>
    %div3A_1339 = vector.broadcast %max3A_1338 : vector<64x1xf32> to vector<64x64xf32>
    %div3A_1340 = arith.divf %slice3A_1330, %div3A_1339 : vector<64x64xf32>
    %reduce_sum3A_1341 = arith.constant dense<0.000000e+00> : vector<64xf32>
    %reduce_sum3A_1342 = vector.multi_reduction <add>, %div3A_1340, %reduce_sum3A_1341 [1] : vector<64x64xf32> to vector<64xf32>
    %broadcast_in_dim3A_1343 = vector.shape_cast %reduce_sum3A_1342 : vector<64xf32> to vector<64x1xf32>
    %mul3A_1344 = arith.mulf %div3A_1340, %div3A_1340 : vector<64x64xf32>
    %reduce_sum3A_1345 = arith.constant dense<0.000000e+00> : vector<64xf32>
    %reduce_sum3A_1346 = vector.multi_reduction <add>, %mul3A_1344, %reduce_sum3A_1345 [1] : vector<64x64xf32> to vector<64xf32>
    %broadcast_in_dim3A_1347 = vector.shape_cast %reduce_sum3A_1346 : vector<64xf32> to vector<64x1xf32>
    %mul3A_1348 = arith.mulf %broadcast_in_dim3A_1343, %broadcast_in_dim3A_1343 : vector<64x1xf32>
    %div3A_1349 = arith.constant 6.400000e+01 : f32
    %div3A_1350 = vector.broadcast %div3A_1349 : f32 to vector<64x1xf32>
    %div3A_1351 = arith.divf %mul3A_1348, %div3A_1350 : vector<64x1xf32>
    %sub3A_1352 = arith.subf %broadcast_in_dim3A_1347, %div3A_1351 : vector<64x1xf32>
    %sub3A_1353 = arith.constant 6.400000e+01 : f32
    %sub3A_1354 = arith.constant 1.000000e+00 : f32
    %sub3A_1355 = arith.subf %sub3A_1353, %sub3A_1354 : f32
    %div3A_1356 = vector.broadcast %sub3A_1355 : f32 to vector<64x1xf32>
    %div3A_1357 = arith.divf %sub3A_1352, %div3A_1356 : vector<64x1xf32>
    %iota3A_1358 = tpu.iota {dimensions = array<i32: 0>} : vector<64x64xi32>
    %iota3A_1359 = tpu.iota {dimensions = array<i32: 1>} : vector<64x64xi32>
    %eq3A_1360 = arith.cmpi eq, %iota3A_1358, %iota3A_1359 : vector<64x64xi32>
    %jit3A_1361 = arith.constant 0.000000e+00 : f32
    %broadcast_in_dim3A_1362 = vector.shape_cast %div3A_1357 : vector<64x1xf32> to vector<64x1xf32>
    %broadcast_in_dim3A_1363 = vector.broadcast %broadcast_in_dim3A_1362 : vector<64x1xf32> to vector<64x64xf32>
    %broadcast_in_dim3A_1364 = vector.broadcast %jit3A_1361 : f32 to vector<64x64xf32>
    %select_n3A_1365 = arith.select %eq3A_1360, %broadcast_in_dim3A_1363, %broadcast_in_dim3A_1364 : vector<64x64xi1>, vector<64x64xf32>
    %reduce_sum3A_1366 = arith.constant dense<0.000000e+00> : vector<64xf32>
    %reduce_sum3A_1367 = vector.multi_reduction <add>, %select_n3A_1365, %reduce_sum3A_1366 [0] : vector<64x64xf32> to vector<64xf32>
    %broadcast_in_dim3A_1368 = vector.shape_cast %reduce_sum3A_1367 : vector<64xf32> to vector<1x64xf32>
    %iota3A_1369 = tpu.iota {dimensions = array<i32: 0>} : vector<64x64xi32>
    %iota3A_1370 = tpu.iota {dimensions = array<i32: 1>} : vector<64x64xi32>
    %gt3A_1371 = vector.broadcast %div3A_1357 : vector<64x1xf32> to vector<64x64xf32>
    %gt3A_1372 = vector.broadcast %broadcast_in_dim3A_1368 : vector<1x64xf32> to vector<64x64xf32>
    %gt3A_1373 = arith.cmpf ogt, %gt3A_1371, %gt3A_1372 : vector<64x64xf32>
    %eq3A_1374 = vector.broadcast %div3A_1357 : vector<64x1xf32> to vector<64x64xf32>
    %eq3A_1375 = vector.broadcast %broadcast_in_dim3A_1368 : vector<1x64xf32> to vector<64x64xf32>
    %eq3A_1376 = arith.cmpf oeq, %eq3A_1374, %eq3A_1375 : vector<64x64xf32>
    %lt3A_1377 = arith.cmpi slt, %iota3A_1369, %iota3A_1370 : vector<64x64xi32>
    %and3A_1378 = arith.andi %eq3A_1376, %lt3A_1377 : vector<64x64xi1>
    %or3A_1379 = arith.ori %gt3A_1373, %and3A_1378 : vector<64x64xi1>
    %convert_element_type3A_1380 = arith.extui %or3A_1379 : vector<64x64xi1> to vector<64x64xi32>
    %reduce_sum3A_1381 = arith.constant dense<0> : vector<64xi32>
    %reduce_sum3A_1382 = vector.multi_reduction <add>, %convert_element_type3A_1380, %reduce_sum3A_1381 [0] : vector<64x64xi32> to vector<64xi32>
    %broadcast_in_dim3A_1383 = vector.shape_cast %reduce_sum3A_1382 : vector<64xi32> to vector<1x64xi32>
    %jit3A_1384 = arith.constant 8 : i32
    %div3A_1385 = vector.broadcast %jit3A_1384 : i32 to vector<1x64xi32>
    %div3A_1386 = arith.divsi %broadcast_in_dim3A_1383, %div3A_1385 : vector<1x64xi32>
    %sign3A_1387 = arith.constant 0 : i32
    %sign3A_1388 = vector.broadcast %sign3A_1387 : i32 to vector<1x64xi32>
    %sign3A_1389 = arith.cmpi sgt, %broadcast_in_dim3A_1383, %sign3A_1388 : vector<1x64xi32>
    %sign3A_1390 = arith.extui %sign3A_1389 : vector<1x64xi1> to vector<1x64xi32>
    %sign3A_1391 = arith.constant 0 : i32
    %sign3A_1392 = vector.broadcast %sign3A_1391 : i32 to vector<1x64xi32>
    %sign3A_1393 = arith.cmpi slt, %broadcast_in_dim3A_1383, %sign3A_1392 : vector<1x64xi32>
    %sign3A_1394 = arith.extui %sign3A_1393 : vector<1x64xi1> to vector<1x64xi32>
    %sign3A_1395 = arith.subi %sign3A_1390, %sign3A_1394 : vector<1x64xi32>
    %sign3A_1396 = arith.constant 0 : i32
    %sign3A_1397 = arith.cmpi sgt, %jit3A_1384, %sign3A_1396 : i32
    %sign3A_1398 = arith.extui %sign3A_1397 : i1 to i32
    %sign3A_1399 = arith.constant 0 : i32
    %sign3A_1400 = arith.cmpi slt, %jit3A_1384, %sign3A_1399 : i32
    %sign3A_1401 = arith.extui %sign3A_1400 : i1 to i32
    %sign3A_1402 = arith.subi %sign3A_1398, %sign3A_1401 : i32
    %ne3A_1403 = vector.broadcast %sign3A_1402 : i32 to vector<1x64xi32>
    %ne3A_1404 = arith.cmpi ne, %sign3A_1395, %ne3A_1403 : vector<1x64xi32>
    %rem3A_1405 = vector.broadcast %jit3A_1384 : i32 to vector<1x64xi32>
    %rem3A_1406 = arith.remsi %broadcast_in_dim3A_1383, %rem3A_1405 : vector<1x64xi32>
    %ne3A_1407 = arith.constant 0 : i32
    %ne3A_1408 = vector.broadcast %ne3A_1407 : i32 to vector<1x64xi32>
    %ne3A_1409 = arith.cmpi ne, %rem3A_1406, %ne3A_1408 : vector<1x64xi32>
    %and3A_1410 = arith.andi %ne3A_1404, %ne3A_1409 : vector<1x64xi1>
    %sub3A_1411 = arith.constant 1 : i32
    %sub3A_1412 = vector.broadcast %sub3A_1411 : i32 to vector<1x64xi32>
    %sub3A_1413 = arith.subi %div3A_1386, %sub3A_1412 : vector<1x64xi32>
    %select_n3A_1414 = arith.select %and3A_1410, %sub3A_1413, %div3A_1386 : vector<1x64xi1>, vector<1x64xi32>
    %iota3A_1415 = tpu.iota {dimensions = array<i32: 0>} : vector<8x1xi32>
    %eq3A_1416 = vector.broadcast %select_n3A_1414 : vector<1x64xi32> to vector<8x64xi32>
    %eq3A_1417 = vector.broadcast %iota3A_1415 : vector<8x1xi32> to vector<8x64xi32>
    %eq3A_1418 = arith.cmpi eq, %eq3A_1416, %eq3A_1417 : vector<8x64xi32>
    %convert_element_type3A_1419 = arith.extui %eq3A_1418 : vector<8x64xi1> to vector<8x64xi32>
    %convert_element_type3A_1420 = arith.sitofp %convert_element_type3A_1419 : vector<8x64xi32> to vector<8x64xf32>
    %dot_general3A_1421 = arith.constant dense<0.000000e+00> : vector<8x64xf32>
    %dot_general3A_1422 = tpu.matmul %convert_element_type3A_1420, %div3A_1340, %dot_general3A_1421 {dimension_numbers = #tpu.dot_dimension_numbers<[1], [0], [0], [1], [0, 0, 1, 1], [], []>, transpose_lhs_hint = false} : vector<8x64xf32>, vector<64x64xf32>, vector<8x64xf32> -> vector<8x64xf32>
    %mul3A_1423 = arith.constant 1.250000e-01 : f32
    %mul3A_1424 = vector.broadcast %mul3A_1423 : f32 to vector<8x64xf32>
    %mul3A_1425 = arith.mulf %dot_general3A_1422, %mul3A_1424 : vector<8x64xf32>
    %slice3A_1426 = vector.extract_strided_slice %add3A {offsets = [960, 0], sizes = [64, 64], strides = [1, 1]} : vector<1024x64xf32> to vector<64x64xf32>
    %get3A_1427 = arith.constant 15 : index
    %get3A_1428 = arith.constant 0 : index
    %get3A_1429 = arith.constant 0 : index
    %get3A_1430 = vector.load %arg1[%get3A_1427, %get3A_1428, %get3A_1429] : memref<16x64x1xf32, #tpu.memory_space<vmem>>, vector<1x64x1xf32>
    %get3A_1431 = vector.shape_cast %get3A_1430 : vector<1x64x1xf32> to vector<64x1xf32>
    %max3A_1432 = arith.constant 1.000000e+00 : f32
    %max3A_1433 = vector.broadcast %max3A_1432 : f32 to vector<64x1xf32>
    %max3A_1434 = arith.maximumf %get3A_1431, %max3A_1433 : vector<64x1xf32>
    %div3A_1435 = vector.broadcast %max3A_1434 : vector<64x1xf32> to vector<64x64xf32>
    %div3A_1436 = arith.divf %slice3A_1426, %div3A_1435 : vector<64x64xf32>
    %reduce_sum3A_1437 = arith.constant dense<0.000000e+00> : vector<64xf32>
    %reduce_sum3A_1438 = vector.multi_reduction <add>, %div3A_1436, %reduce_sum3A_1437 [1] : vector<64x64xf32> to vector<64xf32>
    %broadcast_in_dim3A_1439 = vector.shape_cast %reduce_sum3A_1438 : vector<64xf32> to vector<64x1xf32>
    %mul3A_1440 = arith.mulf %div3A_1436, %div3A_1436 : vector<64x64xf32>
    %reduce_sum3A_1441 = arith.constant dense<0.000000e+00> : vector<64xf32>
    %reduce_sum3A_1442 = vector.multi_reduction <add>, %mul3A_1440, %reduce_sum3A_1441 [1] : vector<64x64xf32> to vector<64xf32>
    %broadcast_in_dim3A_1443 = vector.shape_cast %reduce_sum3A_1442 : vector<64xf32> to vector<64x1xf32>
    %mul3A_1444 = arith.mulf %broadcast_in_dim3A_1439, %broadcast_in_dim3A_1439 : vector<64x1xf32>
    %div3A_1445 = arith.constant 6.400000e+01 : f32
    %div3A_1446 = vector.broadcast %div3A_1445 : f32 to vector<64x1xf32>
    %div3A_1447 = arith.divf %mul3A_1444, %div3A_1446 : vector<64x1xf32>
    %sub3A_1448 = arith.subf %broadcast_in_dim3A_1443, %div3A_1447 : vector<64x1xf32>
    %sub3A_1449 = arith.constant 6.400000e+01 : f32
    %sub3A_1450 = arith.constant 1.000000e+00 : f32
    %sub3A_1451 = arith.subf %sub3A_1449, %sub3A_1450 : f32
    %div3A_1452 = vector.broadcast %sub3A_1451 : f32 to vector<64x1xf32>
    %div3A_1453 = arith.divf %sub3A_1448, %div3A_1452 : vector<64x1xf32>
    %iota3A_1454 = tpu.iota {dimensions = array<i32: 0>} : vector<64x64xi32>
    %iota3A_1455 = tpu.iota {dimensions = array<i32: 1>} : vector<64x64xi32>
    %eq3A_1456 = arith.cmpi eq, %iota3A_1454, %iota3A_1455 : vector<64x64xi32>
    %jit3A_1457 = arith.constant 0.000000e+00 : f32
    %broadcast_in_dim3A_1458 = vector.shape_cast %div3A_1453 : vector<64x1xf32> to vector<64x1xf32>
    %broadcast_in_dim3A_1459 = vector.broadcast %broadcast_in_dim3A_1458 : vector<64x1xf32> to vector<64x64xf32>
    %broadcast_in_dim3A_1460 = vector.broadcast %jit3A_1457 : f32 to vector<64x64xf32>
    %select_n3A_1461 = arith.select %eq3A_1456, %broadcast_in_dim3A_1459, %broadcast_in_dim3A_1460 : vector<64x64xi1>, vector<64x64xf32>
    %reduce_sum3A_1462 = arith.constant dense<0.000000e+00> : vector<64xf32>
    %reduce_sum3A_1463 = vector.multi_reduction <add>, %select_n3A_1461, %reduce_sum3A_1462 [0] : vector<64x64xf32> to vector<64xf32>
    %broadcast_in_dim3A_1464 = vector.shape_cast %reduce_sum3A_1463 : vector<64xf32> to vector<1x64xf32>
    %iota3A_1465 = tpu.iota {dimensions = array<i32: 0>} : vector<64x64xi32>
    %iota3A_1466 = tpu.iota {dimensions = array<i32: 1>} : vector<64x64xi32>
    %gt3A_1467 = vector.broadcast %div3A_1453 : vector<64x1xf32> to vector<64x64xf32>
    %gt3A_1468 = vector.broadcast %broadcast_in_dim3A_1464 : vector<1x64xf32> to vector<64x64xf32>
    %gt3A_1469 = arith.cmpf ogt, %gt3A_1467, %gt3A_1468 : vector<64x64xf32>
    %eq3A_1470 = vector.broadcast %div3A_1453 : vector<64x1xf32> to vector<64x64xf32>
    %eq3A_1471 = vector.broadcast %broadcast_in_dim3A_1464 : vector<1x64xf32> to vector<64x64xf32>
    %eq3A_1472 = arith.cmpf oeq, %eq3A_1470, %eq3A_1471 : vector<64x64xf32>
    %lt3A_1473 = arith.cmpi slt, %iota3A_1465, %iota3A_1466 : vector<64x64xi32>
    %and3A_1474 = arith.andi %eq3A_1472, %lt3A_1473 : vector<64x64xi1>
    %or3A_1475 = arith.ori %gt3A_1469, %and3A_1474 : vector<64x64xi1>
    %convert_element_type3A_1476 = arith.extui %or3A_1475 : vector<64x64xi1> to vector<64x64xi32>
    %reduce_sum3A_1477 = arith.constant dense<0> : vector<64xi32>
    %reduce_sum3A_1478 = vector.multi_reduction <add>, %convert_element_type3A_1476, %reduce_sum3A_1477 [0] : vector<64x64xi32> to vector<64xi32>
    %broadcast_in_dim3A_1479 = vector.shape_cast %reduce_sum3A_1478 : vector<64xi32> to vector<1x64xi32>
    %jit3A_1480 = arith.constant 8 : i32
    %div3A_1481 = vector.broadcast %jit3A_1480 : i32 to vector<1x64xi32>
    %div3A_1482 = arith.divsi %broadcast_in_dim3A_1479, %div3A_1481 : vector<1x64xi32>
    %sign3A_1483 = arith.constant 0 : i32
    %sign3A_1484 = vector.broadcast %sign3A_1483 : i32 to vector<1x64xi32>
    %sign3A_1485 = arith.cmpi sgt, %broadcast_in_dim3A_1479, %sign3A_1484 : vector<1x64xi32>
    %sign3A_1486 = arith.extui %sign3A_1485 : vector<1x64xi1> to vector<1x64xi32>
    %sign3A_1487 = arith.constant 0 : i32
    %sign3A_1488 = vector.broadcast %sign3A_1487 : i32 to vector<1x64xi32>
    %sign3A_1489 = arith.cmpi slt, %broadcast_in_dim3A_1479, %sign3A_1488 : vector<1x64xi32>
    %sign3A_1490 = arith.extui %sign3A_1489 : vector<1x64xi1> to vector<1x64xi32>
    %sign3A_1491 = arith.subi %sign3A_1486, %sign3A_1490 : vector<1x64xi32>
    %sign3A_1492 = arith.constant 0 : i32
    %sign3A_1493 = arith.cmpi sgt, %jit3A_1480, %sign3A_1492 : i32
    %sign3A_1494 = arith.extui %sign3A_1493 : i1 to i32
    %sign3A_1495 = arith.constant 0 : i32
    %sign3A_1496 = arith.cmpi slt, %jit3A_1480, %sign3A_1495 : i32
    %sign3A_1497 = arith.extui %sign3A_1496 : i1 to i32
    %sign3A_1498 = arith.subi %sign3A_1494, %sign3A_1497 : i32
    %ne3A_1499 = vector.broadcast %sign3A_1498 : i32 to vector<1x64xi32>
    %ne3A_1500 = arith.cmpi ne, %sign3A_1491, %ne3A_1499 : vector<1x64xi32>
    %rem3A_1501 = vector.broadcast %jit3A_1480 : i32 to vector<1x64xi32>
    %rem3A_1502 = arith.remsi %broadcast_in_dim3A_1479, %rem3A_1501 : vector<1x64xi32>
    %ne3A_1503 = arith.constant 0 : i32
    %ne3A_1504 = vector.broadcast %ne3A_1503 : i32 to vector<1x64xi32>
    %ne3A_1505 = arith.cmpi ne, %rem3A_1502, %ne3A_1504 : vector<1x64xi32>
    %and3A_1506 = arith.andi %ne3A_1500, %ne3A_1505 : vector<1x64xi1>
    %sub3A_1507 = arith.constant 1 : i32
    %sub3A_1508 = vector.broadcast %sub3A_1507 : i32 to vector<1x64xi32>
    %sub3A_1509 = arith.subi %div3A_1482, %sub3A_1508 : vector<1x64xi32>
    %select_n3A_1510 = arith.select %and3A_1506, %sub3A_1509, %div3A_1482 : vector<1x64xi1>, vector<1x64xi32>
    %iota3A_1511 = tpu.iota {dimensions = array<i32: 0>} : vector<8x1xi32>
    %eq3A_1512 = vector.broadcast %select_n3A_1510 : vector<1x64xi32> to vector<8x64xi32>
    %eq3A_1513 = vector.broadcast %iota3A_1511 : vector<8x1xi32> to vector<8x64xi32>
    %eq3A_1514 = arith.cmpi eq, %eq3A_1512, %eq3A_1513 : vector<8x64xi32>
    %convert_element_type3A_1515 = arith.extui %eq3A_1514 : vector<8x64xi1> to vector<8x64xi32>
    %convert_element_type3A_1516 = arith.sitofp %convert_element_type3A_1515 : vector<8x64xi32> to vector<8x64xf32>
    %dot_general3A_1517 = arith.constant dense<0.000000e+00> : vector<8x64xf32>
    %dot_general3A_1518 = tpu.matmul %convert_element_type3A_1516, %div3A_1436, %dot_general3A_1517 {dimension_numbers = #tpu.dot_dimension_numbers<[1], [0], [0], [1], [0, 0, 1, 1], [], []>, transpose_lhs_hint = false} : vector<8x64xf32>, vector<64x64xf32>, vector<8x64xf32> -> vector<8x64xf32>
    %mul3A_1519 = arith.constant 1.250000e-01 : f32
    %mul3A_1520 = vector.broadcast %mul3A_1519 : f32 to vector<8x64xf32>
    %mul3A_1521 = arith.mulf %dot_general3A_1518, %mul3A_1520 : vector<8x64xf32>
    %concatenate3A = tpu.concatenate %mul3A_81, %mul3A_177, %mul3A_273, %mul3A_369, %mul3A_465, %mul3A_561, %mul3A_657, %mul3A_753, %mul3A_849, %mul3A_945, %mul3A_1041, %mul3A_1137, %mul3A_1233, %mul3A_1329, %mul3A_1425, %mul3A_1521 in 0 : vector<8x64xf32>, vector<8x64xf32>, vector<8x64xf32>, vector<8x64xf32>, vector<8x64xf32>, vector<8x64xf32>, vector<8x64xf32>, vector<8x64xf32>, vector<8x64xf32>, vector<8x64xf32>, vector<8x64xf32>, vector<8x64xf32>, vector<8x64xf32>, vector<8x64xf32>, vector<8x64xf32>, vector<8x64xf32> -> vector<128x64xf32>
    %mul3A_1522 = arith.mulf %concatenate3A, %concatenate3A : vector<128x64xf32>
    %reduce_sum3A_1523 = arith.constant dense<0.000000e+00> : vector<128xf32>
    %reduce_sum3A_1524 = vector.multi_reduction <add>, %mul3A_1522, %reduce_sum3A_1523 [1] : vector<128x64xf32> to vector<128xf32>
    %broadcast_in_dim3A_1525 = vector.shape_cast %reduce_sum3A_1524 : vector<128xf32> to vector<128x1xf32>
    %sqrt3A = math.sqrt %broadcast_in_dim3A_1525 : vector<128x1xf32>
    %iota3A_1526 = tpu.iota {dimensions = array<i32: 0>} : vector<128x128xi32>
    %iota3A_1527 = tpu.iota {dimensions = array<i32: 1>} : vector<128x128xi32>
    %eq3A_1528 = arith.cmpi eq, %iota3A_1526, %iota3A_1527 : vector<128x128xi32>
    %jit3A_1529 = arith.constant 0.000000e+00 : f32
    %broadcast_in_dim3A_1530 = vector.shape_cast %sqrt3A : vector<128x1xf32> to vector<128x1xf32>
    %broadcast_in_dim3A_1531 = vector.broadcast %broadcast_in_dim3A_1530 : vector<128x1xf32> to vector<128x128xf32>
    %broadcast_in_dim3A_1532 = vector.broadcast %jit3A_1529 : f32 to vector<128x128xf32>
    %select_n3A_1533 = arith.select %eq3A_1528, %broadcast_in_dim3A_1531, %broadcast_in_dim3A_1532 : vector<128x128xi1>, vector<128x128xf32>
    %reduce_sum3A_1534 = arith.constant dense<0.000000e+00> : vector<128xf32>
    %reduce_sum3A_1535 = vector.multi_reduction <add>, %select_n3A_1533, %reduce_sum3A_1534 [0] : vector<128x128xf32> to vector<128xf32>
    %broadcast_in_dim3A_1536 = vector.shape_cast %reduce_sum3A_1535 : vector<128xf32> to vector<1x128xf32>
    %dot_general3A_1537 = arith.constant dense<0.000000e+00> : vector<128x128xf32>
    %dot_general3A_1538 = tpu.matmul %concatenate3A, %concatenate3A, %dot_general3A_1537 {dimension_numbers = #tpu.dot_dimension_numbers<[1], [1], [0], [0], [0, 0, 1, 0], [], []>, transpose_lhs_hint = false} : vector<128x64xf32>, vector<128x64xf32>, vector<128x128xf32> -> vector<128x128xf32>
    %mul3A_1539 = vector.broadcast %sqrt3A : vector<128x1xf32> to vector<128x128xf32>
    %mul3A_1540 = vector.broadcast %broadcast_in_dim3A_1536 : vector<1x128xf32> to vector<128x128xf32>
    %mul3A_1541 = arith.mulf %mul3A_1539, %mul3A_1540 : vector<128x128xf32>
    %max3A_1542 = arith.constant 9.99999993E-9 : f32
    %max3A_1543 = vector.broadcast %max3A_1542 : f32 to vector<128x128xf32>
    %max3A_1544 = arith.maximumf %mul3A_1541, %max3A_1543 : vector<128x128xf32>
    %div3A_1545 = arith.divf %dot_general3A_1538, %max3A_1544 : vector<128x128xf32>
    %mul3A_1546 = arith.constant 2.000000e+00 : f32
    %mul3A_1547 = vector.broadcast %mul3A_1546 : f32 to vector<128x128xf32>
    %mul3A_1548 = arith.mulf %div3A_1545, %mul3A_1547 : vector<128x128xf32>
    %convert_element_type3A_1549 = arith.extui %eq3A_1528 : vector<128x128xi1> to vector<128x128xi32>
    %convert_element_type3A_1550 = arith.sitofp %convert_element_type3A_1549 : vector<128x128xi32> to vector<128x128xf32>
    %max3A_1551 = arith.constant 0.000000e+00 : f32
    %max3A_1552 = vector.broadcast %max3A_1551 : f32 to vector<128x128xf32>
    %max3A_1553 = arith.maximumf %mul3A_1548, %max3A_1552 : vector<128x128xf32>
    %mul3A_1554 = arith.mulf %mul3A_1548, %convert_element_type3A_1550 : vector<128x128xf32>
    %sub3A_1555 = arith.subf %max3A_1553, %mul3A_1554 : vector<128x128xf32>
    %abs3A = math.absf %mul3A_1548 : vector<128x128xf32>
    %neg3A = arith.constant 0.000000e+00 : f32
    %neg3A_1556 = vector.broadcast %neg3A : f32 to vector<128x128xf32>
    %neg3A_1557 = arith.subf %neg3A_1556, %abs3A : vector<128x128xf32>
    %exp3A = math.exp %neg3A_1557 : vector<128x128xf32>
    %log1p3A = math.log1p %exp3A : vector<128x128xf32>
    %add3A_1558 = arith.addf %sub3A_1555, %log1p3A : vector<128x128xf32>
    %reduce_sum3A_1559 = arith.constant dense<0.000000e+00> : vector<128xf32>
    %reduce_sum3A_1560 = vector.multi_reduction <add>, %add3A_1558, %reduce_sum3A_1559 [1] : vector<128x128xf32> to vector<128xf32>
    %broadcast_in_dim3A_1561 = vector.shape_cast %reduce_sum3A_1560 : vector<128xf32> to vector<128x1xf32>
    %reduce_sum3A_1562 = arith.constant dense<0.000000e+00> : vector<1xf32>
    %reduce_sum3A_1563 = vector.multi_reduction <add>, %broadcast_in_dim3A_1561, %reduce_sum3A_1562 [0] : vector<128x1xf32> to vector<1xf32>
    %broadcast_in_dim3A_1564 = vector.shape_cast %reduce_sum3A_1563 : vector<1xf32> to vector<1x1xf32>
    %mul3A_1565 = arith.constant 6.10351563E-5 : f32
    %mul3A_1566 = vector.broadcast %mul3A_1565 : f32 to vector<1x1xf32>
    %mul3A_1567 = arith.mulf %broadcast_in_dim3A_1564, %mul3A_1566 : vector<1x1xf32>
    %swap3A = arith.constant 0 : index
    %swap3A_1568 = arith.constant 0 : index
    %swap3A_1569 = vector.load %arg2[%swap3A, %swap3A_1568] : memref<1x1xf32, #tpu.memory_space<vmem>>, vector<1x1xf32>
    tpu.vector_store %arg2[%swap3A, %swap3A_1568], %mul3A_1567 {strides = array<i32>} : memref<1x1xf32, #tpu.memory_space<vmem>>, vector<1x1xf32>,
    return
  }
}

</mosaic_0001>

<sc_bundles>
// kernel: kernel.6.cloned.1.call-start
scs
__scs_entry_jumppad:
0x0: {  	(pc) =	sbr.rel $0x88, $3  }
0x1: {  	(tag) =	ssettag $0x0;
	lr =	simm.s32 $0x1  }
0x2: {  	[smem:$0x3F9E] =	sst lr;
	_ =	strace $0xD0000000  }
0x3: {  	_ = 	snop  }
0x4: {  	_ = 	snop  }
0x5: {  	_ = 	snop  }
0x6: {  	_ = 	snop  }
0x7: {  	_ = 	snop  }
__scs_overlays_trampoline_lowered:
0x8: {  	[smem:$0x3FAD] =	sst s0  }
0x9: {  	[smem:$0x3FAE] =	sst s1  }
0xa: {  	[smem:$0x3FAF] =	sst s2  }
0xb: {  	[smem:$0x3FB0] =	sst s3  }
0xc: {  	[smem:$0x3FB1] =	sst s4  }
0xd: {  	[smem:$0x3FB2] =	sst s5  }
0xe: {  	[smem:$0x3FB3] =	sst s6  }
0xf: {  	[smem:$0x3FB4] =	sst s7  }
0x10: {  	[smem:$0x3FB5] =	sst s8  }
0x11: {  	[smem:$0x3FB6] =	sst s9;
	s0 =	simm.s32 @!p0 $0x0  }
0x12: {  	s1 =	sld [smem:$0x3F9C];
	s0 =	simm.s32 @p0 $0x1  }
0x13: {  	[smem:$0x3FB7] =	sst s0;
	s0 =	simm.s32 @!p1 $0x0  }
0x14: {  	s2 =	sld [smem:$0x3F9B];
	s0 =	simm.s32 @p1 $0x1  }
0x15: {  	[smem:$0x3FB8] =	sst s0;
	s0 =	simm.s32 @!p2 $0x0  }
0x16: {  	s3 =	sld [smem:$0x3FDB];
	s0 =	simm.s32 @p2 $0x1  }
0x17: {  	s4 =	simm.s32 $0x1BF5;
	[smem:$0x3FBA] =	sst s0  }
0x18: {  	s0 =	sld [smem:$0x3F9D];
	_ =	swait.ge [sflag:s4], $0x0  }
0x19: {  	s7 =	sld [smem:$0x3F9E]  }
0x1a: {  	s8 =	sadd.s32 $0xFFFFE003, lr  }
0x1b: {  	s9 =	sadd.s32 $0xFFFFFEF7, lr;
	s5 =	simm.s32 $0xFFFFFFFF;
	p2 =	slt.u32 s8, $0xFFFFF086  }
0x1c: {  	p1 =	slt.u32 s9, $0xF7A;
	s5 =	simm.s32 @!p2 $0x0  }
0x1d: {  	s5 =	simm.s32 @p1 $0x1;
	p0 =	seq.s32 s7, s2  }
0x1e: {  	s7 =	smul.u32 @!p0 $0xF7A, s2;
	p2 =	seq.s32 @!p0 s5, $0x0  }
0x1f: {  	s9 =	smul.u32 $0xF7A, s1;
	s8 =	simm.s32 @!p0 $0x1BF5;
	p2 =	por !p2, p0  }
0x20: {  	[sflag:s8] =	ssyncset.s32 @!p0 $0xFFFFF086;
	s6 =	sadd.s32 @!p0 s3, s7;
	s7 =	simm.s32 @!p0 $0x108  }
0x21: {  	s3 =	sadd.s32 s3, s9;
	s6 =	sadd.s32 @!p0 $0x88, s6;
	s7 =	simm.s32 @p2 $0x1082  }
0x22: {  	[simem:s7], [sflag:s8] =	dma.local @!p0 [hbm:s6], $0xF7A  }
0x23: {  	s9 =	sor.u32 $0xD0000000, s2;
	s6 =	simm.s32 $0x108;
	_ =	swait.ge @!p0 [sflag:s8], $0x0  }
0x24: {  	s3 =	sadd.s32 $0x88, s3;
	s6 =	simm.s32 @!p1 $0x1082;
	[sflag:s4] =	ssyncset.s32 $0xFFFFF086  }
0x25: {  	[simem:s6], [sflag:s4] =	dma.local [hbm:s3], $0xF7A  }
0x26: {  	[smem:$0x3F9E] =	sst s1;
	(tag) =	ssettag s2;
	_ =	strace s9  }
0x27: {  	s1 =	sld [smem:$0x3FAE]  }
0x28: {  	s2 =	sld [smem:$0x3FAF]  }
0x29: {  	s4 =	sld [smem:$0x3FB1]  }
0x2a: {  	p0 =	seq.s32 s5, $0x0;
	s5 =	sld [smem:$0x3FB2]  }
0x2b: {  	s6 =	sld [smem:$0x3FB3]  }
0x2c: {  	s7 =	sld [smem:$0x3FB4]  }
0x2d: {  	s3 =	simm.s32 $0x108;
	s8 =	sld [smem:$0x3FB5]  }
0x2e: {  	s3 =	simm.s32 @!p0 $0x1082;
	s9 =	sld [smem:$0x3FB6]  }
0x2f: {  	lr =	sadd.s32 s0, s3;
	s0 =	sld [smem:$0x3FAD]  }
0x30: {  	s3 =	sld [smem:$0x3FB0]  }
0x31: {  	[smem:$0x3FB9] =	sst s10  }
0x32: {  	s10 =	sld [smem:$0x3FB7];
	_ =	sdelay $0x3  }
0x33: {  	p0 =	seq.s32 s10, $0x1;
	s10 =	sld [smem:$0x3FB9];
	_ =	sdelay $0x3  }
0x34: {  	[smem:$0x3FB9] =	sst s10  }
0x35: {  	s10 =	sld [smem:$0x3FB8];
	_ =	sdelay $0x3  }
0x36: {  	p1 =	seq.s32 s10, $0x1;
	s10 =	sld [smem:$0x3FB9];
	_ =	sdelay $0x3  }
0x37: {  	[smem:$0x3FB9] =	sst s10  }
0x38: {  	s10 =	sld [smem:$0x3FBA]  }
0x39: {  	_ = 	snop;
	(pc) =	sbr.ind lr, $3  }
0x3a: {  	_ = 	snop  }
0x3b: {  	_ = 	snop  }
0x3c: {  	p2 =	seq.s32 s10, $0x1;
	s10 =	sld [smem:$0x3FB9]  }
0x3d: {  	_ =	shalt  }
0x3e: {  	_ =	shalt  }
0x3f: {  	_ =	shalt  }
0x40: {  	_ =	shalt  }
0x41: {  	_ =	shalt  }
0x42: {  	_ =	shalt  }
0x43: {  	_ =	shalt  }
0x44: {  	_ =	shalt  }
0x45: {  	_ =	shalt  }
0x46: {  	_ =	shalt  }
0x47: {  	_ =	shalt  }
0x48: {  	_ =	shalt  }
0x49: {  	_ =	shalt  }
0x4a: {  	_ =	shalt  }
0x4b: {  	_ =	shalt  }
0x4c: {  	_ =	shalt  }
0x4d: {  	_ =	shalt  }
0x4e: {  	_ =	shalt  }
0x4f: {  	_ =	shalt  }
0x50: {  	_ =	shalt  }
0x51: {  	_ =	shalt  }
0x52: {  	_ =	shalt  }
0x53: {  	_ =	shalt  }
0x54: {  	_ =	shalt  }
0x55: {  	_ =	shalt  }
0x56: {  	_ =	shalt  }
0x57: {  	_ =	shalt  }
0x58: {  	_ =	shalt  }
0x59: {  	_ =	shalt  }
0x5a: {  	_ =	shalt  }
0x5b: {  	_ =	shalt  }
0x5c: {  	_ =	shalt  }
0x5d: {  	_ =	shalt  }
0x5e: {  	_ =	shalt  }
0x5f: {  	_ =	shalt  }
0x60: {  	_ =	shalt  }
0x61: {  	_ =	shalt  }
0x62: {  	_ =	shalt  }
0x63: {  	_ =	shalt  }
0x64: {  	_ =	shalt  }
0x65: {  	_ =	shalt  }
0x66: {  	_ =	shalt  }
0x67: {  	_ =	shalt  }
0x68: {  	_ =	shalt  }
0x69: {  	_ =	shalt  }
0x6a: {  	_ =	shalt  }
0x6b: {  	_ =	shalt  }
0x6c: {  	_ =	shalt  }
0x6d: {  	_ =	shalt  }
0x6e: {  	_ =	shalt  }
0x6f: {  	_ =	shalt  }
0x70: {  	_ =	shalt  }
0x71: {  	_ =	shalt  }
0x72: {  	_ =	shalt  }
0x73: {  	_ =	shalt  }
0x74: {  	_ =	shalt  }
0x75: {  	_ =	shalt  }
0x76: {  	_ =	shalt  }
0x77: {  	_ =	shalt  }
0x78: {  	_ =	shalt  }
0x79: {  	_ =	shalt  }
0x7a: {  	_ =	shalt  }
0x7b: {  	_ =	shalt  }
0x7c: {  	_ =	shalt  }
0x7d: {  	_ =	shalt  }
0x7e: {  	_ =	shalt  }
0x7f: {  	_ =	shalt  }
0x80: {  	_ =	shalt  }
0x81: {  	_ =	shalt  }
0x82: {  	_ =	shalt  }
0x83: {  	_ =	shalt  }
0x84: {  	_ =	shalt  }
0x85: {  	_ =	shalt  }
0x86: {  	_ =	shalt  }
0x87: {  	_ =	shalt  }
.Lfunc_end0:
.L_simem_size_0:
called_computation_lowered:
.L_overlay_start_0:
0x88: {  	s2 =	sld [smem:$0x3FD9]  }
0x89: {  	s3 =	sld [smem:$0x3FFE];
	_ =	sdelay $0x1  }
0x8a: {  	s1 =	srdreg.scid  }
0x8b: {  	s0 =	sand.u32 $0x1, s1  }
0x8c: {  	s16 =	sshll.u32 s0, $0xA;
	s2 =	sadd.s32 s3, s2  }
0x8d: {  	s2 =	sadd.s32 s2, s16  }
0x8e: {  	[smem:$0x3FC5] =	sst s2  }
0x8f: {  	_ = 	snop  }
0x90: {  	(tm) =	ssettm $0x1  }
0x91: {  	s17 =	sld [smem:$0x3FFB];
	_ =	sdelay $0x3  }
0x92: {  	_ =	strace s17  }
0x93: {  	s2 =	sld [smem:$0x3FFC];
	_ =	sdelay $0x3  }
0x94: {  	_ =	strace s2  }
0x95: {  	s2 =	sld [smem:$0x3FFD];
	_ =	sdelay $0x3  }
0x96: {  	_ =	strace s2  }
0x97: {  	_ =	strace $0x8FFFFFFF  }
0x98: {  	s18 =	sld [smem:$0x3FDB];
	_ =	sdelay $0x1  }
0x99: {  	s19 =	simm.s32 $_scs_section_size  }
0x9a: {  	s4 =	simm.s32 $_size__tile_overlayer_lowered;
	s5 =	simm.s32 $_tile_overlayer_lowered  }
0x9b: {  	s22 =	simm.s32 $0x1BFF;
	s21 =	sshll.u32 s5, $0x1;
	s2 =	sadd.s32 s19, s18  }
0x9c: {  	s6 =	simm.s32 $0x0;
	s20 =	sshll.u32 s4, $0x1;
	s4 =	sadd.s32 s21, s2  }
0x9d: {  	[timem:s6], [sflag:s22] =	dma.local [hbm:s4], s20  }
0x9e: {  	_ =	swait.ge [sflag:s22], s20  }
0x9f: {  	s3 =	ssub.s32 $0x0, s20;
	[sflag:s22] =	ssyncset.done $0x0  }
0xa0: {  	[sflag:s22] =	ssyncadd.s32 s3;
	_ =	sdelay $0x1  }
0xa1: {  	s23 =	simm.s32 $0x1B8B  }
0xa2: {  	_ =	swait.ge [sflag:s23], $0x1  }
0xa3: {  	[sflag:s23] =	ssyncset.done $0x0  }
0xa4: {  	s25 =	simm.s32 $0x1B8E;
	s24 =	sld [smem:$0x3FFE];
	[sflag:s23] =	ssyncadd.s32 $0xFFFFFFFF  }
0xa5: {  	s26 =	simm.s32 $execute0_lowered;
	[smem:$0x3FD2] =	sst s25  }
0xa6: {  	s4 =	sshll.u32 s26, $0x1;
	_ =	strace $0x80000046;
	[dreg:$0x1] =	wrdreg $0xFFFFFFFF  }
0xa7: {  	s28 =	simm.s32 $_size_execute0_lowered;
	s2 =	sadd.s32 s2, s4;
	[dreg:$0x0] =	wrdreg $0x0  }
0xa8: {  	s4 =	sshll.u32 s28, $0x1;
	[dreg:$0x2] =	wrdreg s2  }
0xa9: {  	[dreg:$0x3] =	wrdreg s4  }
0xaa: {  	[dreg:$0x4] =	wrdreg $0xC0  }
0xab: {  	_ =	task [dreg:s6], $0x5FFFF  }
0xac: {  	[dreg:$0x1] =	wrdreg $0xFFFFFFFF  }
0xad: {  	[dreg:$0x0] =	wrdreg $0x60  }
0xae: {  	[dreg:$0x2] =	wrdreg s24  }
0xaf: {  	[dreg:$0x3] =	wrdreg $0xA2000  }
0xb0: {  	[dreg:$0x4] =	wrdreg $0x9  }
0xb1: {  	_ =	task.clear_ibuf [dreg:s6], $0x5FFFF;
	_ =	strace $0x90000046  }
0xb2: {  	s29 =	simm.s32 $0x9;
	_ =	strace $0x80000048  }
0xb3: {  	_ =	swait.ge [sflag:s29], $0x1  }
0xb4: {  	[sflag:s29] =	ssyncadd.s32 $0xFFFFFFFF  }
0xb5: {  	_ =	strace $0x90000048  }
0xb6: {  	_ =	sfence  }
0xb7: {  	s30 =	sld [smem:$0x0];
	_ =	sdelay $0x2  }
0xb8: {  	s31 =	sshll.u32 s1, $0xD;
	s1 =	sshrl.u32 s1, $0x2  }
0xb9: {  	s3 =	sand.u32 $0x4000, s31;
	s1 =	sadd.s32 s1, s30  }
0xba: {  	s0 =	sor.u32 s3, s0;
	s1 =	sshll.u32 s1, $0x11  }
0xbb: {  	s0 =	sor.u32 s1, s0  }
0xbc: {  	s0 =	sadd.s32 $0x8F2B, s0  }
0xbd: {  	[sflag:s0] =	ssyncadd.remote.s32 $0x1  }
0xbe: {  	_ =	sfence.sel $0xFFFF  }
0xbf: {  	[dreg:$0x0] =	wrdreg $0xFFFFFFFF;
	(pc) =	sbr.abs _section_cstart, $3  }
0xc0: {  	[dreg:$0x1] =	wrdreg $0xFFFFFFFF  }
0xc1: {  	_ =	task.clear_ibuf [dreg:s6], $0x2FFFF;
	_ =	strace $0x9FFFFFFF  }
0xc2: {  	(tm) =	ssettm $0x7FFFFFFF  }
0xc3: {  	_ =	shalt  }
tec
execute0_lowered:
.L_overlay_start_1:
0x0: {  	(tag) =	ssettag $0x1  }
0x1: {  	s1 =	srdreg.scid;
	s6 =	rddreg [dreg:$0x0]  }
0x2: {  	s0 =	stileid.u32;
	s2 =	rddreg [dreg:$0x1];
	s3 =	simm.s32 $0x0  }
0x3: {  	s16 =	simm.s32 $0x1;
	s17 =	simm.s32 $0xA000;
	s4 =	smul.u32 $0x138800, s0  }
0x4: {  	s18 =	simm.s32 $0xA080;
	s19 =	simm.s32 $0xA100;
	s8 =	smul.u32 $0x5000, s0  }
0x5: {  	s20 =	simm.s32 $0xA180;
	s21 =	simm.s32 $0x80;
	s26 =	smul.u32 $0x2400, s0  }
0x6: {  	s22 =	simm.s32 $0x2000;
	s5 =	sand.u32 $0x1, s1;
	s29 =	smul.u32 $0x9000, s0  }
0x7: {  	s23 =	simm.s32 $0x4000;
	s1 =	rddreg [dreg:$0x2];
	s7 =	smul.u32 $0x9C400, s5  }
0x8: {  	s24 =	simm.s32 $0x6000;
	[smem:$0x7FF] =	sst s3;
	s9 =	smul.u32 $0x2800, s5  }
0x9: {  	s31 =	sshll.u32 s0, $0x6;
	s25 =	smul.u32 $0x24000, s5;
	s5 =	ssub.s32 $0x2, s5  }
0xa: {  	_ =	strace $0x80000047;
	s30 =	sshrl.u32 s5, $0x1;
	s4 =	sadd.s32 s7, s4  }
0xb: {  	s8 =	sadd.s32 s9, s8;
	s7 =	sadd.s32 s26, s25;
	s25 =	simm.s32 $0x0  }
0xc: {  	s4 =	sshrl.u32 s4, $0x3;
	s28 =	sshrl.u32 s8, $0x3;
	s7 =	sshrl.u32 s7, $0x3  }
0xd: {  	s8 =	sshrl.u32 s29, $0x2;
	s14 =	sadd.s32 s4, s6;
	s13 =	sadd.s32 s28, s6  }
0xe: {  	s4 =	sadd.s32 $0xAC00, s6;
	s6 =	sadd.s32 s7, s6;
	s7 =	ssub.s32 s5, s30  }
0xf: {  	s15 =	sadd.s32 s8, s2;
	s5 =	sor.u32 $0x1C01, s31;
	s6 =	sadd.s32 $0xB200, s6  }
0x10: {  	s7 =	smax.u32 s7, $0x1;
	s8 =	sadd.s32 $0x284480, s14;
	s9 =	sadd.s32 $0x10C0, s13  }
0x11: {  	s10 =	sadd.s32 $0x10D0, s13;
	s11 =	sadd.s32 $0x10E0, s13;
	s12 =	sadd.s32 $0x10F0, s13  }
0x12: {  	s13 =	sadd.s32 $0xC00, s13;
	s14 =	sadd.s32 $0x271C00, s14;
	s15 =	sshrl.u32 s15, $0x3  }
.LBB2_1:
0x13: {  	[spmem:s15], [sflag:s5] =	dma.local [hbm:s4], $0x480  }
0x14: {  	_ =	swait.ge [sflag:s16], $0x480  }
0x15: {  	[sflag:s16] =	ssyncset.done $0x0  }
0x16: {  	[sflag:s16] =	ssyncadd.s32 $0xFFFFFB80  }
0x17: {  	[bflag:$0x0] =	sbarrier.arrive $0xFFFF  }
0x18: {  	[tilespmem:s3], [sflag:$0x1] =	stream.linear.gather [hbm4b:s14+s3], $0x8000, $0x38;
	[tilespmem:$0xB400] =	vst v63  }
0x19: {  	_ =	swait.ge [sflag:s16], $0x8000  }
0x1a: {  	[sflag:s16] =	ssyncset.done $0x0  }
0x1b: {  	s26 =	sadd.s32 $0x0, s13;
	[sflag:s16] =	ssyncadd.s32 $0xFFFF8000  }
0x1c: {  	[tilespmem:s17], [sflag:$0x1] =	stream.linear.gather [hbm4b:s26+s3], $0x80, $0x38;
	[tilespmem:$0xB400] =	vst v63  }
0x1d: {  	_ =	swait.ge [sflag:s16], $0x80  }
0x1e: {  	[sflag:s16] =	ssyncset.done $0x0  }
0x1f: {  	s28 =	sadd.s32 $0x10, s26;
	[sflag:s16] =	ssyncadd.s32 $0xFFFFFF80  }
0x20: {  	[tilespmem:s18], [sflag:$0x1] =	stream.linear.gather [hbm4b:s28+s3], $0x80, $0x38;
	[tilespmem:$0xB400] =	vst v63  }
0x21: {  	_ =	swait.ge [sflag:s16], $0x80  }
0x22: {  	[sflag:s16] =	ssyncset.done $0x0  }
0x23: {  	s28 =	sadd.s32 $0x20, s26;
	[sflag:s16] =	ssyncadd.s32 $0xFFFFFF80  }
0x24: {  	[tilespmem:s19], [sflag:$0x1] =	stream.linear.gather [hbm4b:s28+s3], $0x80, $0x38;
	[tilespmem:$0xB400] =	vst v63  }
0x25: {  	_ =	swait.ge [sflag:s16], $0x80  }
0x26: {  	[sflag:s16] =	ssyncset.done $0x0  }
0x27: {  	s26 =	sadd.s32 $0x30, s26;
	[sflag:s16] =	ssyncadd.s32 $0xFFFFFF80  }
0x28: {  	[tilespmem:s20], [sflag:$0x1] =	stream.linear.gather [hbm4b:s26+s3], $0x80, $0x38;
	[tilespmem:$0xB400] =	vst v63  }
0x29: {  	_ =	swait.ge [sflag:s16], $0x80  }
0x2a: {  	[sflag:s16] =	ssyncset.done $0x0  }
0x2b: {  	[sflag:s16] =	ssyncadd.s32 $0xFFFFFF80  }
0x2c: {  	[spmem:s2] =	stream.indirect.scatter.add.f32 [tilespmem:s3], [sflag:$0x1], $0x40, s17, s21, $0xb8;
	[tilespmem:$0xB400] =	vst v63  }
0x2d: {  	_ =	swait.ge [sflag:s16], $0x2000  }
0x2e: {  	[sflag:s16] =	ssyncset.done $0x0  }
0x2f: {  	[sflag:s16] =	ssyncadd.s32 $0xFFFFE000  }
0x30: {  	[spmem:s2] =	stream.indirect.scatter.add.f32 [tilespmem:s22], [sflag:$0x1], $0x40, s18, s21, $0xb8;
	[tilespmem:$0xB400] =	vst v63  }
0x31: {  	_ =	swait.ge [sflag:s16], $0x2000  }
0x32: {  	[sflag:s16] =	ssyncset.done $0x0  }
0x33: {  	[sflag:s16] =	ssyncadd.s32 $0xFFFFE000  }
0x34: {  	[spmem:s2] =	stream.indirect.scatter.add.f32 [tilespmem:s23], [sflag:$0x1], $0x40, s19, s21, $0xb8;
	[tilespmem:$0xB400] =	vst v63  }
0x35: {  	_ =	swait.ge [sflag:s16], $0x2000  }
0x36: {  	[sflag:s16] =	ssyncset.done $0x0  }
0x37: {  	[sflag:s16] =	ssyncadd.s32 $0xFFFFE000  }
0x38: {  	[spmem:s2] =	stream.indirect.scatter.add.f32 [tilespmem:s24], [sflag:$0x1], $0x40, s20, s21, $0xb8;
	[tilespmem:$0xB400] =	vst v63  }
0x39: {  	_ =	swait.ge [sflag:s16], $0x2000  }
0x3a: {  	s28 =	smov.u32 s14;
	s26 =	simm.s32 $0x40;
	[sflag:s16] =	ssyncset.done $0x0  }
.LBB2_2:
0x3b: {  	p0 =	sne.s32 s26, $0x480;
	[sflag:s16] =	ssyncadd.s32 $0xFFFFE000;
	s28 =	sadd.s32 $0x1000, s28  }
0x3c: {  	[tilespmem:s3], [sflag:$0x1] =	stream.linear.gather [hbm4b:s28+s3], $0x8000, $0x38;
	[tilespmem:$0xB400] =	vst v63  }
0x3d: {  	s29 =	smov.u32 s26;
	s26 =	sadd.s32 $0x40, s26;
	_ =	swait.ge [sflag:s16], $0x8000  }
0x3e: {  	[sflag:s16] =	ssyncset.done $0x0  }
0x3f: {  	s29 =	sadd.s32 s29, s13;
	[sflag:s16] =	ssyncadd.s32 $0xFFFF8000  }
0x40: {  	[tilespmem:s17], [sflag:$0x1] =	stream.linear.gather [hbm4b:s29+s3], $0x80, $0x38;
	[tilespmem:$0xB400] =	vst v63  }
0x41: {  	_ =	swait.ge [sflag:s16], $0x80  }
0x42: {  	[sflag:s16] =	ssyncset.done $0x0  }
0x43: {  	s30 =	sadd.s32 $0x10, s29;
	[sflag:s16] =	ssyncadd.s32 $0xFFFFFF80  }
0x44: {  	[tilespmem:s18], [sflag:$0x1] =	stream.linear.gather [hbm4b:s30+s3], $0x80, $0x38;
	[tilespmem:$0xB400] =	vst v63  }
0x45: {  	_ =	swait.ge [sflag:s16], $0x80  }
0x46: {  	[sflag:s16] =	ssyncset.done $0x0  }
0x47: {  	s30 =	sadd.s32 $0x20, s29;
	[sflag:s16] =	ssyncadd.s32 $0xFFFFFF80  }
0x48: {  	[tilespmem:s19], [sflag:$0x1] =	stream.linear.gather [hbm4b:s30+s3], $0x80, $0x38;
	[tilespmem:$0xB400] =	vst v63  }
0x49: {  	_ =	swait.ge [sflag:s16], $0x80  }
0x4a: {  	[sflag:s16] =	ssyncset.done $0x0  }
0x4b: {  	s29 =	sadd.s32 $0x30, s29;
	[sflag:s16] =	ssyncadd.s32 $0xFFFFFF80  }
0x4c: {  	[tilespmem:s20], [sflag:$0x1] =	stream.linear.gather [hbm4b:s29+s3], $0x80, $0x38;
	[tilespmem:$0xB400] =	vst v63  }
0x4d: {  	_ =	swait.ge [sflag:s16], $0x80  }
0x4e: {  	[sflag:s16] =	ssyncset.done $0x0  }
0x4f: {  	[sflag:s16] =	ssyncadd.s32 $0xFFFFFF80  }
0x50: {  	[spmem:s2] =	stream.indirect.scatter.add.f32 [tilespmem:s3], [sflag:$0x1], $0x40, s17, s21, $0xb8;
	[tilespmem:$0xB400] =	vst v63  }
0x51: {  	_ =	swait.ge [sflag:s16], $0x2000  }
0x52: {  	[sflag:s16] =	ssyncset.done $0x0  }
0x53: {  	[sflag:s16] =	ssyncadd.s32 $0xFFFFE000  }
0x54: {  	[spmem:s2] =	stream.indirect.scatter.add.f32 [tilespmem:s22], [sflag:$0x1], $0x40, s18, s21, $0xb8;
	[tilespmem:$0xB400] =	vst v63  }
0x55: {  	_ =	swait.ge [sflag:s16], $0x2000  }
0x56: {  	[sflag:s16] =	ssyncset.done $0x0  }
0x57: {  	[sflag:s16] =	ssyncadd.s32 $0xFFFFE000  }
0x58: {  	[spmem:s2] =	stream.indirect.scatter.add.f32 [tilespmem:s23], [sflag:$0x1], $0x40, s19, s21, $0xb8;
	[tilespmem:$0xB400] =	vst v63  }
0x59: {  	_ =	swait.ge [sflag:s16], $0x2000  }
.Ltmp0:
0x5a: {  	[sflag:s16] =	ssyncset.done $0x0;
	(pc) =	sbr.rel @p0 .LBB2_2-.Ltmp0, $4  }
0x5b: {  	[sflag:s16] =	ssyncadd.s32 $0xFFFFE000  }
0x5c: {  	[spmem:s2] =	stream.indirect.scatter.add.f32 [tilespmem:s24], [sflag:$0x1], $0x40, s20, s21, $0xb8;
	[tilespmem:$0xB400] =	vst v63  }
0x5d: {  	_ =	swait.ge [sflag:s16], $0x2000  }
0x5e: {  	[sflag:s16] =	ssyncset.done $0x0  }
0x5f: {  	[sflag:s16] =	ssyncadd.s32 $0xFFFFE000  }
0x60: {  	[tilespmem:s3], [sflag:$0x1] =	stream.linear.gather [hbm4b:s8+s3], $0x8000, $0x38;
	[tilespmem:$0xB400] =	vst v63  }
0x61: {  	_ =	swait.ge [sflag:s16], $0x8000  }
0x62: {  	[sflag:s16] =	ssyncset.done $0x0  }
0x63: {  	[sflag:s16] =	ssyncadd.s32 $0xFFFF8000  }
0x64: {  	[tilespmem:s17], [sflag:$0x1] =	stream.linear.gather [hbm4b:s9+s3], $0x80, $0x38;
	[tilespmem:$0xB400] =	vst v63  }
0x65: {  	_ =	swait.ge [sflag:s16], $0x80  }
0x66: {  	[sflag:s16] =	ssyncset.done $0x0  }
0x67: {  	[sflag:s16] =	ssyncadd.s32 $0xFFFFFF80  }
0x68: {  	[tilespmem:s18], [sflag:$0x1] =	stream.linear.gather [hbm4b:s10+s3], $0x80, $0x38;
	[tilespmem:$0xB400] =	vst v63  }
0x69: {  	_ =	swait.ge [sflag:s16], $0x80  }
0x6a: {  	[sflag:s16] =	ssyncset.done $0x0  }
0x6b: {  	[sflag:s16] =	ssyncadd.s32 $0xFFFFFF80  }
0x6c: {  	[tilespmem:s19], [sflag:$0x1] =	stream.linear.gather [hbm4b:s11+s3], $0x80, $0x38;
	[tilespmem:$0xB400] =	vst v63  }
0x6d: {  	_ =	swait.ge [sflag:s16], $0x80  }
0x6e: {  	[sflag:s16] =	ssyncset.done $0x0  }
0x6f: {  	[sflag:s16] =	ssyncadd.s32 $0xFFFFFF80  }
0x70: {  	[tilespmem:s20], [sflag:$0x1] =	stream.linear.gather [hbm4b:s12+s3], $0x80, $0x38;
	[tilespmem:$0xB400] =	vst v63  }
0x71: {  	_ =	swait.ge [sflag:s16], $0x80  }
0x72: {  	[sflag:s16] =	ssyncset.done $0x0  }
0x73: {  	[sflag:s16] =	ssyncadd.s32 $0xFFFFFF80  }
0x74: {  	[spmem:s2] =	stream.indirect.scatter.add.f32 [tilespmem:s3], [sflag:$0x1], $0x40, s17, s21, $0xb8;
	[tilespmem:$0xB400] =	vst v63  }
0x75: {  	_ =	swait.ge [sflag:s16], $0x2000  }
0x76: {  	[sflag:s16] =	ssyncset.done $0x0  }
0x77: {  	[sflag:s16] =	ssyncadd.s32 $0xFFFFE000  }
0x78: {  	[spmem:s2] =	stream.indirect.scatter.add.f32 [tilespmem:s22], [sflag:$0x1], $0x40, s18, s21, $0xb8;
	[tilespmem:$0xB400] =	vst v63  }
0x79: {  	_ =	swait.ge [sflag:s16], $0x2000  }
0x7a: {  	[sflag:s16] =	ssyncset.done $0x0  }
0x7b: {  	[sflag:s16] =	ssyncadd.s32 $0xFFFFE000  }
0x7c: {  	[spmem:s2] =	stream.indirect.scatter.add.f32 [tilespmem:s23], [sflag:$0x1], $0x40, s19, s21, $0xb8;
	[tilespmem:$0xB400] =	vst v63  }
0x7d: {  	_ =	swait.ge [sflag:s16], $0x2000  }
0x7e: {  	[sflag:s16] =	ssyncset.done $0x0  }
0x7f: {  	[sflag:s16] =	ssyncadd.s32 $0xFFFFE000  }
0x80: {  	[spmem:s2] =	stream.indirect.scatter.add.f32 [tilespmem:s24], [sflag:$0x1], $0x40, s20, s21, $0xb8;
	[tilespmem:$0xB400] =	vst v63  }
0x81: {  	_ =	swait.ge [sflag:s16], $0x2000  }
0x82: {  	s25 =	sadd.s32 $0x1, s25;
	[sflag:s16] =	ssyncset.done $0x0  }
0x83: {  	p0 =	sne.s32 s25, s7;
	[sflag:s16] =	ssyncadd.s32 $0xFFFFE000  }
.Ltmp1:
0x84: {  	[bflag:$0x0] =	sbarrier.arrive $0xFFFF;
	(pc) =	sbr.rel @p0 .LBB2_1-.Ltmp1, $4  }
0x85: {  	[hbm:s6], [sflag:s5] =	dma.local [spmem:s15], $0x480  }
0x86: {  	_ =	swait.ge [sflag:s16], $0x480  }
0x87: {  	[sflag:s16] =	ssyncset.done $0x0  }
0x88: {  	[sflag:s16] =	ssyncadd.s32 $0xFFFFFB80  }
0x89: {  	_ =	sfence.sel $0x180000  }
0x8a: {  	[bflag:$0x0] =	sbarrier.arrive $0xFFFF  }
0x8b: {  	p0 =	sne.s32 s0, $0x0;
	_ =	strace $0x90000047  }
0x8c: {  	s0 =	sadd.s32 @!p0 $0x100000, s1;
	[bflag:$0x2] =	sbarrier.arrive $0xFFFF  }
0x8d: {  	[sflag:s0] =	ssyncadd.tile.s32 @!p0 $0x1;
	_ =	shalt  }
.Lfunc_end2:
_tile_overlayer_lowered:
.L_overlay_start_2:
0x8e: {  	(tag) =	ssettag $0x2  }
0x8f: {  	s0 =	rddreg [dreg:$0x0];
	s2 =	stileid.u32  }
0x90: {  	s1 =	rddreg [dreg:$0x1];
	p0 =	sne.s32 s2, $0x0  }
0x91: {  	s3 =	rddreg [dreg:$0x2];
	[bflag:$0x3] =	sbarrier.arrive $0xFFFF;
	s2 =	simm.s32 @!p0 $0x1C01  }
0x92: {  	[timem:s3], [sflag:s2] =	dma.local @!p0 [hbm:s0], s1  }
0x93: {  	s0 =	simm.s32 @!p0 $0x1  }
0x94: {  	_ =	swait.ge @!p0 [sflag:s0], s1  }
0x95: {  	s1 =	ssub.s32 @!p0 $0x0, s1;
	[sflag:s0] =	ssyncset.done @!p0 $0x0  }
0x96: {  	[sflag:s0] =	ssyncadd.s32 @!p0 s1  }
0x97: {  	[bflag:$0x3] =	sbarrier.arrive $0xFFFF  }
0x98: {  	_ =	shalt  }

</sc_bundles>
